<compile_context>
chip_gen: v7x
topology: tpu7x:2x2x1
jax: 0.10.2.dev20260603
libtpu: 0.0.44.dev20260713+nightly
codegen_flags: <defaults>
</compile_context>

<pallas_src>
import functools

import jax
import jax.numpy as jnp
from jax import lax
from jax.experimental import pallas as pl
from jax.experimental.pallas import tpu as pltpu
from jax.experimental.pallas import tpu_sc as plsc

_LANES = 16


def _sc_run(x2d, keys, pb_flat, rows, d, n_pairs):
    info = plsc.get_sparse_core_info()
    nc, ns = info.num_cores, info.num_subcores
    nw = nc * ns
    rows_per_w = rows // nw
    k_rows = 4
    chunks = rows_per_w // k_rows
    groups = d // _LANES
    mesh = plsc.VectorSubcoreMesh(core_axis_name="c", subcore_axis_name="s")

    @functools.partial(
        pl.kernel,
        mesh=mesh,
        compiler_params=pltpu.CompilerParams(needs_layout_passes=False),
        out_type=jax.ShapeDtypeStruct((rows, d), jnp.float32),
        scratch_types=[
            pltpu.VMEM((2 * n_pairs,), jnp.int32),
            pltpu.VMEM((4 * n_pairs,), jnp.float32),
            pltpu.VMEM((d,), jnp.int32),
            pltpu.VMEM((d,), jnp.int32),
            pltpu.VMEM((d // 2,), jnp.int32),
            pltpu.VMEM((k_rows, d), jnp.float32),
            pltpu.VMEM((k_rows, d), jnp.float32),
            pltpu.VMEM((k_rows, d), jnp.float32),
            pltpu.VMEM((k_rows, d), jnp.float32),
            pltpu.SemaphoreType.DMA,
            pltpu.SemaphoreType.DMA,
            pltpu.SemaphoreType.DMA,
            pltpu.SemaphoreType.DMA,
        ],
    )
    def run(x_hbm, keys_hbm, pb_hbm, y_hbm,
            keys_v, pb_v, win_v, w1_v, go2_v,
            xb0, xb1, yb0, yb1, isem0, isem1, osem0, osem1):
        wid = lax.axis_index("s") * nc + lax.axis_index("c")
        base = wid * rows_per_w

        def in_slice(ci):
            return x_hbm.at[pl.ds(base + ci * k_rows, k_rows)]

        def out_slice(ci):
            return y_hbm.at[pl.ds(base + ci * k_rows, k_rows)]

        pltpu.async_copy(in_slice(0), xb0, isem0)
        pltpu.async_copy(in_slice(1), xb1, isem1)
        pltpu.sync_copy(keys_hbm, keys_v)
        pltpu.sync_copy(pb_hbm, pb_v)

        neg1 = jnp.full((_LANES,), -1, jnp.int32)
        lane_ids = jnp.arange(_LANES, dtype=jnp.int32)
        lane_masks = [lane_ids == l for l in range(_LANES)]

        @plsc.parallel_loop(0, groups, unroll=4)
        def init_body(g):
            win_v[pl.ds(pl.multiple_of(g * _LANES, _LANES), _LANES)] = neg1

        key_groups = (2 * n_pairs) // _LANES

        def scat_body(g, c):
            off = pl.multiple_of(g * _LANES, _LANES)
            kvec = keys_v[pl.ds(off, _LANES)]
            vals = jnp.full((_LANES,), 1, jnp.int32) * off + lane_ids
            for l in range(_LANES):
                plsc.store_scatter(win_v, [kvec], vals, mask=lane_masks[l])
            return c

        lax.fori_loop(0, key_groups, scat_body, 0)

        one_f = jnp.full((_LANES,), 1.0, jnp.float32)
        zero_f = jnp.zeros((_LANES,), jnp.float32)
        zero_i = jnp.zeros((_LANES,), jnp.int32)

        mask_hi = jnp.full((_LANES,), -65536, jnp.int32)
        round_c = jnp.full((_LANES,), 0x8000, jnp.int32)
        negone_f = jnp.full((_LANES,), -1.0, jnp.float32)

        def derive_group(g):
            off = pl.multiple_of(g * _LANES, _LANES)
            w = win_v[pl.ds(off, _LANES)]
            valid = w >= 0
            wv = jnp.where(valid, w, 0)
            slot = wv // n_pairs
            p = wv - slot * n_pairs
            dcp = plsc.load_gather(pb_v, [4 * p + 3 * slot])
            oc = plsc.load_gather(pb_v, [4 * p + 2 - slot])
            go = plsc.load_gather(keys_v, [p + n_pairs - n_pairs * slot])
            dcp = jnp.where(valid, dcp, negone_f)
            oc = jnp.where(valid, oc, zero_f)
            go = jnp.where(valid, go, zero_i)
            hi = (plsc.bitcast(dcp, jnp.int32) + round_c) & mask_hi
            lo = lax.shift_right_logical(
                plsc.bitcast(oc, jnp.int32) + round_c, 16)
            w1_v[pl.ds(off, _LANES)] = hi | lo
            return go

        @plsc.parallel_loop(0, groups // 2, unroll=2)
        def derive_body(gg):
            go_a = derive_group(2 * gg)
            go_b = derive_group(2 * gg + 1)
            off2 = pl.multiple_of(gg * _LANES, _LANES)
            go2_v[pl.ds(off2, _LANES)] = go_a | lax.shift_left(go_b, 16)

        mask_lo = jnp.full((_LANES,), 0xFFFF, jnp.int32)

        def compute(xbuf, ybuf):
            @plsc.parallel_loop(0, groups // 2, unroll=2)
            def col_body(gg):
                off2 = pl.multiple_of(gg * _LANES, _LANES)
                w2 = go2_v[pl.ds(off2, _LANES)]
                gos = (w2 & mask_lo, lax.shift_right_logical(w2, 16))
                for sub in range(2):
                    off = 2 * off2 + sub * _LANES
                    w1 = w1_v[pl.ds(off, _LANES)]
                    dcv = plsc.bitcast(w1 & mask_hi, jnp.float32) + one_f
                    ocv = plsc.bitcast(lax.shift_left(w1, 16), jnp.float32)
                    gov = gos[sub]
                    for kk in range(k_rows):
                        rowv = jnp.full((_LANES,), kk, jnp.int32)
                        xl = xbuf[kk, pl.ds(off, _LANES)]
                        xg = plsc.load_gather(xbuf, [rowv, gov])
                        ybuf[kk, pl.ds(off, _LANES)] = xl * dcv + xg * ocv

        def pair_body(i, carry):
            ci = 2 * i
            pltpu.make_async_copy(in_slice(ci), xb0, isem0).wait()

            @pl.when(i >= 1)
            def _():
                pltpu.make_async_copy(yb0, out_slice(ci - 2), osem0).wait()

            compute(xb0, yb0)
            pltpu.async_copy(yb0, out_slice(ci), osem0)

            @pl.when(ci + 2 < chunks)
            def _():
                pltpu.async_copy(in_slice(ci + 2), xb0, isem0)

            pltpu.make_async_copy(in_slice(ci + 1), xb1, isem1).wait()

            @pl.when(i >= 1)
            def _():
                pltpu.make_async_copy(yb1, out_slice(ci - 1), osem1).wait()

            compute(xb1, yb1)
            pltpu.async_copy(yb1, out_slice(ci + 1), osem1)

            @pl.when(ci + 3 < chunks)
            def _():
                pltpu.async_copy(in_slice(ci + 3), xb1, isem1)

            return carry

        lax.fori_loop(0, chunks // 2, pair_body, 0)
        pltpu.make_async_copy(yb0, out_slice(chunks - 2), osem0).wait()
        pltpu.make_async_copy(yb1, out_slice(chunks - 1), osem1).wait()

    return run(x2d, keys, pb_flat)


def kernel(x, pairs, pair_blocks):
    batch, seq, d = x.shape
    n_pairs = pairs.shape[0]
    x2d = x.reshape(batch * seq, d)
    keys = pairs.astype(jnp.int32).T.reshape(-1)
    pb_flat = pair_blocks.astype(jnp.float32).reshape(-1)
    y2d = _sc_run(x2d, keys, pb_flat, batch * seq, d, n_pairs)
    return y2d.reshape(batch, seq, d)

# --- scband reference (transcript-rebuilt; emitter-appended) ---
"""Pipeline reference for scband-coupled-pair-core-68410239090926 (READ-ONLY COPY).

The authoritative reference and input builder live on the scoring server;
editing this copy changes nothing except your own understanding.
"""

import jax, jax.numpy as jnp
import numpy as np

N_PAIRS = 2048
D_MODEL = 4096
BATCH = 2
SEQ = 4096

def setup_inputs(seed: int = 0) -> dict:
    key = jax.random.key(seed)
    k1, k2, k3 = jax.random.split(key, 3)
    x = jax.random.normal(k1, (BATCH, SEQ, D_MODEL), dtype=jnp.float32)
    # pairs buffer: set via set_support_pairs; all n_pairs active
    pairs = jax.random.randint(k2, (N_PAIRS, 2), 0, D_MODEL).astype(jnp.int64)
    # learned parameter: 2x2 block per pair (zero-init in module; small random for a nontrivial reference)
    pair_blocks = jax.random.normal(k3, (N_PAIRS, 2, 2), dtype=jnp.float32) * 0.02
    return {"x": x, "pairs": pairs, "pair_blocks": pair_blocks}

def reference(x, pairs, pair_blocks):
    # CoupledPairCore.apply_to_vector with n_active == n_pairs
    idx0 = pairs[:, 0]
    idx1 = pairs[:, 1]
    x0 = x[..., idx0]                      # gather [..., n_pairs]
    x1 = x[..., idx1]                      # gather [..., n_pairs]
    eye = jnp.eye(2, dtype=x.dtype)[None]  # [1,2,2]
    transform = pair_blocks.astype(x.dtype) + eye  # [n_pairs,2,2]
    x_in = jnp.stack([x0, x1], axis=-1)    # [..., n_pairs, 2]
    y_out = jnp.einsum('...pi,pij->...pj', x_in, transform)
    y = jnp.zeros_like(x)
    y = y.at[..., idx0].set(y_out[..., 0])  # scatter-overwrite
    y = y.at[..., idx1].set(y_out[..., 1])  # scatter-overwrite
    return y

if __name__ == "__main__":
    import jax
    _d = setup_inputs()
    print(jax.jit(kernel)(*tuple(_d.values())))

</pallas_src>

<mosaic_0001>
#map = affine_map<(d0, d1) -> (0, 0)>
#map1 = affine_map<(d0, d1) -> (0)>
module attributes {stable_mosaic.version = 14 : i64} {
  func.func @run(%arg0: i32, %arg1: i32, %arg2: memref<8192x4096xf32, #tpu.memory_space<hbm>>, %arg3: memref<4096xi32, #tpu.memory_space<hbm>>, %arg4: memref<8192xf32, #tpu.memory_space<hbm>>, %arg5: memref<8192x4096xf32, #tpu.memory_space<hbm>>, %arg6: memref<4096xi32, #tpu.memory_space<vmem>>, %arg7: memref<8192xf32, #tpu.memory_space<vmem>>, %arg8: memref<4096xi32, #tpu.memory_space<vmem>>, %arg9: memref<4096xi32, #tpu.memory_space<vmem>>, %arg10: memref<2048xi32, #tpu.memory_space<vmem>>, %arg11: memref<4x4096xf32, #tpu.memory_space<vmem>>, %arg12: memref<4x4096xf32, #tpu.memory_space<vmem>>, %arg13: memref<4x4096xf32, #tpu.memory_space<vmem>>, %arg14: memref<4x4096xf32, #tpu.memory_space<vmem>>, %arg15: memref<!tpu.dma_semaphore, #tpu.memory_space<semaphore_mem>>, %arg16: memref<!tpu.dma_semaphore, #tpu.memory_space<semaphore_mem>>, %arg17: memref<!tpu.dma_semaphore, #tpu.memory_space<semaphore_mem>>, %arg18: memref<!tpu.dma_semaphore, #tpu.memory_space<semaphore_mem>>) attributes {dimension_semantics = [#tpu.dimension_semantics<core_parallel>, #tpu.dimension_semantics<subcore_parallel>], iteration_bounds = array<i64: 2, 16>, scalar_prefetch = 0 : i64, scratch_operands = 13 : i64, tpu.core_type = #tpu.core_type<sc_vector_subcore>, window_params = [{transform_indices = #map}, {transform_indices = #map1}, {transform_indices = #map1}, {transform_indices = #map}]} {
    %mul3A = arith.constant 2 : i32
    %mul3A_0 = arith.muli %arg1, %mul3A : i32
    %add3A = arith.addi %mul3A_0, %arg0 : i32
    %mul3A_1 = arith.constant 256 : i32
    %mul3A_2 = arith.muli %add3A, %mul3A_1 : i32
    %add3A_3 = arith.constant 0 : i32
    %add3A_4 = arith.addi %mul3A_2, %add3A_3 : i32
    %dma_start3A = arith.constant 0 : i32
    %dma_start3A_5 = tpu.memref_slice %arg2[%add3A_4, %dma_start3A] : memref<8192x4096xf32, #tpu.memory_space<hbm>> -> memref<4x4096xf32, #tpu.memory_space<hbm>>
    %dma_start3A_6 = arith.constant 0 : i32
    %dma_start3A_7 = tpu.memref_slice %arg2[%add3A_4, %dma_start3A_6] : memref<8192x4096xf32, #tpu.memory_space<hbm>> -> memref<4x4096xf32, #tpu.memory_space<hbm>>
    tpu.enqueue_dma source(%dma_start3A_7 : memref<4x4096xf32, #tpu.memory_space<hbm>>) target(%arg11 : memref<4x4096xf32, #tpu.memory_space<vmem>>) target_semaphore(%arg15 : memref<!tpu.dma_semaphore, #tpu.memory_space<semaphore_mem>>)
    %add3A_8 = arith.constant 4 : i32
    %add3A_9 = arith.addi %mul3A_2, %add3A_8 : i32
    %dma_start3A_10 = arith.constant 0 : i32
    %dma_start3A_11 = tpu.memref_slice %arg2[%add3A_9, %dma_start3A_10] : memref<8192x4096xf32, #tpu.memory_space<hbm>> -> memref<4x4096xf32, #tpu.memory_space<hbm>>
    %dma_start3A_12 = arith.constant 0 : i32
    %dma_start3A_13 = tpu.memref_slice %arg2[%add3A_9, %dma_start3A_12] : memref<8192x4096xf32, #tpu.memory_space<hbm>> -> memref<4x4096xf32, #tpu.memory_space<hbm>>
    tpu.enqueue_dma source(%dma_start3A_13 : memref<4x4096xf32, #tpu.memory_space<hbm>>) target(%arg12 : memref<4x4096xf32, #tpu.memory_space<vmem>>) target_semaphore(%arg16 : memref<!tpu.dma_semaphore, #tpu.memory_space<semaphore_mem>>)
    "tpu.region"() ({
      %run_scoped3A = tpu.sem_alloc : memref<!tpu.dma_semaphore, #tpu.memory_space<semaphore_mem>>
      tpu.enqueue_dma source(%arg3 : memref<4096xi32, #tpu.memory_space<hbm>>) target(%arg6 : memref<4096xi32, #tpu.memory_space<vmem>>) target_semaphore(%run_scoped3A : memref<!tpu.dma_semaphore, #tpu.memory_space<semaphore_mem>>)
      tpu.wait_dma2 semaphore(%run_scoped3A : memref<!tpu.dma_semaphore, #tpu.memory_space<semaphore_mem>>) src(%arg3 : memref<4096xi32, #tpu.memory_space<hbm>>) dst(%arg6 : memref<4096xi32, #tpu.memory_space<vmem>>)
      tpu.yield
    }) : () -> ()
    "tpu.region"() ({
      %run_scoped3A = tpu.sem_alloc : memref<!tpu.dma_semaphore, #tpu.memory_space<semaphore_mem>>
      tpu.enqueue_dma source(%arg4 : memref<8192xf32, #tpu.memory_space<hbm>>) target(%arg7 : memref<8192xf32, #tpu.memory_space<vmem>>) target_semaphore(%run_scoped3A : memref<!tpu.dma_semaphore, #tpu.memory_space<semaphore_mem>>)
      tpu.wait_dma2 semaphore(%run_scoped3A : memref<!tpu.dma_semaphore, #tpu.memory_space<semaphore_mem>>) src(%arg4 : memref<8192xf32, #tpu.memory_space<hbm>>) dst(%arg7 : memref<8192xf32, #tpu.memory_space<vmem>>)
      tpu.yield
    }) : () -> ()
    %broadcast_in_dim3A = arith.constant -1 : i32
    %broadcast_in_dim3A_14 = vector.broadcast %broadcast_in_dim3A : i32 to vector<16xi32>
    %iota3A = tpu.iota {dimensions = array<i32: 0>} : vector<16xi32>
    %eq3A = arith.constant 0 : i32
    %eq3A_15 = vector.broadcast %eq3A : i32 to vector<16xi32>
    %eq3A_16 = arith.cmpi eq, %iota3A, %eq3A_15 : vector<16xi32>
    %eq3A_17 = arith.constant 1 : i32
    %eq3A_18 = vector.broadcast %eq3A_17 : i32 to vector<16xi32>
    %eq3A_19 = arith.cmpi eq, %iota3A, %eq3A_18 : vector<16xi32>
    %eq3A_20 = arith.constant 2 : i32
    %eq3A_21 = vector.broadcast %eq3A_20 : i32 to vector<16xi32>
    %eq3A_22 = arith.cmpi eq, %iota3A, %eq3A_21 : vector<16xi32>
    %eq3A_23 = arith.constant 3 : i32
    %eq3A_24 = vector.broadcast %eq3A_23 : i32 to vector<16xi32>
    %eq3A_25 = arith.cmpi eq, %iota3A, %eq3A_24 : vector<16xi32>
    %eq3A_26 = arith.constant 4 : i32
    %eq3A_27 = vector.broadcast %eq3A_26 : i32 to vector<16xi32>
    %eq3A_28 = arith.cmpi eq, %iota3A, %eq3A_27 : vector<16xi32>
    %eq3A_29 = arith.constant 5 : i32
    %eq3A_30 = vector.broadcast %eq3A_29 : i32 to vector<16xi32>
    %eq3A_31 = arith.cmpi eq, %iota3A, %eq3A_30 : vector<16xi32>
    %eq3A_32 = arith.constant 6 : i32
    %eq3A_33 = vector.broadcast %eq3A_32 : i32 to vector<16xi32>
    %eq3A_34 = arith.cmpi eq, %iota3A, %eq3A_33 : vector<16xi32>
    %eq3A_35 = arith.constant 7 : i32
    %eq3A_36 = vector.broadcast %eq3A_35 : i32 to vector<16xi32>
    %eq3A_37 = arith.cmpi eq, %iota3A, %eq3A_36 : vector<16xi32>
    %eq3A_38 = arith.constant 8 : i32
    %eq3A_39 = vector.broadcast %eq3A_38 : i32 to vector<16xi32>
    %eq3A_40 = arith.cmpi eq, %iota3A, %eq3A_39 : vector<16xi32>
    %eq3A_41 = arith.constant 9 : i32
    %eq3A_42 = vector.broadcast %eq3A_41 : i32 to vector<16xi32>
    %eq3A_43 = arith.cmpi eq, %iota3A, %eq3A_42 : vector<16xi32>
    %eq3A_44 = arith.constant 10 : i32
    %eq3A_45 = vector.broadcast %eq3A_44 : i32 to vector<16xi32>
    %eq3A_46 = arith.cmpi eq, %iota3A, %eq3A_45 : vector<16xi32>
    %eq3A_47 = arith.constant 11 : i32
    %eq3A_48 = vector.broadcast %eq3A_47 : i32 to vector<16xi32>
    %eq3A_49 = arith.cmpi eq, %iota3A, %eq3A_48 : vector<16xi32>
    %eq3A_50 = arith.constant 12 : i32
    %eq3A_51 = vector.broadcast %eq3A_50 : i32 to vector<16xi32>
    %eq3A_52 = arith.cmpi eq, %iota3A, %eq3A_51 : vector<16xi32>
    %eq3A_53 = arith.constant 13 : i32
    %eq3A_54 = vector.broadcast %eq3A_53 : i32 to vector<16xi32>
    %eq3A_55 = arith.cmpi eq, %iota3A, %eq3A_54 : vector<16xi32>
    %eq3A_56 = arith.constant 14 : i32
    %eq3A_57 = vector.broadcast %eq3A_56 : i32 to vector<16xi32>
    %eq3A_58 = arith.cmpi eq, %iota3A, %eq3A_57 : vector<16xi32>
    %eq3A_59 = arith.constant 15 : i32
    %eq3A_60 = vector.broadcast %eq3A_59 : i32 to vector<16xi32>
    %eq3A_61 = arith.cmpi eq, %iota3A, %eq3A_60 : vector<16xi32>
    %parallel_loop3A = arith.constant 0 : i32
    %parallel_loop3A_62 = arith.constant 256 : i32
    %parallel_loop3A_63 = arith.constant 1 : i32
    scf.for %parallel_loop3A_103 = %parallel_loop3A to %parallel_loop3A_62 step %parallel_loop3A_63  : i32 {
      %parallel_loop3A_104 = arith.constant 16 : i32
      %parallel_loop3A_105 = arith.muli %parallel_loop3A_103, %parallel_loop3A_104 : i32
      %parallel_loop3A_106 = tpu.assume_multiple %parallel_loop3A_105, 16 : i32
      %parallel_loop3A_107 = arith.index_cast %parallel_loop3A_106 : i32 to index
      %parallel_loop3A_108 = tpu.vector_load %arg8[%parallel_loop3A_107] {strides = array<i32>} : memref<4096xi32, #tpu.memory_space<vmem>>, vector<16xi32>,
      tpu.vector_store %arg8[%parallel_loop3A_107], %broadcast_in_dim3A_14 {strides = array<i32>} : memref<4096xi32, #tpu.memory_space<vmem>>, vector<16xi32>,
    } {sc.loop_unroll_factor = 4 : i64, sc.parallel_access}
    %scan3A = arith.constant 0 : i32
    %scan3A_64 = arith.constant 0 : i32
    %scan3A_65 = arith.constant 256 : i32
    %scan3A_66 = arith.addi %scan3A_64, %scan3A_65 : i32
    %scan3A_67 = arith.constant 1 : i32
    scf.for %scan3A_103 = %scan3A_64 to %scan3A_66 step %scan3A_67  : i32 {
      %mul3A_104 = arith.constant 16 : i32
      %mul3A_105 = arith.muli %scan3A_103, %mul3A_104 : i32
      %multiple_of3A = tpu.assume_multiple %mul3A_105, 16 : i32
      %get3A = arith.index_cast %multiple_of3A : i32 to index
      %get3A_106 = tpu.vector_load %arg6[%get3A] {strides = array<i32>} : memref<4096xi32, #tpu.memory_space<vmem>>, vector<16xi32>,
      %broadcast_in_dim3A_107 = arith.constant 1 : i32
      %broadcast_in_dim3A_108 = vector.broadcast %broadcast_in_dim3A_107 : i32 to vector<16xi32>
      %mul3A_109 = vector.broadcast %multiple_of3A : i32 to vector<16xi32>
      %mul3A_110 = arith.muli %broadcast_in_dim3A_108, %mul3A_109 : vector<16xi32>
      %add3A_111 = arith.addi %mul3A_110, %iota3A : vector<16xi32>
      tpu.vector_store_idx %arg8[%get3A_106], %add3A_111 masked %eq3A_16 : memref<4096xi32, #tpu.memory_space<vmem>>[vector<16xi32>], vector<16xi32>, vector<16xi1>
      tpu.vector_store_idx %arg8[%get3A_106], %add3A_111 masked %eq3A_19 : memref<4096xi32, #tpu.memory_space<vmem>>[vector<16xi32>], vector<16xi32>, vector<16xi1>
      tpu.vector_store_idx %arg8[%get3A_106], %add3A_111 masked %eq3A_22 : memref<4096xi32, #tpu.memory_space<vmem>>[vector<16xi32>], vector<16xi32>, vector<16xi1>
      tpu.vector_store_idx %arg8[%get3A_106], %add3A_111 masked %eq3A_25 : memref<4096xi32, #tpu.memory_space<vmem>>[vector<16xi32>], vector<16xi32>, vector<16xi1>
      tpu.vector_store_idx %arg8[%get3A_106], %add3A_111 masked %eq3A_28 : memref<4096xi32, #tpu.memory_space<vmem>>[vector<16xi32>], vector<16xi32>, vector<16xi1>
      tpu.vector_store_idx %arg8[%get3A_106], %add3A_111 masked %eq3A_31 : memref<4096xi32, #tpu.memory_space<vmem>>[vector<16xi32>], vector<16xi32>, vector<16xi1>
      tpu.vector_store_idx %arg8[%get3A_106], %add3A_111 masked %eq3A_34 : memref<4096xi32, #tpu.memory_space<vmem>>[vector<16xi32>], vector<16xi32>, vector<16xi1>
      tpu.vector_store_idx %arg8[%get3A_106], %add3A_111 masked %eq3A_37 : memref<4096xi32, #tpu.memory_space<vmem>>[vector<16xi32>], vector<16xi32>, vector<16xi1>
      tpu.vector_store_idx %arg8[%get3A_106], %add3A_111 masked %eq3A_40 : memref<4096xi32, #tpu.memory_space<vmem>>[vector<16xi32>], vector<16xi32>, vector<16xi1>
      tpu.vector_store_idx %arg8[%get3A_106], %add3A_111 masked %eq3A_43 : memref<4096xi32, #tpu.memory_space<vmem>>[vector<16xi32>], vector<16xi32>, vector<16xi1>
      tpu.vector_store_idx %arg8[%get3A_106], %add3A_111 masked %eq3A_46 : memref<4096xi32, #tpu.memory_space<vmem>>[vector<16xi32>], vector<16xi32>, vector<16xi1>
      tpu.vector_store_idx %arg8[%get3A_106], %add3A_111 masked %eq3A_49 : memref<4096xi32, #tpu.memory_space<vmem>>[vector<16xi32>], vector<16xi32>, vector<16xi1>
      tpu.vector_store_idx %arg8[%get3A_106], %add3A_111 masked %eq3A_52 : memref<4096xi32, #tpu.memory_space<vmem>>[vector<16xi32>], vector<16xi32>, vector<16xi1>
      tpu.vector_store_idx %arg8[%get3A_106], %add3A_111 masked %eq3A_55 : memref<4096xi32, #tpu.memory_space<vmem>>[vector<16xi32>], vector<16xi32>, vector<16xi1>
      tpu.vector_store_idx %arg8[%get3A_106], %add3A_111 masked %eq3A_58 : memref<4096xi32, #tpu.memory_space<vmem>>[vector<16xi32>], vector<16xi32>, vector<16xi1>
      tpu.vector_store_idx %arg8[%get3A_106], %add3A_111 masked %eq3A_61 : memref<4096xi32, #tpu.memory_space<vmem>>[vector<16xi32>], vector<16xi32>, vector<16xi1>
    }
    %scan3A_68 = arith.constant 256 : i32
    %broadcast_in_dim3A_69 = arith.constant 1.000000e+00 : f32
    %broadcast_in_dim3A_70 = vector.broadcast %broadcast_in_dim3A_69 : f32 to vector<16xf32>
    %broadcast_in_dim3A_71 = arith.constant 0.000000e+00 : f32
    %broadcast_in_dim3A_72 = vector.broadcast %broadcast_in_dim3A_71 : f32 to vector<16xf32>
    %broadcast_in_dim3A_73 = arith.constant 0 : i32
    %broadcast_in_dim3A_74 = vector.broadcast %broadcast_in_dim3A_73 : i32 to vector<16xi32>
    %broadcast_in_dim3A_75 = arith.constant -65536 : i32
    %broadcast_in_dim3A_76 = vector.broadcast %broadcast_in_dim3A_75 : i32 to vector<16xi32>
    %broadcast_in_dim3A_77 = arith.constant 32768 : i32
    %broadcast_in_dim3A_78 = vector.broadcast %broadcast_in_dim3A_77 : i32 to vector<16xi32>
    %broadcast_in_dim3A_79 = arith.constant -1.000000e+00 : f32
    %broadcast_in_dim3A_80 = vector.broadcast %broadcast_in_dim3A_79 : f32 to vector<16xf32>
    %parallel_loop3A_81 = arith.constant 0 : i32
    %parallel_loop3A_82 = arith.constant 128 : i32
    %parallel_loop3A_83 = arith.constant 1 : i32
    scf.for %parallel_loop3A_103 = %parallel_loop3A_81 to %parallel_loop3A_82 step %parallel_loop3A_83  : i32 {
      %parallel_loop3A_104 = arith.constant 2 : i32
      %parallel_loop3A_105 = arith.muli %parallel_loop3A_104, %parallel_loop3A_103 : i32
      %parallel_loop3A_106 = arith.constant 16 : i32
      %parallel_loop3A_107 = arith.muli %parallel_loop3A_105, %parallel_loop3A_106 : i32
      %parallel_loop3A_108 = tpu.assume_multiple %parallel_loop3A_107, 16 : i32
      %parallel_loop3A_109 = arith.index_cast %parallel_loop3A_108 : i32 to index
      %parallel_loop3A_110 = tpu.vector_load %arg8[%parallel_loop3A_109] {strides = array<i32>} : memref<4096xi32, #tpu.memory_space<vmem>>, vector<16xi32>,
      %parallel_loop3A_111 = arith.constant 0 : i32
      %parallel_loop3A_112 = vector.broadcast %parallel_loop3A_111 : i32 to vector<16xi32>
      %parallel_loop3A_113 = arith.cmpi sge, %parallel_loop3A_110, %parallel_loop3A_112 : vector<16xi32>
      %parallel_loop3A_114 = arith.constant 0 : i32
      %parallel_loop3A_115 = vector.broadcast %parallel_loop3A_114 : i32 to vector<16xi32>
      %parallel_loop3A_116 = arith.select %parallel_loop3A_113, %parallel_loop3A_110, %parallel_loop3A_115 : vector<16xi1>, vector<16xi32>
      %parallel_loop3A_117 = arith.constant 2048 : i32
      %parallel_loop3A_118 = vector.broadcast %parallel_loop3A_117 : i32 to vector<16xi32>
      %parallel_loop3A_119 = arith.divsi %parallel_loop3A_116, %parallel_loop3A_118 : vector<16xi32>
      %parallel_loop3A_120 = arith.constant 0 : i32
      %parallel_loop3A_121 = vector.broadcast %parallel_loop3A_120 : i32 to vector<16xi32>
      %parallel_loop3A_122 = arith.cmpi sgt, %parallel_loop3A_116, %parallel_loop3A_121 : vector<16xi32>
      %parallel_loop3A_123 = arith.extui %parallel_loop3A_122 : vector<16xi1> to vector<16xi32>
      %parallel_loop3A_124 = arith.constant 0 : i32
      %parallel_loop3A_125 = vector.broadcast %parallel_loop3A_124 : i32 to vector<16xi32>
      %parallel_loop3A_126 = arith.cmpi slt, %parallel_loop3A_116, %parallel_loop3A_125 : vector<16xi32>
      %parallel_loop3A_127 = arith.extui %parallel_loop3A_126 : vector<16xi1> to vector<16xi32>
      %parallel_loop3A_128 = arith.subi %parallel_loop3A_123, %parallel_loop3A_127 : vector<16xi32>
      %parallel_loop3A_129 = arith.constant 0 : i32
      %parallel_loop3A_130 = arith.cmpi sgt, %parallel_loop3A_117, %parallel_loop3A_129 : i32
      %parallel_loop3A_131 = arith.extui %parallel_loop3A_130 : i1 to i32
      %parallel_loop3A_132 = arith.constant 0 : i32
      %parallel_loop3A_133 = arith.cmpi slt, %parallel_loop3A_117, %parallel_loop3A_132 : i32
      %parallel_loop3A_134 = arith.extui %parallel_loop3A_133 : i1 to i32
      %parallel_loop3A_135 = arith.subi %parallel_loop3A_131, %parallel_loop3A_134 : i32
      %parallel_loop3A_136 = vector.broadcast %parallel_loop3A_135 : i32 to vector<16xi32>
      %parallel_loop3A_137 = arith.cmpi ne, %parallel_loop3A_128, %parallel_loop3A_136 : vector<16xi32>
      %parallel_loop3A_138 = vector.broadcast %parallel_loop3A_117 : i32 to vector<16xi32>
      %parallel_loop3A_139 = arith.remsi %parallel_loop3A_116, %parallel_loop3A_138 : vector<16xi32>
      %parallel_loop3A_140 = arith.constant 0 : i32
      %parallel_loop3A_141 = vector.broadcast %parallel_loop3A_140 : i32 to vector<16xi32>
      %parallel_loop3A_142 = arith.cmpi ne, %parallel_loop3A_139, %parallel_loop3A_141 : vector<16xi32>
      %parallel_loop3A_143 = arith.andi %parallel_loop3A_137, %parallel_loop3A_142 : vector<16xi1>
      %parallel_loop3A_144 = arith.constant 1 : i32
      %parallel_loop3A_145 = vector.broadcast %parallel_loop3A_144 : i32 to vector<16xi32>
      %parallel_loop3A_146 = arith.subi %parallel_loop3A_119, %parallel_loop3A_145 : vector<16xi32>
      %parallel_loop3A_147 = arith.select %parallel_loop3A_143, %parallel_loop3A_146, %parallel_loop3A_119 : vector<16xi1>, vector<16xi32>
      %parallel_loop3A_148 = arith.constant 2048 : i32
      %parallel_loop3A_149 = vector.broadcast %parallel_loop3A_148 : i32 to vector<16xi32>
      %parallel_loop3A_150 = arith.muli %parallel_loop3A_147, %parallel_loop3A_149 : vector<16xi32>
      %parallel_loop3A_151 = arith.subi %parallel_loop3A_116, %parallel_loop3A_150 : vector<16xi32>
      %parallel_loop3A_152 = arith.constant 4 : i32
      %parallel_loop3A_153 = vector.broadcast %parallel_loop3A_152 : i32 to vector<16xi32>
      %parallel_loop3A_154 = arith.muli %parallel_loop3A_153, %parallel_loop3A_151 : vector<16xi32>
      %parallel_loop3A_155 = arith.constant 3 : i32
      %parallel_loop3A_156 = vector.broadcast %parallel_loop3A_155 : i32 to vector<16xi32>
      %parallel_loop3A_157 = arith.muli %parallel_loop3A_156, %parallel_loop3A_147 : vector<16xi32>
      %parallel_loop3A_158 = arith.addi %parallel_loop3A_154, %parallel_loop3A_157 : vector<16xi32>
      %parallel_loop3A_159 = tpu.vector_load_idx %arg7[%parallel_loop3A_158] : memref<8192xf32, #tpu.memory_space<vmem>>[vector<16xi32>], vector<16xf32>,
      %parallel_loop3A_160 = arith.constant 4 : i32
      %parallel_loop3A_161 = vector.broadcast %parallel_loop3A_160 : i32 to vector<16xi32>
      %parallel_loop3A_162 = arith.muli %parallel_loop3A_161, %parallel_loop3A_151 : vector<16xi32>
      %parallel_loop3A_163 = arith.constant 2 : i32
      %parallel_loop3A_164 = vector.broadcast %parallel_loop3A_163 : i32 to vector<16xi32>
      %parallel_loop3A_165 = arith.addi %parallel_loop3A_162, %parallel_loop3A_164 : vector<16xi32>
      %parallel_loop3A_166 = arith.subi %parallel_loop3A_165, %parallel_loop3A_147 : vector<16xi32>
      %parallel_loop3A_167 = tpu.vector_load_idx %arg7[%parallel_loop3A_166] : memref<8192xf32, #tpu.memory_space<vmem>>[vector<16xi32>], vector<16xf32>,
      %parallel_loop3A_168 = arith.constant 2048 : i32
      %parallel_loop3A_169 = vector.broadcast %parallel_loop3A_168 : i32 to vector<16xi32>
      %parallel_loop3A_170 = arith.addi %parallel_loop3A_151, %parallel_loop3A_169 : vector<16xi32>
      %parallel_loop3A_171 = arith.constant 2048 : i32
      %parallel_loop3A_172 = vector.broadcast %parallel_loop3A_171 : i32 to vector<16xi32>
      %parallel_loop3A_173 = arith.muli %parallel_loop3A_172, %parallel_loop3A_147 : vector<16xi32>
      %parallel_loop3A_174 = arith.subi %parallel_loop3A_170, %parallel_loop3A_173 : vector<16xi32>
      %parallel_loop3A_175 = tpu.vector_load_idx %arg6[%parallel_loop3A_174] : memref<4096xi32, #tpu.memory_space<vmem>>[vector<16xi32>], vector<16xi32>,
      %parallel_loop3A_176 = arith.select %parallel_loop3A_113, %parallel_loop3A_159, %broadcast_in_dim3A_80 : vector<16xi1>, vector<16xf32>
      %parallel_loop3A_177 = arith.select %parallel_loop3A_113, %parallel_loop3A_167, %broadcast_in_dim3A_72 : vector<16xi1>, vector<16xf32>
      %parallel_loop3A_178 = arith.select %parallel_loop3A_113, %parallel_loop3A_175, %broadcast_in_dim3A_74 : vector<16xi1>, vector<16xi32>
      %parallel_loop3A_179 = vector.bitcast %parallel_loop3A_176 : vector<16xf32> to vector<16xi32>
      %parallel_loop3A_180 = arith.addi %parallel_loop3A_179, %broadcast_in_dim3A_78 : vector<16xi32>
      %parallel_loop3A_181 = arith.andi %parallel_loop3A_180, %broadcast_in_dim3A_76 : vector<16xi32>
      %parallel_loop3A_182 = vector.bitcast %parallel_loop3A_177 : vector<16xf32> to vector<16xi32>
      %parallel_loop3A_183 = arith.addi %parallel_loop3A_182, %broadcast_in_dim3A_78 : vector<16xi32>
      %parallel_loop3A_184 = arith.constant 16 : i32
      %parallel_loop3A_185 = vector.broadcast %parallel_loop3A_184 : i32 to vector<16xi32>
      %parallel_loop3A_186 = arith.shrui %parallel_loop3A_183, %parallel_loop3A_185 : vector<16xi32>
      %parallel_loop3A_187 = arith.ori %parallel_loop3A_181, %parallel_loop3A_186 : vector<16xi32>
      %parallel_loop3A_188 = arith.index_cast %parallel_loop3A_108 : i32 to index
      %parallel_loop3A_189 = tpu.vector_load %arg9[%parallel_loop3A_188] {strides = array<i32>} : memref<4096xi32, #tpu.memory_space<vmem>>, vector<16xi32>,
      tpu.vector_store %arg9[%parallel_loop3A_188], %parallel_loop3A_187 {strides = array<i32>} : memref<4096xi32, #tpu.memory_space<vmem>>, vector<16xi32>,
      %parallel_loop3A_190 = arith.constant 2 : i32
      %parallel_loop3A_191 = arith.muli %parallel_loop3A_190, %parallel_loop3A_103 : i32
      %parallel_loop3A_192 = arith.constant 1 : i32
      %parallel_loop3A_193 = arith.addi %parallel_loop3A_191, %parallel_loop3A_192 : i32
      %parallel_loop3A_194 = arith.constant 16 : i32
      %parallel_loop3A_195 = arith.muli %parallel_loop3A_193, %parallel_loop3A_194 : i32
      %parallel_loop3A_196 = tpu.assume_multiple %parallel_loop3A_195, 16 : i32
      %parallel_loop3A_197 = arith.index_cast %parallel_loop3A_196 : i32 to index
      %parallel_loop3A_198 = tpu.vector_load %arg8[%parallel_loop3A_197] {strides = array<i32>} : memref<4096xi32, #tpu.memory_space<vmem>>, vector<16xi32>,
      %parallel_loop3A_199 = arith.constant 0 : i32
      %parallel_loop3A_200 = vector.broadcast %parallel_loop3A_199 : i32 to vector<16xi32>
      %parallel_loop3A_201 = arith.cmpi sge, %parallel_loop3A_198, %parallel_loop3A_200 : vector<16xi32>
      %parallel_loop3A_202 = arith.constant 0 : i32
      %parallel_loop3A_203 = vector.broadcast %parallel_loop3A_202 : i32 to vector<16xi32>
      %parallel_loop3A_204 = arith.select %parallel_loop3A_201, %parallel_loop3A_198, %parallel_loop3A_203 : vector<16xi1>, vector<16xi32>
      %parallel_loop3A_205 = arith.constant 2048 : i32
      %parallel_loop3A_206 = vector.broadcast %parallel_loop3A_205 : i32 to vector<16xi32>
      %parallel_loop3A_207 = arith.divsi %parallel_loop3A_204, %parallel_loop3A_206 : vector<16xi32>
      %parallel_loop3A_208 = arith.constant 0 : i32
      %parallel_loop3A_209 = vector.broadcast %parallel_loop3A_208 : i32 to vector<16xi32>
      %parallel_loop3A_210 = arith.cmpi sgt, %parallel_loop3A_204, %parallel_loop3A_209 : vector<16xi32>
      %parallel_loop3A_211 = arith.extui %parallel_loop3A_210 : vector<16xi1> to vector<16xi32>
      %parallel_loop3A_212 = arith.constant 0 : i32
      %parallel_loop3A_213 = vector.broadcast %parallel_loop3A_212 : i32 to vector<16xi32>
      %parallel_loop3A_214 = arith.cmpi slt, %parallel_loop3A_204, %parallel_loop3A_213 : vector<16xi32>
      %parallel_loop3A_215 = arith.extui %parallel_loop3A_214 : vector<16xi1> to vector<16xi32>
      %parallel_loop3A_216 = arith.subi %parallel_loop3A_211, %parallel_loop3A_215 : vector<16xi32>
      %parallel_loop3A_217 = arith.constant 0 : i32
      %parallel_loop3A_218 = arith.cmpi sgt, %parallel_loop3A_205, %parallel_loop3A_217 : i32
      %parallel_loop3A_219 = arith.extui %parallel_loop3A_218 : i1 to i32
      %parallel_loop3A_220 = arith.constant 0 : i32
      %parallel_loop3A_221 = arith.cmpi slt, %parallel_loop3A_205, %parallel_loop3A_220 : i32
      %parallel_loop3A_222 = arith.extui %parallel_loop3A_221 : i1 to i32
      %parallel_loop3A_223 = arith.subi %parallel_loop3A_219, %parallel_loop3A_222 : i32
      %parallel_loop3A_224 = vector.broadcast %parallel_loop3A_223 : i32 to vector<16xi32>
      %parallel_loop3A_225 = arith.cmpi ne, %parallel_loop3A_216, %parallel_loop3A_224 : vector<16xi32>
      %parallel_loop3A_226 = vector.broadcast %parallel_loop3A_205 : i32 to vector<16xi32>
      %parallel_loop3A_227 = arith.remsi %parallel_loop3A_204, %parallel_loop3A_226 : vector<16xi32>
      %parallel_loop3A_228 = arith.constant 0 : i32
      %parallel_loop3A_229 = vector.broadcast %parallel_loop3A_228 : i32 to vector<16xi32>
      %parallel_loop3A_230 = arith.cmpi ne, %parallel_loop3A_227, %parallel_loop3A_229 : vector<16xi32>
      %parallel_loop3A_231 = arith.andi %parallel_loop3A_225, %parallel_loop3A_230 : vector<16xi1>
      %parallel_loop3A_232 = arith.constant 1 : i32
      %parallel_loop3A_233 = vector.broadcast %parallel_loop3A_232 : i32 to vector<16xi32>
      %parallel_loop3A_234 = arith.subi %parallel_loop3A_207, %parallel_loop3A_233 : vector<16xi32>
      %parallel_loop3A_235 = arith.select %parallel_loop3A_231, %parallel_loop3A_234, %parallel_loop3A_207 : vector<16xi1>, vector<16xi32>
      %parallel_loop3A_236 = arith.constant 2048 : i32
      %parallel_loop3A_237 = vector.broadcast %parallel_loop3A_236 : i32 to vector<16xi32>
      %parallel_loop3A_238 = arith.muli %parallel_loop3A_235, %parallel_loop3A_237 : vector<16xi32>
      %parallel_loop3A_239 = arith.subi %parallel_loop3A_204, %parallel_loop3A_238 : vector<16xi32>
      %parallel_loop3A_240 = arith.constant 4 : i32
      %parallel_loop3A_241 = vector.broadcast %parallel_loop3A_240 : i32 to vector<16xi32>
      %parallel_loop3A_242 = arith.muli %parallel_loop3A_241, %parallel_loop3A_239 : vector<16xi32>
      %parallel_loop3A_243 = arith.constant 3 : i32
      %parallel_loop3A_244 = vector.broadcast %parallel_loop3A_243 : i32 to vector<16xi32>
      %parallel_loop3A_245 = arith.muli %parallel_loop3A_244, %parallel_loop3A_235 : vector<16xi32>
      %parallel_loop3A_246 = arith.addi %parallel_loop3A_242, %parallel_loop3A_245 : vector<16xi32>
      %parallel_loop3A_247 = tpu.vector_load_idx %arg7[%parallel_loop3A_246] : memref<8192xf32, #tpu.memory_space<vmem>>[vector<16xi32>], vector<16xf32>,
      %parallel_loop3A_248 = arith.constant 4 : i32
      %parallel_loop3A_249 = vector.broadcast %parallel_loop3A_248 : i32 to vector<16xi32>
      %parallel_loop3A_250 = arith.muli %parallel_loop3A_249, %parallel_loop3A_239 : vector<16xi32>
      %parallel_loop3A_251 = arith.constant 2 : i32
      %parallel_loop3A_252 = vector.broadcast %parallel_loop3A_251 : i32 to vector<16xi32>
      %parallel_loop3A_253 = arith.addi %parallel_loop3A_250, %parallel_loop3A_252 : vector<16xi32>
      %parallel_loop3A_254 = arith.subi %parallel_loop3A_253, %parallel_loop3A_235 : vector<16xi32>
      %parallel_loop3A_255 = tpu.vector_load_idx %arg7[%parallel_loop3A_254] : memref<8192xf32, #tpu.memory_space<vmem>>[vector<16xi32>], vector<16xf32>,
      %parallel_loop3A_256 = arith.constant 2048 : i32
      %parallel_loop3A_257 = vector.broadcast %parallel_loop3A_256 : i32 to vector<16xi32>
      %parallel_loop3A_258 = arith.addi %parallel_loop3A_239, %parallel_loop3A_257 : vector<16xi32>
      %parallel_loop3A_259 = arith.constant 2048 : i32
      %parallel_loop3A_260 = vector.broadcast %parallel_loop3A_259 : i32 to vector<16xi32>
      %parallel_loop3A_261 = arith.muli %parallel_loop3A_260, %parallel_loop3A_235 : vector<16xi32>
      %parallel_loop3A_262 = arith.subi %parallel_loop3A_258, %parallel_loop3A_261 : vector<16xi32>
      %parallel_loop3A_263 = tpu.vector_load_idx %arg6[%parallel_loop3A_262] : memref<4096xi32, #tpu.memory_space<vmem>>[vector<16xi32>], vector<16xi32>,
      %parallel_loop3A_264 = arith.select %parallel_loop3A_201, %parallel_loop3A_247, %broadcast_in_dim3A_80 : vector<16xi1>, vector<16xf32>
      %parallel_loop3A_265 = arith.select %parallel_loop3A_201, %parallel_loop3A_255, %broadcast_in_dim3A_72 : vector<16xi1>, vector<16xf32>
      %parallel_loop3A_266 = arith.select %parallel_loop3A_201, %parallel_loop3A_263, %broadcast_in_dim3A_74 : vector<16xi1>, vector<16xi32>
      %parallel_loop3A_267 = vector.bitcast %parallel_loop3A_264 : vector<16xf32> to vector<16xi32>
      %parallel_loop3A_268 = arith.addi %parallel_loop3A_267, %broadcast_in_dim3A_78 : vector<16xi32>
      %parallel_loop3A_269 = arith.andi %parallel_loop3A_268, %broadcast_in_dim3A_76 : vector<16xi32>
      %parallel_loop3A_270 = vector.bitcast %parallel_loop3A_265 : vector<16xf32> to vector<16xi32>
      %parallel_loop3A_271 = arith.addi %parallel_loop3A_270, %broadcast_in_dim3A_78 : vector<16xi32>
      %parallel_loop3A_272 = arith.constant 16 : i32
      %parallel_loop3A_273 = vector.broadcast %parallel_loop3A_272 : i32 to vector<16xi32>
      %parallel_loop3A_274 = arith.shrui %parallel_loop3A_271, %parallel_loop3A_273 : vector<16xi32>
      %parallel_loop3A_275 = arith.ori %parallel_loop3A_269, %parallel_loop3A_274 : vector<16xi32>
      %parallel_loop3A_276 = arith.index_cast %parallel_loop3A_196 : i32 to index
      %parallel_loop3A_277 = tpu.vector_load %arg9[%parallel_loop3A_276] {strides = array<i32>} : memref<4096xi32, #tpu.memory_space<vmem>>, vector<16xi32>,
      tpu.vector_store %arg9[%parallel_loop3A_276], %parallel_loop3A_275 {strides = array<i32>} : memref<4096xi32, #tpu.memory_space<vmem>>, vector<16xi32>,
      %parallel_loop3A_278 = arith.constant 16 : i32
      %parallel_loop3A_279 = arith.muli %parallel_loop3A_103, %parallel_loop3A_278 : i32
      %parallel_loop3A_280 = tpu.assume_multiple %parallel_loop3A_279, 16 : i32
      %parallel_loop3A_281 = arith.constant 16 : i32
      %parallel_loop3A_282 = vector.broadcast %parallel_loop3A_281 : i32 to vector<16xi32>
      %parallel_loop3A_283 = arith.shli %parallel_loop3A_266, %parallel_loop3A_282 : vector<16xi32>
      %parallel_loop3A_284 = arith.ori %parallel_loop3A_178, %parallel_loop3A_283 : vector<16xi32>
      %parallel_loop3A_285 = arith.index_cast %parallel_loop3A_280 : i32 to index
      %parallel_loop3A_286 = tpu.vector_load %arg10[%parallel_loop3A_285] {strides = array<i32>} : memref<2048xi32, #tpu.memory_space<vmem>>, vector<16xi32>,
      tpu.vector_store %arg10[%parallel_loop3A_285], %parallel_loop3A_284 {strides = array<i32>} : memref<2048xi32, #tpu.memory_space<vmem>>, vector<16xi32>,
    } {sc.loop_unroll_factor = 2 : i64, sc.parallel_access}
    %broadcast_in_dim3A_84 = arith.constant 65535 : i32
    %broadcast_in_dim3A_85 = vector.broadcast %broadcast_in_dim3A_84 : i32 to vector<16xi32>
    %scan3A_86 = arith.constant 0 : i32
    %scan3A_87 = arith.constant 0 : i32
    %scan3A_88 = arith.constant 32 : i32
    %scan3A_89 = arith.addi %scan3A_87, %scan3A_88 : i32
    %scan3A_90 = arith.constant 1 : i32
    scf.for %scan3A_103 = %scan3A_87 to %scan3A_89 step %scan3A_90  : i32 {
      %mul3A_104 = arith.constant 2 : i32
      %mul3A_105 = arith.muli %mul3A_104, %scan3A_103 : i32
      %mul3A_106 = arith.constant 4 : i32
      %mul3A_107 = arith.muli %mul3A_105, %mul3A_106 : i32
      %add3A_108 = arith.addi %mul3A_2, %mul3A_107 : i32
      %dma_wait3A_109 = arith.constant 0 : i32
      %dma_wait3A_110 = tpu.memref_slice %arg2[%add3A_108, %dma_wait3A_109] : memref<8192x4096xf32, #tpu.memory_space<hbm>> -> memref<4x4096xf32, #tpu.memory_space<hbm>>
      %dma_wait3A_111 = arith.constant 0 : i32
      %dma_wait3A_112 = tpu.memref_slice %arg2[%add3A_108, %dma_wait3A_111] : memref<8192x4096xf32, #tpu.memory_space<hbm>> -> memref<4x4096xf32, #tpu.memory_space<hbm>>
      tpu.wait_dma2 semaphore(%arg15 : memref<!tpu.dma_semaphore, #tpu.memory_space<semaphore_mem>>) src(%dma_wait3A_112 : memref<4x4096xf32, #tpu.memory_space<hbm>>) dst(%arg11 : memref<4x4096xf32, #tpu.memory_space<vmem>>)
      %ge3A = arith.constant 1 : i32
      %ge3A_113 = arith.cmpi sge, %scan3A_103, %ge3A : i32
      %convert_element_type3A = arith.extui %ge3A_113 : i1 to i32
      %cond3A = arith.constant 0 : i32
      %cond3A_114 = arith.cmpi ne, %convert_element_type3A, %cond3A : i32
      scf.if %cond3A_114 {
        %sub3A = arith.constant 2 : i32
        %sub3A_164 = arith.subi %mul3A_105, %sub3A : i32
        %mul3A_165 = arith.constant 4 : i32
        %mul3A_166 = arith.muli %sub3A_164, %mul3A_165 : i32
        %add3A_167 = arith.addi %mul3A_2, %mul3A_166 : i32
        %dma_wait3A_168 = arith.constant 0 : i32
        %dma_wait3A_169 = tpu.memref_slice %arg5[%add3A_167, %dma_wait3A_168] : memref<8192x4096xf32, #tpu.memory_space<hbm>> -> memref<4x4096xf32, #tpu.memory_space<hbm>>
        %dma_wait3A_170 = arith.constant 0 : i32
        %dma_wait3A_171 = tpu.memref_slice %arg5[%add3A_167, %dma_wait3A_170] : memref<8192x4096xf32, #tpu.memory_space<hbm>> -> memref<4x4096xf32, #tpu.memory_space<hbm>>
        tpu.wait_dma2 semaphore(%arg17 : memref<!tpu.dma_semaphore, #tpu.memory_space<semaphore_mem>>) src(%arg13 : memref<4x4096xf32, #tpu.memory_space<vmem>>) dst(%dma_wait3A_171 : memref<4x4096xf32, #tpu.memory_space<hbm>>)
      } else {
      }
      %parallel_loop3A_115 = arith.constant 0 : i32
      %parallel_loop3A_116 = arith.constant 128 : i32
      %parallel_loop3A_117 = arith.constant 1 : i32
      scf.for %parallel_loop3A_164 = %parallel_loop3A_115 to %parallel_loop3A_116 step %parallel_loop3A_117  : i32 {
        %parallel_loop3A_165 = arith.constant 16 : i32
        %parallel_loop3A_166 = arith.muli %parallel_loop3A_164, %parallel_loop3A_165 : i32
        %parallel_loop3A_167 = tpu.assume_multiple %parallel_loop3A_166, 16 : i32
        %parallel_loop3A_168 = arith.index_cast %parallel_loop3A_167 : i32 to index
        %parallel_loop3A_169 = tpu.vector_load %arg10[%parallel_loop3A_168] {strides = array<i32>} : memref<2048xi32, #tpu.memory_space<vmem>>, vector<16xi32>,
        %parallel_loop3A_170 = arith.andi %parallel_loop3A_169, %broadcast_in_dim3A_85 : vector<16xi32>
        %parallel_loop3A_171 = arith.constant 16 : i32
        %parallel_loop3A_172 = vector.broadcast %parallel_loop3A_171 : i32 to vector<16xi32>
        %parallel_loop3A_173 = arith.shrui %parallel_loop3A_169, %parallel_loop3A_172 : vector<16xi32>
        %parallel_loop3A_174 = arith.constant 2 : i32
        %parallel_loop3A_175 = arith.muli %parallel_loop3A_174, %parallel_loop3A_167 : i32
        %parallel_loop3A_176 = arith.constant 0 : i32
        %parallel_loop3A_177 = arith.addi %parallel_loop3A_175, %parallel_loop3A_176 : i32
        %parallel_loop3A_178 = arith.index_cast %parallel_loop3A_177 : i32 to index
        %parallel_loop3A_179 = tpu.vector_load %arg9[%parallel_loop3A_178] {strides = array<i32>} : memref<4096xi32, #tpu.memory_space<vmem>>, vector<16xi32>,
        %parallel_loop3A_180 = arith.andi %parallel_loop3A_179, %broadcast_in_dim3A_76 : vector<16xi32>
        %parallel_loop3A_181 = vector.bitcast %parallel_loop3A_180 : vector<16xi32> to vector<16xf32>
        %parallel_loop3A_182 = arith.addf %parallel_loop3A_181, %broadcast_in_dim3A_70 : vector<16xf32>
        %parallel_loop3A_183 = arith.constant 16 : i32
        %parallel_loop3A_184 = vector.broadcast %parallel_loop3A_183 : i32 to vector<16xi32>
        %parallel_loop3A_185 = arith.shli %parallel_loop3A_179, %parallel_loop3A_184 : vector<16xi32>
        %parallel_loop3A_186 = vector.bitcast %parallel_loop3A_185 : vector<16xi32> to vector<16xf32>
        %parallel_loop3A_187 = arith.constant 0 : i32
        %parallel_loop3A_188 = vector.broadcast %parallel_loop3A_187 : i32 to vector<16xi32>
        %parallel_loop3A_189 = arith.constant 0 : i32
        %parallel_loop3A_190 = arith.index_cast %parallel_loop3A_189 : i32 to index
        %parallel_loop3A_191 = arith.index_cast %parallel_loop3A_177 : i32 to index
        %parallel_loop3A_192 = tpu.vector_load %arg11[%parallel_loop3A_190, %parallel_loop3A_191] {strides = array<i32>} : memref<4x4096xf32, #tpu.memory_space<vmem>>, vector<16xf32>,
        %parallel_loop3A_193 = tpu.vector_load_idx %arg11[%parallel_loop3A_188, %parallel_loop3A_170] : memref<4x4096xf32, #tpu.memory_space<vmem>>[vector<16xi32>, vector<16xi32>], vector<16xf32>,
        %parallel_loop3A_194 = arith.mulf %parallel_loop3A_192, %parallel_loop3A_182 : vector<16xf32>
        %parallel_loop3A_195 = arith.mulf %parallel_loop3A_193, %parallel_loop3A_186 : vector<16xf32>
        %parallel_loop3A_196 = arith.addf %parallel_loop3A_194, %parallel_loop3A_195 : vector<16xf32>
        %parallel_loop3A_197 = arith.constant 0 : i32
        %parallel_loop3A_198 = arith.index_cast %parallel_loop3A_197 : i32 to index
        %parallel_loop3A_199 = arith.index_cast %parallel_loop3A_177 : i32 to index
        %parallel_loop3A_200 = tpu.vector_load %arg13[%parallel_loop3A_198, %parallel_loop3A_199] {strides = array<i32>} : memref<4x4096xf32, #tpu.memory_space<vmem>>, vector<16xf32>,
        tpu.vector_store %arg13[%parallel_loop3A_198, %parallel_loop3A_199], %parallel_loop3A_196 {strides = array<i32>} : memref<4x4096xf32, #tpu.memory_space<vmem>>, vector<16xf32>,
        %parallel_loop3A_201 = arith.constant 1 : i32
        %parallel_loop3A_202 = vector.broadcast %parallel_loop3A_201 : i32 to vector<16xi32>
        %parallel_loop3A_203 = arith.constant 1 : i32
        %parallel_loop3A_204 = arith.index_cast %parallel_loop3A_203 : i32 to index
        %parallel_loop3A_205 = arith.index_cast %parallel_loop3A_177 : i32 to index
        %parallel_loop3A_206 = tpu.vector_load %arg11[%parallel_loop3A_204, %parallel_loop3A_205] {strides = array<i32>} : memref<4x4096xf32, #tpu.memory_space<vmem>>, vector<16xf32>,
        %parallel_loop3A_207 = tpu.vector_load_idx %arg11[%parallel_loop3A_202, %parallel_loop3A_170] : memref<4x4096xf32, #tpu.memory_space<vmem>>[vector<16xi32>, vector<16xi32>], vector<16xf32>,
        %parallel_loop3A_208 = arith.mulf %parallel_loop3A_206, %parallel_loop3A_182 : vector<16xf32>
        %parallel_loop3A_209 = arith.mulf %parallel_loop3A_207, %parallel_loop3A_186 : vector<16xf32>
        %parallel_loop3A_210 = arith.addf %parallel_loop3A_208, %parallel_loop3A_209 : vector<16xf32>
        %parallel_loop3A_211 = arith.constant 1 : i32
        %parallel_loop3A_212 = arith.index_cast %parallel_loop3A_211 : i32 to index
        %parallel_loop3A_213 = arith.index_cast %parallel_loop3A_177 : i32 to index
        %parallel_loop3A_214 = tpu.vector_load %arg13[%parallel_loop3A_212, %parallel_loop3A_213] {strides = array<i32>} : memref<4x4096xf32, #tpu.memory_space<vmem>>, vector<16xf32>,
        tpu.vector_store %arg13[%parallel_loop3A_212, %parallel_loop3A_213], %parallel_loop3A_210 {strides = array<i32>} : memref<4x4096xf32, #tpu.memory_space<vmem>>, vector<16xf32>,
        %parallel_loop3A_215 = arith.constant 2 : i32
        %parallel_loop3A_216 = vector.broadcast %parallel_loop3A_215 : i32 to vector<16xi32>
        %parallel_loop3A_217 = arith.constant 2 : i32
        %parallel_loop3A_218 = arith.index_cast %parallel_loop3A_217 : i32 to index
        %parallel_loop3A_219 = arith.index_cast %parallel_loop3A_177 : i32 to index
        %parallel_loop3A_220 = tpu.vector_load %arg11[%parallel_loop3A_218, %parallel_loop3A_219] {strides = array<i32>} : memref<4x4096xf32, #tpu.memory_space<vmem>>, vector<16xf32>,
        %parallel_loop3A_221 = tpu.vector_load_idx %arg11[%parallel_loop3A_216, %parallel_loop3A_170] : memref<4x4096xf32, #tpu.memory_space<vmem>>[vector<16xi32>, vector<16xi32>], vector<16xf32>,
        %parallel_loop3A_222 = arith.mulf %parallel_loop3A_220, %parallel_loop3A_182 : vector<16xf32>
        %parallel_loop3A_223 = arith.mulf %parallel_loop3A_221, %parallel_loop3A_186 : vector<16xf32>
        %parallel_loop3A_224 = arith.addf %parallel_loop3A_222, %parallel_loop3A_223 : vector<16xf32>
        %parallel_loop3A_225 = arith.constant 2 : i32
        %parallel_loop3A_226 = arith.index_cast %parallel_loop3A_225 : i32 to index
        %parallel_loop3A_227 = arith.index_cast %parallel_loop3A_177 : i32 to index
        %parallel_loop3A_228 = tpu.vector_load %arg13[%parallel_loop3A_226, %parallel_loop3A_227] {strides = array<i32>} : memref<4x4096xf32, #tpu.memory_space<vmem>>, vector<16xf32>,
        tpu.vector_store %arg13[%parallel_loop3A_226, %parallel_loop3A_227], %parallel_loop3A_224 {strides = array<i32>} : memref<4x4096xf32, #tpu.memory_space<vmem>>, vector<16xf32>,
        %parallel_loop3A_229 = arith.constant 3 : i32
        %parallel_loop3A_230 = vector.broadcast %parallel_loop3A_229 : i32 to vector<16xi32>
        %parallel_loop3A_231 = arith.constant 3 : i32
        %parallel_loop3A_232 = arith.index_cast %parallel_loop3A_231 : i32 to index
        %parallel_loop3A_233 = arith.index_cast %parallel_loop3A_177 : i32 to index
        %parallel_loop3A_234 = tpu.vector_load %arg11[%parallel_loop3A_232, %parallel_loop3A_233] {strides = array<i32>} : memref<4x4096xf32, #tpu.memory_space<vmem>>, vector<16xf32>,
        %parallel_loop3A_235 = tpu.vector_load_idx %arg11[%parallel_loop3A_230, %parallel_loop3A_170] : memref<4x4096xf32, #tpu.memory_space<vmem>>[vector<16xi32>, vector<16xi32>], vector<16xf32>,
        %parallel_loop3A_236 = arith.mulf %parallel_loop3A_234, %parallel_loop3A_182 : vector<16xf32>
        %parallel_loop3A_237 = arith.mulf %parallel_loop3A_235, %parallel_loop3A_186 : vector<16xf32>
        %parallel_loop3A_238 = arith.addf %parallel_loop3A_236, %parallel_loop3A_237 : vector<16xf32>
        %parallel_loop3A_239 = arith.constant 3 : i32
        %parallel_loop3A_240 = arith.index_cast %parallel_loop3A_239 : i32 to index
        %parallel_loop3A_241 = arith.index_cast %parallel_loop3A_177 : i32 to index
        %parallel_loop3A_242 = tpu.vector_load %arg13[%parallel_loop3A_240, %parallel_loop3A_241] {strides = array<i32>} : memref<4x4096xf32, #tpu.memory_space<vmem>>, vector<16xf32>,
        tpu.vector_store %arg13[%parallel_loop3A_240, %parallel_loop3A_241], %parallel_loop3A_238 {strides = array<i32>} : memref<4x4096xf32, #tpu.memory_space<vmem>>, vector<16xf32>,
        %parallel_loop3A_243 = arith.constant 2 : i32
        %parallel_loop3A_244 = arith.muli %parallel_loop3A_243, %parallel_loop3A_167 : i32
        %parallel_loop3A_245 = arith.constant 16 : i32
        %parallel_loop3A_246 = arith.addi %parallel_loop3A_244, %parallel_loop3A_245 : i32
        %parallel_loop3A_247 = arith.index_cast %parallel_loop3A_246 : i32 to index
        %parallel_loop3A_248 = tpu.vector_load %arg9[%parallel_loop3A_247] {strides = array<i32>} : memref<4096xi32, #tpu.memory_space<vmem>>, vector<16xi32>,
        %parallel_loop3A_249 = arith.andi %parallel_loop3A_248, %broadcast_in_dim3A_76 : vector<16xi32>
        %parallel_loop3A_250 = vector.bitcast %parallel_loop3A_249 : vector<16xi32> to vector<16xf32>
        %parallel_loop3A_251 = arith.addf %parallel_loop3A_250, %broadcast_in_dim3A_70 : vector<16xf32>
        %parallel_loop3A_252 = arith.constant 16 : i32
        %parallel_loop3A_253 = vector.broadcast %parallel_loop3A_252 : i32 to vector<16xi32>
        %parallel_loop3A_254 = arith.shli %parallel_loop3A_248, %parallel_loop3A_253 : vector<16xi32>
        %parallel_loop3A_255 = vector.bitcast %parallel_loop3A_254 : vector<16xi32> to vector<16xf32>
        %parallel_loop3A_256 = arith.constant 0 : i32
        %parallel_loop3A_257 = vector.broadcast %parallel_loop3A_256 : i32 to vector<16xi32>
        %parallel_loop3A_258 = arith.constant 0 : i32
        %parallel_loop3A_259 = arith.index_cast %parallel_loop3A_258 : i32 to index
        %parallel_loop3A_260 = arith.index_cast %parallel_loop3A_246 : i32 to index
        %parallel_loop3A_261 = tpu.vector_load %arg11[%parallel_loop3A_259, %parallel_loop3A_260] {strides = array<i32>} : memref<4x4096xf32, #tpu.memory_space<vmem>>, vector<16xf32>,
        %parallel_loop3A_262 = tpu.vector_load_idx %arg11[%parallel_loop3A_257, %parallel_loop3A_173] : memref<4x4096xf32, #tpu.memory_space<vmem>>[vector<16xi32>, vector<16xi32>], vector<16xf32>,
        %parallel_loop3A_263 = arith.mulf %parallel_loop3A_261, %parallel_loop3A_251 : vector<16xf32>
        %parallel_loop3A_264 = arith.mulf %parallel_loop3A_262, %parallel_loop3A_255 : vector<16xf32>
        %parallel_loop3A_265 = arith.addf %parallel_loop3A_263, %parallel_loop3A_264 : vector<16xf32>
        %parallel_loop3A_266 = arith.constant 0 : i32
        %parallel_loop3A_267 = arith.index_cast %parallel_loop3A_266 : i32 to index
        %parallel_loop3A_268 = arith.index_cast %parallel_loop3A_246 : i32 to index
        %parallel_loop3A_269 = tpu.vector_load %arg13[%parallel_loop3A_267, %parallel_loop3A_268] {strides = array<i32>} : memref<4x4096xf32, #tpu.memory_space<vmem>>, vector<16xf32>,
        tpu.vector_store %arg13[%parallel_loop3A_267, %parallel_loop3A_268], %parallel_loop3A_265 {strides = array<i32>} : memref<4x4096xf32, #tpu.memory_space<vmem>>, vector<16xf32>,
        %parallel_loop3A_270 = arith.constant 1 : i32
        %parallel_loop3A_271 = vector.broadcast %parallel_loop3A_270 : i32 to vector<16xi32>
        %parallel_loop3A_272 = arith.constant 1 : i32
        %parallel_loop3A_273 = arith.index_cast %parallel_loop3A_272 : i32 to index
        %parallel_loop3A_274 = arith.index_cast %parallel_loop3A_246 : i32 to index
        %parallel_loop3A_275 = tpu.vector_load %arg11[%parallel_loop3A_273, %parallel_loop3A_274] {strides = array<i32>} : memref<4x4096xf32, #tpu.memory_space<vmem>>, vector<16xf32>,
        %parallel_loop3A_276 = tpu.vector_load_idx %arg11[%parallel_loop3A_271, %parallel_loop3A_173] : memref<4x4096xf32, #tpu.memory_space<vmem>>[vector<16xi32>, vector<16xi32>], vector<16xf32>,
        %parallel_loop3A_277 = arith.mulf %parallel_loop3A_275, %parallel_loop3A_251 : vector<16xf32>
        %parallel_loop3A_278 = arith.mulf %parallel_loop3A_276, %parallel_loop3A_255 : vector<16xf32>
        %parallel_loop3A_279 = arith.addf %parallel_loop3A_277, %parallel_loop3A_278 : vector<16xf32>
        %parallel_loop3A_280 = arith.constant 1 : i32
        %parallel_loop3A_281 = arith.index_cast %parallel_loop3A_280 : i32 to index
        %parallel_loop3A_282 = arith.index_cast %parallel_loop3A_246 : i32 to index
        %parallel_loop3A_283 = tpu.vector_load %arg13[%parallel_loop3A_281, %parallel_loop3A_282] {strides = array<i32>} : memref<4x4096xf32, #tpu.memory_space<vmem>>, vector<16xf32>,
        tpu.vector_store %arg13[%parallel_loop3A_281, %parallel_loop3A_282], %parallel_loop3A_279 {strides = array<i32>} : memref<4x4096xf32, #tpu.memory_space<vmem>>, vector<16xf32>,
        %parallel_loop3A_284 = arith.constant 2 : i32
        %parallel_loop3A_285 = vector.broadcast %parallel_loop3A_284 : i32 to vector<16xi32>
        %parallel_loop3A_286 = arith.constant 2 : i32
        %parallel_loop3A_287 = arith.index_cast %parallel_loop3A_286 : i32 to index
        %parallel_loop3A_288 = arith.index_cast %parallel_loop3A_246 : i32 to index
        %parallel_loop3A_289 = tpu.vector_load %arg11[%parallel_loop3A_287, %parallel_loop3A_288] {strides = array<i32>} : memref<4x4096xf32, #tpu.memory_space<vmem>>, vector<16xf32>,
        %parallel_loop3A_290 = tpu.vector_load_idx %arg11[%parallel_loop3A_285, %parallel_loop3A_173] : memref<4x4096xf32, #tpu.memory_space<vmem>>[vector<16xi32>, vector<16xi32>], vector<16xf32>,
        %parallel_loop3A_291 = arith.mulf %parallel_loop3A_289, %parallel_loop3A_251 : vector<16xf32>
        %parallel_loop3A_292 = arith.mulf %parallel_loop3A_290, %parallel_loop3A_255 : vector<16xf32>
        %parallel_loop3A_293 = arith.addf %parallel_loop3A_291, %parallel_loop3A_292 : vector<16xf32>
        %parallel_loop3A_294 = arith.constant 2 : i32
        %parallel_loop3A_295 = arith.index_cast %parallel_loop3A_294 : i32 to index
        %parallel_loop3A_296 = arith.index_cast %parallel_loop3A_246 : i32 to index
        %parallel_loop3A_297 = tpu.vector_load %arg13[%parallel_loop3A_295, %parallel_loop3A_296] {strides = array<i32>} : memref<4x4096xf32, #tpu.memory_space<vmem>>, vector<16xf32>,
        tpu.vector_store %arg13[%parallel_loop3A_295, %parallel_loop3A_296], %parallel_loop3A_293 {strides = array<i32>} : memref<4x4096xf32, #tpu.memory_space<vmem>>, vector<16xf32>,
        %parallel_loop3A_298 = arith.constant 3 : i32
        %parallel_loop3A_299 = vector.broadcast %parallel_loop3A_298 : i32 to vector<16xi32>
        %parallel_loop3A_300 = arith.constant 3 : i32
        %parallel_loop3A_301 = arith.index_cast %parallel_loop3A_300 : i32 to index
        %parallel_loop3A_302 = arith.index_cast %parallel_loop3A_246 : i32 to index
        %parallel_loop3A_303 = tpu.vector_load %arg11[%parallel_loop3A_301, %parallel_loop3A_302] {strides = array<i32>} : memref<4x4096xf32, #tpu.memory_space<vmem>>, vector<16xf32>,
        %parallel_loop3A_304 = tpu.vector_load_idx %arg11[%parallel_loop3A_299, %parallel_loop3A_173] : memref<4x4096xf32, #tpu.memory_space<vmem>>[vector<16xi32>, vector<16xi32>], vector<16xf32>,
        %parallel_loop3A_305 = arith.mulf %parallel_loop3A_303, %parallel_loop3A_251 : vector<16xf32>
        %parallel_loop3A_306 = arith.mulf %parallel_loop3A_304, %parallel_loop3A_255 : vector<16xf32>
        %parallel_loop3A_307 = arith.addf %parallel_loop3A_305, %parallel_loop3A_306 : vector<16xf32>
        %parallel_loop3A_308 = arith.constant 3 : i32
        %parallel_loop3A_309 = arith.index_cast %parallel_loop3A_308 : i32 to index
        %parallel_loop3A_310 = arith.index_cast %parallel_loop3A_246 : i32 to index
        %parallel_loop3A_311 = tpu.vector_load %arg13[%parallel_loop3A_309, %parallel_loop3A_310] {strides = array<i32>} : memref<4x4096xf32, #tpu.memory_space<vmem>>, vector<16xf32>,
        tpu.vector_store %arg13[%parallel_loop3A_309, %parallel_loop3A_310], %parallel_loop3A_307 {strides = array<i32>} : memref<4x4096xf32, #tpu.memory_space<vmem>>, vector<16xf32>,
      } {sc.loop_unroll_factor = 2 : i64, sc.parallel_access}
      %mul3A_118 = arith.constant 4 : i32
      %mul3A_119 = arith.muli %mul3A_105, %mul3A_118 : i32
      %add3A_120 = arith.addi %mul3A_2, %mul3A_119 : i32
      %dma_start3A_121 = arith.constant 0 : i32
      %dma_start3A_122 = tpu.memref_slice %arg5[%add3A_120, %dma_start3A_121] : memref<8192x4096xf32, #tpu.memory_space<hbm>> -> memref<4x4096xf32, #tpu.memory_space<hbm>>
      %dma_start3A_123 = arith.constant 0 : i32
      %dma_start3A_124 = tpu.memref_slice %arg5[%add3A_120, %dma_start3A_123] : memref<8192x4096xf32, #tpu.memory_space<hbm>> -> memref<4x4096xf32, #tpu.memory_space<hbm>>
      tpu.enqueue_dma source(%arg13 : memref<4x4096xf32, #tpu.memory_space<vmem>>) target(%dma_start3A_124 : memref<4x4096xf32, #tpu.memory_space<hbm>>) target_semaphore(%arg17 : memref<!tpu.dma_semaphore, #tpu.memory_space<semaphore_mem>>)
      %add3A_125 = arith.constant 2 : i32
      %add3A_126 = arith.addi %mul3A_105, %add3A_125 : i32
      %lt3A = arith.constant 64 : i32
      %lt3A_127 = arith.cmpi slt, %add3A_126, %lt3A : i32
      %convert_element_type3A_128 = arith.extui %lt3A_127 : i1 to i32
      %cond3A_129 = arith.constant 0 : i32
      %cond3A_130 = arith.cmpi ne, %convert_element_type3A_128, %cond3A_129 : i32
      scf.if %cond3A_130 {
        %add3A_164 = arith.constant 2 : i32
        %add3A_165 = arith.addi %mul3A_105, %add3A_164 : i32
        %mul3A_166 = arith.constant 4 : i32
        %mul3A_167 = arith.muli %add3A_165, %mul3A_166 : i32
        %add3A_168 = arith.addi %mul3A_2, %mul3A_167 : i32
        %dma_start3A_169 = arith.constant 0 : i32
        %dma_start3A_170 = tpu.memref_slice %arg2[%add3A_168, %dma_start3A_169] : memref<8192x4096xf32, #tpu.memory_space<hbm>> -> memref<4x4096xf32, #tpu.memory_space<hbm>>
        %dma_start3A_171 = arith.constant 0 : i32
        %dma_start3A_172 = tpu.memref_slice %arg2[%add3A_168, %dma_start3A_171] : memref<8192x4096xf32, #tpu.memory_space<hbm>> -> memref<4x4096xf32, #tpu.memory_space<hbm>>
        tpu.enqueue_dma source(%dma_start3A_172 : memref<4x4096xf32, #tpu.memory_space<hbm>>) target(%arg11 : memref<4x4096xf32, #tpu.memory_space<vmem>>) target_semaphore(%arg15 : memref<!tpu.dma_semaphore, #tpu.memory_space<semaphore_mem>>)
      } else {
      }
      %add3A_131 = arith.constant 1 : i32
      %add3A_132 = arith.addi %mul3A_105, %add3A_131 : i32
      %mul3A_133 = arith.constant 4 : i32
      %mul3A_134 = arith.muli %add3A_132, %mul3A_133 : i32
      %add3A_135 = arith.addi %mul3A_2, %mul3A_134 : i32
      %dma_wait3A_136 = arith.constant 0 : i32
      %dma_wait3A_137 = tpu.memref_slice %arg2[%add3A_135, %dma_wait3A_136] : memref<8192x4096xf32, #tpu.memory_space<hbm>> -> memref<4x4096xf32, #tpu.memory_space<hbm>>
      %dma_wait3A_138 = arith.constant 0 : i32
      %dma_wait3A_139 = tpu.memref_slice %arg2[%add3A_135, %dma_wait3A_138] : memref<8192x4096xf32, #tpu.memory_space<hbm>> -> memref<4x4096xf32, #tpu.memory_space<hbm>>
      tpu.wait_dma2 semaphore(%arg16 : memref<!tpu.dma_semaphore, #tpu.memory_space<semaphore_mem>>) src(%dma_wait3A_139 : memref<4x4096xf32, #tpu.memory_space<hbm>>) dst(%arg12 : memref<4x4096xf32, #tpu.memory_space<vmem>>)
      %ge3A_140 = arith.constant 1 : i32
      %ge3A_141 = arith.cmpi sge, %scan3A_103, %ge3A_140 : i32
      %convert_element_type3A_142 = arith.extui %ge3A_141 : i1 to i32
      %cond3A_143 = arith.constant 0 : i32
      %cond3A_144 = arith.cmpi ne, %convert_element_type3A_142, %cond3A_143 : i32
      scf.if %cond3A_144 {
        %sub3A = arith.constant 1 : i32
        %sub3A_164 = arith.subi %mul3A_105, %sub3A : i32
        %mul3A_165 = arith.constant 4 : i32
        %mul3A_166 = arith.muli %sub3A_164, %mul3A_165 : i32
        %add3A_167 = arith.addi %mul3A_2, %mul3A_166 : i32
        %dma_wait3A_168 = arith.constant 0 : i32
        %dma_wait3A_169 = tpu.memref_slice %arg5[%add3A_167, %dma_wait3A_168] : memref<8192x4096xf32, #tpu.memory_space<hbm>> -> memref<4x4096xf32, #tpu.memory_space<hbm>>
        %dma_wait3A_170 = arith.constant 0 : i32
        %dma_wait3A_171 = tpu.memref_slice %arg5[%add3A_167, %dma_wait3A_170] : memref<8192x4096xf32, #tpu.memory_space<hbm>> -> memref<4x4096xf32, #tpu.memory_space<hbm>>
        tpu.wait_dma2 semaphore(%arg18 : memref<!tpu.dma_semaphore, #tpu.memory_space<semaphore_mem>>) src(%arg14 : memref<4x4096xf32, #tpu.memory_space<vmem>>) dst(%dma_wait3A_171 : memref<4x4096xf32, #tpu.memory_space<hbm>>)
      } else {
      }
      %parallel_loop3A_145 = arith.constant 0 : i32
      %parallel_loop3A_146 = arith.constant 128 : i32
      %parallel_loop3A_147 = arith.constant 1 : i32
      scf.for %parallel_loop3A_164 = %parallel_loop3A_145 to %parallel_loop3A_146 step %parallel_loop3A_147  : i32 {
        %parallel_loop3A_165 = arith.constant 16 : i32
        %parallel_loop3A_166 = arith.muli %parallel_loop3A_164, %parallel_loop3A_165 : i32
        %parallel_loop3A_167 = tpu.assume_multiple %parallel_loop3A_166, 16 : i32
        %parallel_loop3A_168 = arith.index_cast %parallel_loop3A_167 : i32 to index
        %parallel_loop3A_169 = tpu.vector_load %arg10[%parallel_loop3A_168] {strides = array<i32>} : memref<2048xi32, #tpu.memory_space<vmem>>, vector<16xi32>,
        %parallel_loop3A_170 = arith.andi %parallel_loop3A_169, %broadcast_in_dim3A_85 : vector<16xi32>
        %parallel_loop3A_171 = arith.constant 16 : i32
        %parallel_loop3A_172 = vector.broadcast %parallel_loop3A_171 : i32 to vector<16xi32>
        %parallel_loop3A_173 = arith.shrui %parallel_loop3A_169, %parallel_loop3A_172 : vector<16xi32>
        %parallel_loop3A_174 = arith.constant 2 : i32
        %parallel_loop3A_175 = arith.muli %parallel_loop3A_174, %parallel_loop3A_167 : i32
        %parallel_loop3A_176 = arith.constant 0 : i32
        %parallel_loop3A_177 = arith.addi %parallel_loop3A_175, %parallel_loop3A_176 : i32
        %parallel_loop3A_178 = arith.index_cast %parallel_loop3A_177 : i32 to index
        %parallel_loop3A_179 = tpu.vector_load %arg9[%parallel_loop3A_178] {strides = array<i32>} : memref<4096xi32, #tpu.memory_space<vmem>>, vector<16xi32>,
        %parallel_loop3A_180 = arith.andi %parallel_loop3A_179, %broadcast_in_dim3A_76 : vector<16xi32>
        %parallel_loop3A_181 = vector.bitcast %parallel_loop3A_180 : vector<16xi32> to vector<16xf32>
        %parallel_loop3A_182 = arith.addf %parallel_loop3A_181, %broadcast_in_dim3A_70 : vector<16xf32>
        %parallel_loop3A_183 = arith.constant 16 : i32
        %parallel_loop3A_184 = vector.broadcast %parallel_loop3A_183 : i32 to vector<16xi32>
        %parallel_loop3A_185 = arith.shli %parallel_loop3A_179, %parallel_loop3A_184 : vector<16xi32>
        %parallel_loop3A_186 = vector.bitcast %parallel_loop3A_185 : vector<16xi32> to vector<16xf32>
        %parallel_loop3A_187 = arith.constant 0 : i32
        %parallel_loop3A_188 = vector.broadcast %parallel_loop3A_187 : i32 to vector<16xi32>
        %parallel_loop3A_189 = arith.constant 0 : i32
        %parallel_loop3A_190 = arith.index_cast %parallel_loop3A_189 : i32 to index
        %parallel_loop3A_191 = arith.index_cast %parallel_loop3A_177 : i32 to index
        %parallel_loop3A_192 = tpu.vector_load %arg12[%parallel_loop3A_190, %parallel_loop3A_191] {strides = array<i32>} : memref<4x4096xf32, #tpu.memory_space<vmem>>, vector<16xf32>,
        %parallel_loop3A_193 = tpu.vector_load_idx %arg12[%parallel_loop3A_188, %parallel_loop3A_170] : memref<4x4096xf32, #tpu.memory_space<vmem>>[vector<16xi32>, vector<16xi32>], vector<16xf32>,
        %parallel_loop3A_194 = arith.mulf %parallel_loop3A_192, %parallel_loop3A_182 : vector<16xf32>
        %parallel_loop3A_195 = arith.mulf %parallel_loop3A_193, %parallel_loop3A_186 : vector<16xf32>
        %parallel_loop3A_196 = arith.addf %parallel_loop3A_194, %parallel_loop3A_195 : vector<16xf32>
        %parallel_loop3A_197 = arith.constant 0 : i32
        %parallel_loop3A_198 = arith.index_cast %parallel_loop3A_197 : i32 to index
        %parallel_loop3A_199 = arith.index_cast %parallel_loop3A_177 : i32 to index
        %parallel_loop3A_200 = tpu.vector_load %arg14[%parallel_loop3A_198, %parallel_loop3A_199] {strides = array<i32>} : memref<4x4096xf32, #tpu.memory_space<vmem>>, vector<16xf32>,
        tpu.vector_store %arg14[%parallel_loop3A_198, %parallel_loop3A_199], %parallel_loop3A_196 {strides = array<i32>} : memref<4x4096xf32, #tpu.memory_space<vmem>>, vector<16xf32>,
        %parallel_loop3A_201 = arith.constant 1 : i32
        %parallel_loop3A_202 = vector.broadcast %parallel_loop3A_201 : i32 to vector<16xi32>
        %parallel_loop3A_203 = arith.constant 1 : i32
        %parallel_loop3A_204 = arith.index_cast %parallel_loop3A_203 : i32 to index
        %parallel_loop3A_205 = arith.index_cast %parallel_loop3A_177 : i32 to index
        %parallel_loop3A_206 = tpu.vector_load %arg12[%parallel_loop3A_204, %parallel_loop3A_205] {strides = array<i32>} : memref<4x4096xf32, #tpu.memory_space<vmem>>, vector<16xf32>,
        %parallel_loop3A_207 = tpu.vector_load_idx %arg12[%parallel_loop3A_202, %parallel_loop3A_170] : memref<4x4096xf32, #tpu.memory_space<vmem>>[vector<16xi32>, vector<16xi32>], vector<16xf32>,
        %parallel_loop3A_208 = arith.mulf %parallel_loop3A_206, %parallel_loop3A_182 : vector<16xf32>
        %parallel_loop3A_209 = arith.mulf %parallel_loop3A_207, %parallel_loop3A_186 : vector<16xf32>
        %parallel_loop3A_210 = arith.addf %parallel_loop3A_208, %parallel_loop3A_209 : vector<16xf32>
        %parallel_loop3A_211 = arith.constant 1 : i32
        %parallel_loop3A_212 = arith.index_cast %parallel_loop3A_211 : i32 to index
        %parallel_loop3A_213 = arith.index_cast %parallel_loop3A_177 : i32 to index
        %parallel_loop3A_214 = tpu.vector_load %arg14[%parallel_loop3A_212, %parallel_loop3A_213] {strides = array<i32>} : memref<4x4096xf32, #tpu.memory_space<vmem>>, vector<16xf32>,
        tpu.vector_store %arg14[%parallel_loop3A_212, %parallel_loop3A_213], %parallel_loop3A_210 {strides = array<i32>} : memref<4x4096xf32, #tpu.memory_space<vmem>>, vector<16xf32>,
        %parallel_loop3A_215 = arith.constant 2 : i32
        %parallel_loop3A_216 = vector.broadcast %parallel_loop3A_215 : i32 to vector<16xi32>
        %parallel_loop3A_217 = arith.constant 2 : i32
        %parallel_loop3A_218 = arith.index_cast %parallel_loop3A_217 : i32 to index
        %parallel_loop3A_219 = arith.index_cast %parallel_loop3A_177 : i32 to index
        %parallel_loop3A_220 = tpu.vector_load %arg12[%parallel_loop3A_218, %parallel_loop3A_219] {strides = array<i32>} : memref<4x4096xf32, #tpu.memory_space<vmem>>, vector<16xf32>,
        %parallel_loop3A_221 = tpu.vector_load_idx %arg12[%parallel_loop3A_216, %parallel_loop3A_170] : memref<4x4096xf32, #tpu.memory_space<vmem>>[vector<16xi32>, vector<16xi32>], vector<16xf32>,
        %parallel_loop3A_222 = arith.mulf %parallel_loop3A_220, %parallel_loop3A_182 : vector<16xf32>
        %parallel_loop3A_223 = arith.mulf %parallel_loop3A_221, %parallel_loop3A_186 : vector<16xf32>
        %parallel_loop3A_224 = arith.addf %parallel_loop3A_222, %parallel_loop3A_223 : vector<16xf32>
        %parallel_loop3A_225 = arith.constant 2 : i32
        %parallel_loop3A_226 = arith.index_cast %parallel_loop3A_225 : i32 to index
        %parallel_loop3A_227 = arith.index_cast %parallel_loop3A_177 : i32 to index
        %parallel_loop3A_228 = tpu.vector_load %arg14[%parallel_loop3A_226, %parallel_loop3A_227] {strides = array<i32>} : memref<4x4096xf32, #tpu.memory_space<vmem>>, vector<16xf32>,
        tpu.vector_store %arg14[%parallel_loop3A_226, %parallel_loop3A_227], %parallel_loop3A_224 {strides = array<i32>} : memref<4x4096xf32, #tpu.memory_space<vmem>>, vector<16xf32>,
        %parallel_loop3A_229 = arith.constant 3 : i32
        %parallel_loop3A_230 = vector.broadcast %parallel_loop3A_229 : i32 to vector<16xi32>
        %parallel_loop3A_231 = arith.constant 3 : i32
        %parallel_loop3A_232 = arith.index_cast %parallel_loop3A_231 : i32 to index
        %parallel_loop3A_233 = arith.index_cast %parallel_loop3A_177 : i32 to index
        %parallel_loop3A_234 = tpu.vector_load %arg12[%parallel_loop3A_232, %parallel_loop3A_233] {strides = array<i32>} : memref<4x4096xf32, #tpu.memory_space<vmem>>, vector<16xf32>,
        %parallel_loop3A_235 = tpu.vector_load_idx %arg12[%parallel_loop3A_230, %parallel_loop3A_170] : memref<4x4096xf32, #tpu.memory_space<vmem>>[vector<16xi32>, vector<16xi32>], vector<16xf32>,
        %parallel_loop3A_236 = arith.mulf %parallel_loop3A_234, %parallel_loop3A_182 : vector<16xf32>
        %parallel_loop3A_237 = arith.mulf %parallel_loop3A_235, %parallel_loop3A_186 : vector<16xf32>
        %parallel_loop3A_238 = arith.addf %parallel_loop3A_236, %parallel_loop3A_237 : vector<16xf32>
        %parallel_loop3A_239 = arith.constant 3 : i32
        %parallel_loop3A_240 = arith.index_cast %parallel_loop3A_239 : i32 to index
        %parallel_loop3A_241 = arith.index_cast %parallel_loop3A_177 : i32 to index
        %parallel_loop3A_242 = tpu.vector_load %arg14[%parallel_loop3A_240, %parallel_loop3A_241] {strides = array<i32>} : memref<4x4096xf32, #tpu.memory_space<vmem>>, vector<16xf32>,
        tpu.vector_store %arg14[%parallel_loop3A_240, %parallel_loop3A_241], %parallel_loop3A_238 {strides = array<i32>} : memref<4x4096xf32, #tpu.memory_space<vmem>>, vector<16xf32>,
        %parallel_loop3A_243 = arith.constant 2 : i32
        %parallel_loop3A_244 = arith.muli %parallel_loop3A_243, %parallel_loop3A_167 : i32
        %parallel_loop3A_245 = arith.constant 16 : i32
        %parallel_loop3A_246 = arith.addi %parallel_loop3A_244, %parallel_loop3A_245 : i32
        %parallel_loop3A_247 = arith.index_cast %parallel_loop3A_246 : i32 to index
        %parallel_loop3A_248 = tpu.vector_load %arg9[%parallel_loop3A_247] {strides = array<i32>} : memref<4096xi32, #tpu.memory_space<vmem>>, vector<16xi32>,
        %parallel_loop3A_249 = arith.andi %parallel_loop3A_248, %broadcast_in_dim3A_76 : vector<16xi32>
        %parallel_loop3A_250 = vector.bitcast %parallel_loop3A_249 : vector<16xi32> to vector<16xf32>
        %parallel_loop3A_251 = arith.addf %parallel_loop3A_250, %broadcast_in_dim3A_70 : vector<16xf32>
        %parallel_loop3A_252 = arith.constant 16 : i32
        %parallel_loop3A_253 = vector.broadcast %parallel_loop3A_252 : i32 to vector<16xi32>
        %parallel_loop3A_254 = arith.shli %parallel_loop3A_248, %parallel_loop3A_253 : vector<16xi32>
        %parallel_loop3A_255 = vector.bitcast %parallel_loop3A_254 : vector<16xi32> to vector<16xf32>
        %parallel_loop3A_256 = arith.constant 0 : i32
        %parallel_loop3A_257 = vector.broadcast %parallel_loop3A_256 : i32 to vector<16xi32>
        %parallel_loop3A_258 = arith.constant 0 : i32
        %parallel_loop3A_259 = arith.index_cast %parallel_loop3A_258 : i32 to index
        %parallel_loop3A_260 = arith.index_cast %parallel_loop3A_246 : i32 to index
        %parallel_loop3A_261 = tpu.vector_load %arg12[%parallel_loop3A_259, %parallel_loop3A_260] {strides = array<i32>} : memref<4x4096xf32, #tpu.memory_space<vmem>>, vector<16xf32>,
        %parallel_loop3A_262 = tpu.vector_load_idx %arg12[%parallel_loop3A_257, %parallel_loop3A_173] : memref<4x4096xf32, #tpu.memory_space<vmem>>[vector<16xi32>, vector<16xi32>], vector<16xf32>,
        %parallel_loop3A_263 = arith.mulf %parallel_loop3A_261, %parallel_loop3A_251 : vector<16xf32>
        %parallel_loop3A_264 = arith.mulf %parallel_loop3A_262, %parallel_loop3A_255 : vector<16xf32>
        %parallel_loop3A_265 = arith.addf %parallel_loop3A_263, %parallel_loop3A_264 : vector<16xf32>
        %parallel_loop3A_266 = arith.constant 0 : i32
        %parallel_loop3A_267 = arith.index_cast %parallel_loop3A_266 : i32 to index
        %parallel_loop3A_268 = arith.index_cast %parallel_loop3A_246 : i32 to index
        %parallel_loop3A_269 = tpu.vector_load %arg14[%parallel_loop3A_267, %parallel_loop3A_268] {strides = array<i32>} : memref<4x4096xf32, #tpu.memory_space<vmem>>, vector<16xf32>,
        tpu.vector_store %arg14[%parallel_loop3A_267, %parallel_loop3A_268], %parallel_loop3A_265 {strides = array<i32>} : memref<4x4096xf32, #tpu.memory_space<vmem>>, vector<16xf32>,
        %parallel_loop3A_270 = arith.constant 1 : i32
        %parallel_loop3A_271 = vector.broadcast %parallel_loop3A_270 : i32 to vector<16xi32>
        %parallel_loop3A_272 = arith.constant 1 : i32
        %parallel_loop3A_273 = arith.index_cast %parallel_loop3A_272 : i32 to index
        %parallel_loop3A_274 = arith.index_cast %parallel_loop3A_246 : i32 to index
        %parallel_loop3A_275 = tpu.vector_load %arg12[%parallel_loop3A_273, %parallel_loop3A_274] {strides = array<i32>} : memref<4x4096xf32, #tpu.memory_space<vmem>>, vector<16xf32>,
        %parallel_loop3A_276 = tpu.vector_load_idx %arg12[%parallel_loop3A_271, %parallel_loop3A_173] : memref<4x4096xf32, #tpu.memory_space<vmem>>[vector<16xi32>, vector<16xi32>], vector<16xf32>,
        %parallel_loop3A_277 = arith.mulf %parallel_loop3A_275, %parallel_loop3A_251 : vector<16xf32>
        %parallel_loop3A_278 = arith.mulf %parallel_loop3A_276, %parallel_loop3A_255 : vector<16xf32>
        %parallel_loop3A_279 = arith.addf %parallel_loop3A_277, %parallel_loop3A_278 : vector<16xf32>
        %parallel_loop3A_280 = arith.constant 1 : i32
        %parallel_loop3A_281 = arith.index_cast %parallel_loop3A_280 : i32 to index
        %parallel_loop3A_282 = arith.index_cast %parallel_loop3A_246 : i32 to index
        %parallel_loop3A_283 = tpu.vector_load %arg14[%parallel_loop3A_281, %parallel_loop3A_282] {strides = array<i32>} : memref<4x4096xf32, #tpu.memory_space<vmem>>, vector<16xf32>,
        tpu.vector_store %arg14[%parallel_loop3A_281, %parallel_loop3A_282], %parallel_loop3A_279 {strides = array<i32>} : memref<4x4096xf32, #tpu.memory_space<vmem>>, vector<16xf32>,
        %parallel_loop3A_284 = arith.constant 2 : i32
        %parallel_loop3A_285 = vector.broadcast %parallel_loop3A_284 : i32 to vector<16xi32>
        %parallel_loop3A_286 = arith.constant 2 : i32
        %parallel_loop3A_287 = arith.index_cast %parallel_loop3A_286 : i32 to index
        %parallel_loop3A_288 = arith.index_cast %parallel_loop3A_246 : i32 to index
        %parallel_loop3A_289 = tpu.vector_load %arg12[%parallel_loop3A_287, %parallel_loop3A_288] {strides = array<i32>} : memref<4x4096xf32, #tpu.memory_space<vmem>>, vector<16xf32>,
        %parallel_loop3A_290 = tpu.vector_load_idx %arg12[%parallel_loop3A_285, %parallel_loop3A_173] : memref<4x4096xf32, #tpu.memory_space<vmem>>[vector<16xi32>, vector<16xi32>], vector<16xf32>,
        %parallel_loop3A_291 = arith.mulf %parallel_loop3A_289, %parallel_loop3A_251 : vector<16xf32>
        %parallel_loop3A_292 = arith.mulf %parallel_loop3A_290, %parallel_loop3A_255 : vector<16xf32>
        %parallel_loop3A_293 = arith.addf %parallel_loop3A_291, %parallel_loop3A_292 : vector<16xf32>
        %parallel_loop3A_294 = arith.constant 2 : i32
        %parallel_loop3A_295 = arith.index_cast %parallel_loop3A_294 : i32 to index
        %parallel_loop3A_296 = arith.index_cast %parallel_loop3A_246 : i32 to index
        %parallel_loop3A_297 = tpu.vector_load %arg14[%parallel_loop3A_295, %parallel_loop3A_296] {strides = array<i32>} : memref<4x4096xf32, #tpu.memory_space<vmem>>, vector<16xf32>,
        tpu.vector_store %arg14[%parallel_loop3A_295, %parallel_loop3A_296], %parallel_loop3A_293 {strides = array<i32>} : memref<4x4096xf32, #tpu.memory_space<vmem>>, vector<16xf32>,
        %parallel_loop3A_298 = arith.constant 3 : i32
        %parallel_loop3A_299 = vector.broadcast %parallel_loop3A_298 : i32 to vector<16xi32>
        %parallel_loop3A_300 = arith.constant 3 : i32
        %parallel_loop3A_301 = arith.index_cast %parallel_loop3A_300 : i32 to index
        %parallel_loop3A_302 = arith.index_cast %parallel_loop3A_246 : i32 to index
        %parallel_loop3A_303 = tpu.vector_load %arg12[%parallel_loop3A_301, %parallel_loop3A_302] {strides = array<i32>} : memref<4x4096xf32, #tpu.memory_space<vmem>>, vector<16xf32>,
        %parallel_loop3A_304 = tpu.vector_load_idx %arg12[%parallel_loop3A_299, %parallel_loop3A_173] : memref<4x4096xf32, #tpu.memory_space<vmem>>[vector<16xi32>, vector<16xi32>], vector<16xf32>,
        %parallel_loop3A_305 = arith.mulf %parallel_loop3A_303, %parallel_loop3A_251 : vector<16xf32>
        %parallel_loop3A_306 = arith.mulf %parallel_loop3A_304, %parallel_loop3A_255 : vector<16xf32>
        %parallel_loop3A_307 = arith.addf %parallel_loop3A_305, %parallel_loop3A_306 : vector<16xf32>
        %parallel_loop3A_308 = arith.constant 3 : i32
        %parallel_loop3A_309 = arith.index_cast %parallel_loop3A_308 : i32 to index
        %parallel_loop3A_310 = arith.index_cast %parallel_loop3A_246 : i32 to index
        %parallel_loop3A_311 = tpu.vector_load %arg14[%parallel_loop3A_309, %parallel_loop3A_310] {strides = array<i32>} : memref<4x4096xf32, #tpu.memory_space<vmem>>, vector<16xf32>,
        tpu.vector_store %arg14[%parallel_loop3A_309, %parallel_loop3A_310], %parallel_loop3A_307 {strides = array<i32>} : memref<4x4096xf32, #tpu.memory_space<vmem>>, vector<16xf32>,
      } {sc.loop_unroll_factor = 2 : i64, sc.parallel_access}
      %add3A_148 = arith.constant 1 : i32
      %add3A_149 = arith.addi %mul3A_105, %add3A_148 : i32
      %mul3A_150 = arith.constant 4 : i32
      %mul3A_151 = arith.muli %add3A_149, %mul3A_150 : i32
      %add3A_152 = arith.addi %mul3A_2, %mul3A_151 : i32
      %dma_start3A_153 = arith.constant 0 : i32
      %dma_start3A_154 = tpu.memref_slice %arg5[%add3A_152, %dma_start3A_153] : memref<8192x4096xf32, #tpu.memory_space<hbm>> -> memref<4x4096xf32, #tpu.memory_space<hbm>>
      %dma_start3A_155 = arith.constant 0 : i32
      %dma_start3A_156 = tpu.memref_slice %arg5[%add3A_152, %dma_start3A_155] : memref<8192x4096xf32, #tpu.memory_space<hbm>> -> memref<4x4096xf32, #tpu.memory_space<hbm>>
      tpu.enqueue_dma source(%arg14 : memref<4x4096xf32, #tpu.memory_space<vmem>>) target(%dma_start3A_156 : memref<4x4096xf32, #tpu.memory_space<hbm>>) target_semaphore(%arg18 : memref<!tpu.dma_semaphore, #tpu.memory_space<semaphore_mem>>)
      %add3A_157 = arith.constant 3 : i32
      %add3A_158 = arith.addi %mul3A_105, %add3A_157 : i32
      %lt3A_159 = arith.constant 64 : i32
      %lt3A_160 = arith.cmpi slt, %add3A_158, %lt3A_159 : i32
      %convert_element_type3A_161 = arith.extui %lt3A_160 : i1 to i32
      %cond3A_162 = arith.constant 0 : i32
      %cond3A_163 = arith.cmpi ne, %convert_element_type3A_161, %cond3A_162 : i32
      scf.if %cond3A_163 {
        %add3A_164 = arith.constant 3 : i32
        %add3A_165 = arith.addi %mul3A_105, %add3A_164 : i32
        %mul3A_166 = arith.constant 4 : i32
        %mul3A_167 = arith.muli %add3A_165, %mul3A_166 : i32
        %add3A_168 = arith.addi %mul3A_2, %mul3A_167 : i32
        %dma_start3A_169 = arith.constant 0 : i32
        %dma_start3A_170 = tpu.memref_slice %arg2[%add3A_168, %dma_start3A_169] : memref<8192x4096xf32, #tpu.memory_space<hbm>> -> memref<4x4096xf32, #tpu.memory_space<hbm>>
        %dma_start3A_171 = arith.constant 0 : i32
        %dma_start3A_172 = tpu.memref_slice %arg2[%add3A_168, %dma_start3A_171] : memref<8192x4096xf32, #tpu.memory_space<hbm>> -> memref<4x4096xf32, #tpu.memory_space<hbm>>
        tpu.enqueue_dma source(%dma_start3A_172 : memref<4x4096xf32, #tpu.memory_space<hbm>>) target(%arg12 : memref<4x4096xf32, #tpu.memory_space<vmem>>) target_semaphore(%arg16 : memref<!tpu.dma_semaphore, #tpu.memory_space<semaphore_mem>>)
      } else {
      }
    }
    %scan3A_91 = arith.constant 32 : i32
    %add3A_92 = arith.constant 248 : i32
    %add3A_93 = arith.addi %mul3A_2, %add3A_92 : i32
    %dma_wait3A = arith.constant 0 : i32
    %dma_wait3A_94 = tpu.memref_slice %arg5[%add3A_93, %dma_wait3A] : memref<8192x4096xf32, #tpu.memory_space<hbm>> -> memref<4x4096xf32, #tpu.memory_space<hbm>>
    %dma_wait3A_95 = arith.constant 0 : i32
    %dma_wait3A_96 = tpu.memref_slice %arg5[%add3A_93, %dma_wait3A_95] : memref<8192x4096xf32, #tpu.memory_space<hbm>> -> memref<4x4096xf32, #tpu.memory_space<hbm>>
    tpu.wait_dma2 semaphore(%arg17 : memref<!tpu.dma_semaphore, #tpu.memory_space<semaphore_mem>>) src(%arg13 : memref<4x4096xf32, #tpu.memory_space<vmem>>) dst(%dma_wait3A_96 : memref<4x4096xf32, #tpu.memory_space<hbm>>)
    %add3A_97 = arith.constant 252 : i32
    %add3A_98 = arith.addi %mul3A_2, %add3A_97 : i32
    %dma_wait3A_99 = arith.constant 0 : i32
    %dma_wait3A_100 = tpu.memref_slice %arg5[%add3A_98, %dma_wait3A_99] : memref<8192x4096xf32, #tpu.memory_space<hbm>> -> memref<4x4096xf32, #tpu.memory_space<hbm>>
    %dma_wait3A_101 = arith.constant 0 : i32
    %dma_wait3A_102 = tpu.memref_slice %arg5[%add3A_98, %dma_wait3A_101] : memref<8192x4096xf32, #tpu.memory_space<hbm>> -> memref<4x4096xf32, #tpu.memory_space<hbm>>
    tpu.wait_dma2 semaphore(%arg18 : memref<!tpu.dma_semaphore, #tpu.memory_space<semaphore_mem>>) src(%arg14 : memref<4x4096xf32, #tpu.memory_space<vmem>>) dst(%dma_wait3A_102 : memref<4x4096xf32, #tpu.memory_space<hbm>>)
    return
  }
}

</mosaic_0001>

<sc_bundles>
// kernel: kernel.3.cloned.1.call-start
scs
__scs_entry_jumppad:
0x0: {  	(pc) =	sbr.rel $0x88, $3  }
0x1: {  	(tag) =	ssettag $0x0;
	lr =	simm.s32 $0x1  }
0x2: {  	[smem:$0x3F9E] =	sst lr;
	_ =	strace $0xD0000000  }
0x3: {  	_ = 	snop  }
0x4: {  	_ = 	snop  }
0x5: {  	_ = 	snop  }
0x6: {  	_ = 	snop  }
0x7: {  	_ = 	snop  }
__scs_overlays_trampoline_lowered:
0x8: {  	[smem:$0x3FAD] =	sst s0  }
0x9: {  	[smem:$0x3FAE] =	sst s1  }
0xa: {  	[smem:$0x3FAF] =	sst s2  }
0xb: {  	[smem:$0x3FB0] =	sst s3  }
0xc: {  	[smem:$0x3FB1] =	sst s4  }
0xd: {  	[smem:$0x3FB2] =	sst s5  }
0xe: {  	[smem:$0x3FB3] =	sst s6  }
0xf: {  	[smem:$0x3FB4] =	sst s7  }
0x10: {  	[smem:$0x3FB5] =	sst s8  }
0x11: {  	[smem:$0x3FB6] =	sst s9;
	s0 =	simm.s32 @!p0 $0x0  }
0x12: {  	s1 =	sld [smem:$0x3F9C];
	s0 =	simm.s32 @p0 $0x1  }
0x13: {  	[smem:$0x3FB7] =	sst s0;
	s0 =	simm.s32 @!p1 $0x0  }
0x14: {  	s2 =	sld [smem:$0x3F9B];
	s0 =	simm.s32 @p1 $0x1  }
0x15: {  	[smem:$0x3FB8] =	sst s0;
	s0 =	simm.s32 @!p2 $0x0  }
0x16: {  	s3 =	sld [smem:$0x3FDB];
	s0 =	simm.s32 @p2 $0x1  }
0x17: {  	s4 =	simm.s32 $0x1BF5;
	[smem:$0x3FBA] =	sst s0  }
0x18: {  	s0 =	sld [smem:$0x3F9D];
	_ =	swait.ge [sflag:s4], $0x0  }
0x19: {  	s7 =	sld [smem:$0x3F9E]  }
0x1a: {  	s8 =	sadd.s32 $0xFFFFE003, lr  }
0x1b: {  	s9 =	sadd.s32 $0xFFFFFEF7, lr;
	s5 =	simm.s32 $0xFFFFFFFF;
	p2 =	slt.u32 s8, $0xFFFFF086  }
0x1c: {  	p1 =	slt.u32 s9, $0xF7A;
	s5 =	simm.s32 @!p2 $0x0  }
0x1d: {  	s5 =	simm.s32 @p1 $0x1;
	p0 =	seq.s32 s7, s2  }
0x1e: {  	s7 =	smul.u32 @!p0 $0xF7A, s2;
	p2 =	seq.s32 @!p0 s5, $0x0  }
0x1f: {  	s9 =	smul.u32 $0xF7A, s1;
	s8 =	simm.s32 @!p0 $0x1BF5;
	p2 =	por !p2, p0  }
0x20: {  	[sflag:s8] =	ssyncset.s32 @!p0 $0xFFFFF086;
	s6 =	sadd.s32 @!p0 s3, s7;
	s7 =	simm.s32 @!p0 $0x108  }
0x21: {  	s3 =	sadd.s32 s3, s9;
	s6 =	sadd.s32 @!p0 $0x88, s6;
	s7 =	simm.s32 @p2 $0x1082  }
0x22: {  	[simem:s7], [sflag:s8] =	dma.local @!p0 [hbm:s6], $0xF7A  }
0x23: {  	s9 =	sor.u32 $0xD0000000, s2;
	s6 =	simm.s32 $0x108;
	_ =	swait.ge @!p0 [sflag:s8], $0x0  }
0x24: {  	s3 =	sadd.s32 $0x88, s3;
	s6 =	simm.s32 @!p1 $0x1082;
	[sflag:s4] =	ssyncset.s32 $0xFFFFF086  }
0x25: {  	[simem:s6], [sflag:s4] =	dma.local [hbm:s3], $0xF7A  }
0x26: {  	[smem:$0x3F9E] =	sst s1;
	(tag) =	ssettag s2;
	_ =	strace s9  }
0x27: {  	s1 =	sld [smem:$0x3FAE]  }
0x28: {  	s2 =	sld [smem:$0x3FAF]  }
0x29: {  	s4 =	sld [smem:$0x3FB1]  }
0x2a: {  	p0 =	seq.s32 s5, $0x0;
	s5 =	sld [smem:$0x3FB2]  }
0x2b: {  	s6 =	sld [smem:$0x3FB3]  }
0x2c: {  	s7 =	sld [smem:$0x3FB4]  }
0x2d: {  	s3 =	simm.s32 $0x108;
	s8 =	sld [smem:$0x3FB5]  }
0x2e: {  	s3 =	simm.s32 @!p0 $0x1082;
	s9 =	sld [smem:$0x3FB6]  }
0x2f: {  	lr =	sadd.s32 s0, s3;
	s0 =	sld [smem:$0x3FAD]  }
0x30: {  	s3 =	sld [smem:$0x3FB0]  }
0x31: {  	[smem:$0x3FB9] =	sst s10  }
0x32: {  	s10 =	sld [smem:$0x3FB7];
	_ =	sdelay $0x3  }
0x33: {  	p0 =	seq.s32 s10, $0x1;
	s10 =	sld [smem:$0x3FB9];
	_ =	sdelay $0x3  }
0x34: {  	[smem:$0x3FB9] =	sst s10  }
0x35: {  	s10 =	sld [smem:$0x3FB8];
	_ =	sdelay $0x3  }
0x36: {  	p1 =	seq.s32 s10, $0x1;
	s10 =	sld [smem:$0x3FB9];
	_ =	sdelay $0x3  }
0x37: {  	[smem:$0x3FB9] =	sst s10  }
0x38: {  	s10 =	sld [smem:$0x3FBA]  }
0x39: {  	_ = 	snop;
	(pc) =	sbr.ind lr, $3  }
0x3a: {  	_ = 	snop  }
0x3b: {  	_ = 	snop  }
0x3c: {  	p2 =	seq.s32 s10, $0x1;
	s10 =	sld [smem:$0x3FB9]  }
0x3d: {  	_ =	shalt  }
0x3e: {  	_ =	shalt  }
0x3f: {  	_ =	shalt  }
0x40: {  	_ =	shalt  }
0x41: {  	_ =	shalt  }
0x42: {  	_ =	shalt  }
0x43: {  	_ =	shalt  }
0x44: {  	_ =	shalt  }
0x45: {  	_ =	shalt  }
0x46: {  	_ =	shalt  }
0x47: {  	_ =	shalt  }
0x48: {  	_ =	shalt  }
0x49: {  	_ =	shalt  }
0x4a: {  	_ =	shalt  }
0x4b: {  	_ =	shalt  }
0x4c: {  	_ =	shalt  }
0x4d: {  	_ =	shalt  }
0x4e: {  	_ =	shalt  }
0x4f: {  	_ =	shalt  }
0x50: {  	_ =	shalt  }
0x51: {  	_ =	shalt  }
0x52: {  	_ =	shalt  }
0x53: {  	_ =	shalt  }
0x54: {  	_ =	shalt  }
0x55: {  	_ =	shalt  }
0x56: {  	_ =	shalt  }
0x57: {  	_ =	shalt  }
0x58: {  	_ =	shalt  }
0x59: {  	_ =	shalt  }
0x5a: {  	_ =	shalt  }
0x5b: {  	_ =	shalt  }
0x5c: {  	_ =	shalt  }
0x5d: {  	_ =	shalt  }
0x5e: {  	_ =	shalt  }
0x5f: {  	_ =	shalt  }
0x60: {  	_ =	shalt  }
0x61: {  	_ =	shalt  }
0x62: {  	_ =	shalt  }
0x63: {  	_ =	shalt  }
0x64: {  	_ =	shalt  }
0x65: {  	_ =	shalt  }
0x66: {  	_ =	shalt  }
0x67: {  	_ =	shalt  }
0x68: {  	_ =	shalt  }
0x69: {  	_ =	shalt  }
0x6a: {  	_ =	shalt  }
0x6b: {  	_ =	shalt  }
0x6c: {  	_ =	shalt  }
0x6d: {  	_ =	shalt  }
0x6e: {  	_ =	shalt  }
0x6f: {  	_ =	shalt  }
0x70: {  	_ =	shalt  }
0x71: {  	_ =	shalt  }
0x72: {  	_ =	shalt  }
0x73: {  	_ =	shalt  }
0x74: {  	_ =	shalt  }
0x75: {  	_ =	shalt  }
0x76: {  	_ =	shalt  }
0x77: {  	_ =	shalt  }
0x78: {  	_ =	shalt  }
0x79: {  	_ =	shalt  }
0x7a: {  	_ =	shalt  }
0x7b: {  	_ =	shalt  }
0x7c: {  	_ =	shalt  }
0x7d: {  	_ =	shalt  }
0x7e: {  	_ =	shalt  }
0x7f: {  	_ =	shalt  }
0x80: {  	_ =	shalt  }
0x81: {  	_ =	shalt  }
0x82: {  	_ =	shalt  }
0x83: {  	_ =	shalt  }
0x84: {  	_ =	shalt  }
0x85: {  	_ =	shalt  }
0x86: {  	_ =	shalt  }
0x87: {  	_ =	shalt  }
.Lfunc_end0:
.L_simem_size_0:
called_computation_lowered:
.L_overlay_start_0:
0x88: {  	s2 =	sld [smem:$0x3FD9]  }
0x89: {  	s3 =	sld [smem:$0x3FFE];
	_ =	sdelay $0x1  }
0x8a: {  	s1 =	srdreg.scid  }
0x8b: {  	s0 =	sand.u32 $0x1, s1  }
0x8c: {  	s17 =	sshll.u32 s0, $0xA;
	s2 =	sadd.s32 s3, s2  }
0x8d: {  	s2 =	sadd.s32 s2, s17  }
0x8e: {  	[smem:$0x3FC5] =	sst s2  }
0x8f: {  	_ = 	snop  }
0x90: {  	s2 =	sld [smem:$0x3FC9]  }
0x91: {  	s18 =	sld [smem:$0x3FD0];
	(tm) =	ssettm $0x1  }
0x92: {  	s4 =	sld [smem:$0x3FFB];
	_ =	sdelay $0x3  }
0x93: {  	_ =	strace s4  }
0x94: {  	s4 =	sld [smem:$0x3FFC];
	_ =	sdelay $0x3  }
0x95: {  	_ =	strace s4  }
0x96: {  	s4 =	sld [smem:$0x3FFD];
	_ =	sdelay $0x3  }
0x97: {  	_ =	strace s4  }
0x98: {  	_ =	strace $0x8FFFFFFF  }
0x99: {  	s19 =	sld [smem:$0x3FDB];
	_ =	sdelay $0x1  }
0x9a: {  	s5 =	simm.s32 $_scs_section_size  }
0x9b: {  	s6 =	simm.s32 $_size__tile_overlayer_lowered;
	s7 =	simm.s32 $_tile_overlayer_lowered  }
0x9c: {  	s22 =	simm.s32 $0x1BFF;
	s21 =	sshll.u32 s7, $0x1;
	s4 =	sadd.s32 s5, s19  }
0x9d: {  	s8 =	simm.s32 $0x0;
	s20 =	sshll.u32 s6, $0x1;
	s6 =	sadd.s32 s21, s4  }
0x9e: {  	[timem:s8], [sflag:s22] =	dma.local [hbm:s6], s20  }
0x9f: {  	_ =	swait.ge [sflag:s22], s20  }
0xa0: {  	s5 =	ssub.s32 $0x0, s20;
	[sflag:s22] =	ssyncset.done $0x0  }
0xa1: {  	[sflag:s22] =	ssyncadd.s32 s5;
	_ =	sdelay $0x1  }
0xa2: {  	s23 =	simm.s32 $0x1B8B  }
0xa3: {  	_ =	swait.ge [sflag:s23], $0x1  }
0xa4: {  	[sflag:s23] =	ssyncset.done $0x0  }
0xa5: {  	s25 =	simm.s32 $0x1B8E;
	s24 =	sld [smem:$0x3FFE];
	[sflag:s23] =	ssyncadd.s32 $0xFFFFFFFF  }
0xa6: {  	s26 =	simm.s32 $execute0_lowered;
	[smem:$0x3FD2] =	sst s25  }
0xa7: {  	s6 =	sshll.u32 s26, $0x1;
	_ =	strace $0x80000046;
	[dreg:$0x1] =	wrdreg $0xFFFFFFFF  }
0xa8: {  	s28 =	simm.s32 $_size_execute0_lowered;
	s4 =	sadd.s32 s4, s6;
	[dreg:$0x0] =	wrdreg $0x0  }
0xa9: {  	s6 =	sshll.u32 s28, $0x1;
	[dreg:$0x2] =	wrdreg s4  }
0xaa: {  	[dreg:$0x3] =	wrdreg s6  }
0xab: {  	[dreg:$0x4] =	wrdreg $0xC0  }
0xac: {  	_ =	task [dreg:s8], $0x5FFFF  }
0xad: {  	[dreg:$0x1] =	wrdreg $0xFFFFFFFF  }
0xae: {  	[dreg:$0x0] =	wrdreg $0x60  }
0xaf: {  	[dreg:$0x2] =	wrdreg s2  }
0xb0: {  	[dreg:$0x3] =	wrdreg s24  }
0xb1: {  	[dreg:$0x4] =	wrdreg s18  }
0xb2: {  	[dreg:$0x5] =	wrdreg $0x9  }
0xb3: {  	_ =	task.clear_ibuf [dreg:s8], $0x6FFFF;
	_ =	strace $0x90000046  }
0xb4: {  	s29 =	simm.s32 $0x9;
	_ =	strace $0x80000048  }
0xb5: {  	_ =	swait.ge [sflag:s29], $0x1  }
0xb6: {  	[sflag:s29] =	ssyncadd.s32 $0xFFFFFFFF  }
0xb7: {  	_ =	strace $0x90000048  }
0xb8: {  	_ =	sfence  }
0xb9: {  	s30 =	sld [smem:$0x0];
	_ =	sdelay $0x2  }
0xba: {  	s31 =	sshll.u32 s1, $0xD;
	s1 =	sshrl.u32 s1, $0x2  }
0xbb: {  	s3 =	sand.u32 $0x4000, s31;
	s1 =	sadd.s32 s1, s30  }
0xbc: {  	s0 =	sor.u32 s3, s0;
	s1 =	sshll.u32 s1, $0x11  }
0xbd: {  	s0 =	sor.u32 s1, s0  }
0xbe: {  	s0 =	sadd.s32 $0x8F2B, s0  }
0xbf: {  	[sflag:s0] =	ssyncadd.remote.s32 $0x1  }
0xc0: {  	_ =	sfence.sel $0xFFFF  }
0xc1: {  	[dreg:$0x0] =	wrdreg $0xFFFFFFFF;
	(pc) =	sbr.abs _section_cstart, $3  }
0xc2: {  	[dreg:$0x1] =	wrdreg $0xFFFFFFFF  }
0xc3: {  	_ =	task.clear_ibuf [dreg:s8], $0x2FFFF;
	_ =	strace $0x9FFFFFFF  }
0xc4: {  	(tm) =	ssettm $0x7FFFFFFF  }
0xc5: {  	_ =	shalt  }
tec
execute0_lowered:
.L_overlay_start_1:
0x0: {  	(tag) =	ssettag $0x1  }
0x1: {  	s0 =	rddreg [dreg:$0x0]  }
0x2: {  	s1 =	rddreg [dreg:$0x1]  }
0x3: {  	s5 =	rddreg [dreg:$0x2];
	s2 =	srdreg.scid  }
0x4: {  	s4 =	simm.s32 $0x0;
	s3 =	stileid.u32;
	s30 =	simm.s32 $0x5800  }
0x5: {  	s9 =	simm.s32 $0x1000;
	s2 =	sand.u32 $0x1, s2;
	[smem:$0x7FF] =	sst s4  }
0x6: {  	s3 =	sshll.u32 s3, $0x9;
	s21 =	sadd.s32 $0x400, s1;
	s1 =	sadd.s32 $0x600, s1  }
0x7: {  	s20 =	sshll.u32 s2, $0x8;
	_ =	strace $0x80000047;
	[dreg:$0xd] =	wrdreg s21  }
0x8: {  	s29 =	sadd.s32 $0x40, s5;
	[dreg:$0xf] =	wrdreg s1;
	s3 =	sor.u32 s20, s3  }
0x9: {  	s2 =	ssub.s32 $0x2, s2;
	[dreg:$0x14] =	wrdreg s29;
	s22 =	sshll.u32 s3, $0x9  }
0xa: {  	s23 =	sshrl.u32 s2, $0x1;
	s26 =	sshrl.u32 s3, $0x3;
	[dreg:$0xe] =	wrdreg s22  }
0xb: {  	v0 =	vimm.s32 $0xFFFFFFFF;
	v1 =	vlaneseq.u32;
	vm0 =	vcmask $0x704;
	s24 =	ssub.s32 s2, s23;
	s4 =	sadd.s32 s0, s22;
	[dreg:$0x12] =	wrdreg s26  }
.Ltmp0:
0xc: {  	vm1 =	vcmask $0xB08;
	vm2 =	vcmask $0xF0C;
	vm3 =	vcmask $0x1310;
	s0 =	smax.u32 s24, $0x1;
	[dreg:$0x10] =	wrdreg s4;
	(pc) =	sbr.rel .LBB2_1-.Ltmp0, $4  }
0xd: {  	vm4 =	vcmask $0x1714;
	vm5 =	vcmask $0x1B18;
	vm6 =	vcmask $0x1F1C;
	s5 =	simm.s32 $0x0;
	s25 =	sadd.s32 $0x40, s4;
	[dreg:$0x16] =	wrdreg s0  }
0xe: {  	vm7 =	vcmask $0x2320;
	vm8 =	vcmask $0x2724;
	vm9 =	vcmask $0x2B28;
	s1 =	simm.s32 $0x200;
	s28 =	sadd.s32 $0x1000, s4;
	[dreg:$0x11] =	wrdreg s25  }
0xf: {  	vm10 =	vcmask $0x2F2C;
	vm11 =	vcmask $0x3330;
	vm12 =	vcmask $0x3734;
	s2 =	simm.s32 $0x400;
	s31 =	sadd.s32 $0x1040, s4;
	[dreg:$0x13] =	wrdreg s28  }
0x10: {  	vm13 =	vcmask $0x3B38;
	vm14 =	vcmask $0x3F3C;
	v2 =	vimm.s32 $0x0;
	s3 =	simm.s32 $0x3000;
	s4 =	simm.s32 $0x9800;
	[dreg:$0x15] =	wrdreg s31  }
.LBB2_18:
0x11: {  	s0 =	simm.s32 $0x3  }
0x12: {  	_ =	swait.ge [sflag:s0], $0x4000  }
0x13: {  	[sflag:s0] =	ssyncset.done $0x0  }
0x14: {  	s3 =	simm.s32 $0x4;
	[sflag:s0] =	ssyncadd.s32 $0xFFFFC000  }
0x15: {  	_ =	swait.ge [sflag:s3], $0x4000  }
0x16: {  	s5 =	rddreg [dreg:$0x17]  }
0x17: {  	s31 =	rddreg [dreg:$0x16];
	s5 =	sadd.s32 $0x1, s5  }
0x18: {  	p0 =	sne.s32 s5, s31  }
.Ltmp1:
0x19: {  	_ = 	snop;
	(pc) =	sbr.rel @!p0 .LBB2_19-.Ltmp1, $3  }
0x1a: {  	_ =	sdelay $0x1  }
0x1b: {  	s30 =	simm.s32 $0x5800;
	[sflag:s3] =	ssyncset.done $0x0  }
0x1c: {  	s9 =	simm.s32 $0x1000;
	[sflag:s3] =	ssyncadd.s32 $0xFFFFC000;
	s3 =	simm.s32 $0x3000  }
.LBB2_1:
0x1d: {  	s0 =	rddreg [dreg:$0x10]  }
0x1e: {  	[tilespmem:s30], [sflag:$0x1] =	stream.strided.gather [hbm4b:s0+s1], $0x4000, s2, s1, $0x38;
	[tilespmem:$0x15800] =	vst v63  }
0x1f: {  	s25 =	rddreg [dreg:$0x11]  }
0x20: {  	[tilespmem:s4], [sflag:$0x2] =	stream.strided.gather [hbm4b:s25+s1], $0x4000, s2, s1, $0x38;
	[tilespmem:$0x15800] =	vst v63  }
0x21: {  	s26 =	simm.s32 $0x0;
	s28 =	rddreg [dreg:$0xd];
	s29 =	simm.s32 $0x5  }
0x22: {  	[tilespmem:s26], [sflag:$0x5] =	stream.linear.gather [hbm4b:s28+s26], $0x1000, $0x38;
	[tilespmem:$0x15800] =	vst v63  }
0x23: {  	_ =	swait.ge [sflag:s29], $0x1000  }
0x24: {  	[sflag:s29] =	ssyncset.done $0x0  }
0x25: {  	s31 =	rddreg [dreg:$0xf];
	[sflag:s29] =	ssyncadd.s32 $0xFFFFF000  }
0x26: {  	[tilespmem:s9], [sflag:$0x5] =	stream.linear.gather [hbm4b:s31+s26], $0x2000, $0x38;
	[tilespmem:$0x15800] =	vst v63  }
0x27: {  	_ =	swait.ge [sflag:s29], $0x2000  }
0x28: {  	[sflag:s29] =	ssyncset.done $0x0  }
0x29: {  	s0 =	simm.s32 $0x3020;
	[sflag:s29] =	ssyncadd.s32 $0xFFFFE000  }
0x2a: {  	[tilespmem:s0+$0xFFFFFFE0] =	vst v0  }
0x2b: {  	[tilespmem:s0+$0x10] =	vst v0  }
0x2c: {  	s1 =	simm.s32 $0x0;
	[tilespmem:s0+$0x0] =	vst v0  }
.LBB2_2:
0x2d: {  	s1 =	sadd.s32 $0x4, s1  }
0x2e: {  	[tilespmem:s0+$0xFFFFFFF0] =	vst v0;
	s0 =	sadd.s32 $0x40, s0;
	p0 =	slt.u32 s1, $0xFC  }
.Ltmp2:
0x2f: {  	[tilespmem:s0+$0xFFFFFFE0] =	vst v0;
	(pc) =	sbr.rel @p0 .LBB2_2-.Ltmp2, $3  }
0x30: {  	_ =	sdelay $0x1  }
0x31: {  	[tilespmem:s0+$0x10] =	vst v0  }
0x32: {  	[tilespmem:s0+$0x0] =	vst v0  }
0x33: {  	[dreg:$0x17] =	wrdreg s5  }
0x34: {  	s1 =	simm.s32 $0x0;
	[tilespmem:s0+$0xFFFFFFF0] =	vst v0;
	s0 =	simm.s32 $0x0  }
.LBB2_4:
0x35: {  	v3 =	vld [tilespmem:s0+$0x0];
	_ =	sdelay $0x6  }
0x36: {  	v4 =	vor.u32 s1, v1  }
0x37: {  	[tilespmem:v3+s3+$0x0] =	vst.idx.msk $0x1, v4  }
0x38: {  	[tilespmem:v3+s3+$0x0] =	vst.idx.msk vm0, v4  }
0x39: {  	[tilespmem:v3+s3+$0x0] =	vst.idx.msk vm1, v4  }
0x3a: {  	[tilespmem:v3+s3+$0x0] =	vst.idx.msk vm2, v4  }
0x3b: {  	[tilespmem:v3+s3+$0x0] =	vst.idx.msk vm3, v4  }
0x3c: {  	[tilespmem:v3+s3+$0x0] =	vst.idx.msk vm4, v4  }
0x3d: {  	[tilespmem:v3+s3+$0x0] =	vst.idx.msk vm5, v4  }
0x3e: {  	[tilespmem:v3+s3+$0x0] =	vst.idx.msk vm6, v4  }
0x3f: {  	[tilespmem:v3+s3+$0x0] =	vst.idx.msk vm7, v4  }
0x40: {  	[tilespmem:v3+s3+$0x0] =	vst.idx.msk vm8, v4  }
0x41: {  	p0 =	sne.s32 s1, $0xFF0;
	[tilespmem:v3+s3+$0x0] =	vst.idx.msk vm9, v4  }
.Ltmp3:
0x42: {  	[tilespmem:v3+s3+$0x0] =	vst.idx.msk vm10, v4;
	(pc) =	sbr.rel @p0 .LBB2_4-.Ltmp3, $4  }
0x43: {  	[tilespmem:v3+s3+$0x0] =	vst.idx.msk vm11, v4  }
0x44: {  	[tilespmem:v3+s3+$0x0] =	vst.idx.msk vm12, v4  }
0x45: {  	[tilespmem:v3+s3+$0x0] =	vst.idx.msk vm13, v4  }
0x46: {  	s0 =	sadd.s32 $0x10, s0;
	s1 =	sadd.s32 $0x10, s1;
	[tilespmem:v3+s3+$0x0] =	vst.idx.msk vm14, v4  }
0x47: {  	s1 =	simm.s32 $0x3020  }
0x48: {  	v3 =	vld [tilespmem:s1+$0x0];
	_ =	sdelay $0x4  }
0x49: {  	vm0 =	vgt.s32 v3, $0x0  }
0x4a: {  	v4 =	vnsel vm0, $0x0, v3  }
0x4b: {  	v5 =	vand.u32 $0x7FF, v4  }
0x4c: {  	vm0 =	vlt.s32 v3, $0x1;
	vm1 =	vne.s32 v5, $0x0  }
0x4d: {  	vm0 =	vmand vm0, vm1  }
0x4e: {  	v5 =	vshrl.u32 v4, $0xB;
	v6 =	vsel vm0, $0xFFFFFFFF, v2  }
0x4f: {  	v7 =	vld [tilespmem:s1+$0xFFFFFFE0];
	v5 =	vadd.s32 v6, v5  }
0x50: {  	v6 =	vshll.u32 v5, $0xB  }
0x51: {  	v9 =	vmul.u32 $0x3, v5;
	v8 =	vsub.s32 v4, v6  }
0x52: {  	v10 =	vshll.u32 v8, $0x2  }
0x53: {  	v9 =	vadd.s32 v9, v10;
	v5 =	vsub.s32 v10, v5  }
0x54: {  	vm0 =	vgt.s32 v7, $0x0;
	v5 =	vadd.s32 $0x2, v5  }
0x55: {  	v10 =	vnsel vm0, $0x0, v7  }
0x56: {  	v11 =	vand.u32 $0x7FF, v10  }
0x57: {  	vm0 =	vlt.s32 v7, $0x1;
	vm1 =	vne.s32 v11, $0x0  }
0x58: {  	vm0 =	vmand vm0, vm1;
	v9 =	vld.idx.msk [tilespmem:v9+s9+$0x0], $0xffff  }
0x59: {  	v11 =	vshrl.u32 v10, $0xB;
	v12 =	vsel vm0, $0xFFFFFFFF, v2;
	v5 =	vld.idx.msk [tilespmem:v5+s9+$0x0], $0xffff  }
0x5a: {  	v6 =	vsub.s32 v8, v6;
	v8 =	vadd.s32 v12, v11  }
0x5b: {  	v4 =	vand.u32 $0x7F, v4;
	v6 =	vand.u32 $0xFFFFFF80, v6;
	v11 =	vshll.u32 v8, $0xB  }
0x5c: {  	v4 =	vor.u32 v4, v6;
	v6 =	vsub.s32 v10, v11  }
0x5d: {  	v4 =	vadd.s32 $0x800, v4;
	v12 =	vmul.u32 $0x3, v8;
	v13 =	vshll.u32 v6, $0x2  }
0x5e: {  	v8 =	vsub.s32 v13, v8;
	v9 =	vadd.s32 $0x8000, v9;
	v5 =	vadd.s32 $0x8000, v5  }
0x5f: {  	v8 =	vadd.s32 $0x2, v8;
	v9 =	vand.u32 $0xFFFF0000, v9;
	v5 =	vshrl.u32 v5, $0x10  }
0x60: {  	vm0 =	vgt.s32 v3, $0xFFFFFFFF;
	v12 =	vadd.s32 v12, v13;
	v3 =	vor.u32 v9, v5  }
0x61: {  	s10 =	simm.s32 $0x0;
	s0 =	simm.s32 $0x4020;
	v3 =	vnsel vm0, $0xBF800000, v3  }
0x62: {  	v4 =	vld.idx.msk [tilespmem:v4+s10+$0x0], $0xffff;
	[tilespmem:s0+$0x0] =	vst v3  }
0x63: {  	v5 =	vld [tilespmem:s1+$0x10]  }
0x64: {  	v3 =	vld.idx.msk [tilespmem:v8+s9+$0x0], $0xffff  }
0x65: {  	v8 =	vld.idx.msk [tilespmem:v12+s9+$0x0], $0xffff  }
0x66: {  	s3 =	simm.s32 $0x3060;
	v6 =	vsub.s32 v6, v11  }
0x67: {  	v6 =	vand.u32 $0xFFFFFF80, v6;
	v9 =	vand.u32 $0x7F, v10;
	v10 =	vld [tilespmem:s3+$0x0]  }
0x68: {  	vm1 =	vgt.s32 v7, $0xFFFFFFFF;
	v6 =	vor.u32 v9, v6;
	vm2 =	vgt.s32 v5, $0x0  }
0x69: {  	v6 =	vadd.s32 $0x800, v6;
	v3 =	vadd.s32 $0x8000, v3;
	v7 =	vnsel vm2, $0x0, v5  }
0x6a: {  	v8 =	vadd.s32 $0x8000, v8;
	v3 =	vshrl.u32 v3, $0x10;
	v9 =	vand.u32 $0x7FF, v7  }
0x6b: {  	v8 =	vand.u32 $0xFFFF0000, v8;
	vm2 =	vlt.s32 v5, $0x1;
	vm15 =	vne.s32 v9, $0x0  }
0x6c: {  	v3 =	vor.u32 v8, v3;
	vm2 =	vmand vm2, vm15;
	vm15 =	vgt.s32 v10, $0x0  }
0x6d: {  	v8 =	vld [tilespmem:s3+$0xFFFFFFE0];
	v9 =	vshrl.u32 v7, $0xB;
	v11 =	vsel vm2, $0xFFFFFFFF, v2;
	v12 =	vnsel vm15, $0x0, v10  }
0x6e: {  	v3 =	vnsel vm1, $0xBF800000, v3;
	v9 =	vadd.s32 v11, v9;
	v11 =	vand.u32 $0x7FF, v12  }
0x6f: {  	vm2 =	vlt.s32 v10, $0x1;
	v13 =	vshll.u32 v9, $0xB;
	vm15 =	vne.s32 v11, $0x0  }
0x70: {  	v16 =	vshrl.u32 v12, $0xB;
	v11 =	vsub.s32 v7, v13;
	vm2 =	vmand vm2, vm15  }
0x71: {  	v14 =	vmul.u32 $0x3, v9;
	v15 =	vshll.u32 v11, $0x2;
	v17 =	vsel vm2, $0xFFFFFFFF, v2  }
0x72: {  	vm2 =	vgt.s32 v8, $0x0;
	v9 =	vsub.s32 v15, v9;
	v16 =	vadd.s32 v17, v16  }
0x73: {  	v14 =	vadd.s32 v14, v15;
	v17 =	vnsel vm2, $0x0, v8;
	v15 =	vshll.u32 v16, $0xB  }
0x74: {  	vm2 =	vlt.s32 v8, $0x1;
	v19 =	vmul.u32 $0x3, v16;
	v18 =	vsub.s32 v12, v15  }
0x75: {  	v6 =	vld.idx.msk [tilespmem:v6+s10+$0x0], $0xffff;
	v9 =	vadd.s32 $0x2, v9;
	v20 =	vand.u32 $0x7FF, v17;
	v21 =	vshll.u32 v18, $0x2  }
0x76: {  	[tilespmem:s0+$0xFFFFFFE0] =	vst v3;
	vm15 =	vne.s32 v20, $0x0;
	v19 =	vadd.s32 v19, v21;
	v16 =	vsub.s32 v21, v16  }
0x77: {  	v52 =	vld [tilespmem:s1+$0xFFFFFFF0];
	vm2 =	vmand vm2, vm15;
	v16 =	vadd.s32 $0x2, v16  }
0x78: {  	v3 =	vsub.s32 v11, v13;
	v11 =	vshrl.u32 v17, $0xB;
	v13 =	vsel vm2, $0xFFFFFFFF, v2  }
0x79: {  	v7 =	vand.u32 $0x7F, v7;
	v53 =	vand.u32 $0xFFFFFF80, v3;
	v14 =	vld.idx.msk [tilespmem:v14+s9+$0x0], $0xffff;
	v11 =	vadd.s32 v13, v11  }
0x7a: {  	v3 =	vnsel vm1, $0x0, v6;
	v6 =	vor.u32 v7, v53;
	v7 =	vld.idx.msk [tilespmem:v9+s9+$0x0], $0xffff;
	v9 =	vshll.u32 v11, $0xB  }
0x7b: {  	v6 =	vadd.s32 $0x800, v6;
	v13 =	vand.u32 $0x7F, v17;
	v17 =	vsub.s32 v17, v9;
	v19 =	vld.idx.msk [tilespmem:v19+s9+$0x0], $0xffff  }
0x7c: {  	vm1 =	vgt.s32 v52, $0x0;
	v12 =	vand.u32 $0x7F, v12;
	v22 =	vshll.u32 v17, $0x2;
	v16 =	vld.idx.msk [tilespmem:v16+s9+$0x0], $0xffff  }
0x7d: {  	v15 =	vsub.s32 v18, v15;
	v54 =	vmul.u32 $0x3, v11;
	v11 =	vsub.s32 v22, v11  }
0x7e: {  	v15 =	vand.u32 $0xFFFFFF80, v15;
	vm2 =	vgt.s32 v8, $0xFFFFFFFF;
	v8 =	vadd.s32 $0x2, v11  }
0x7f: {  	v9 =	vsub.s32 v17, v9;
	v17 =	vadd.s32 v54, v22;
	v11 =	vor.u32 v12, v15  }
0x80: {  	v6 =	vld.idx.msk [tilespmem:v6+s10+$0x0], $0xffff;
	v12 =	vnsel vm1, $0x0, v52;
	v14 =	vadd.s32 $0x8000, v14;
	v11 =	vadd.s32 $0x800, v11  }
0x81: {  	vm1 =	vgt.s32 v10, $0xFFFFFFFF;
	v15 =	vadd.s32 $0x8000, v19;
	v16 =	vadd.s32 $0x8000, v16  }
0x82: {  	v7 =	vadd.s32 $0x8000, v7;
	v15 =	vand.u32 $0xFFFF0000, v15;
	v16 =	vshrl.u32 v16, $0x10  }
0x83: {  	v14 =	vand.u32 $0xFFFF0000, v14;
	v7 =	vshrl.u32 v7, $0x10;
	v18 =	vld.idx.msk [tilespmem:v8+s9+$0x0], $0xffff;
	v8 =	vor.u32 v15, v16  }
0x84: {  	s1 =	simm.s32 $0x4060;
	vm15 =	vgt.s32 v5, $0xFFFFFFFF;
	v5 =	vor.u32 v14, v7;
	v7 =	vnsel vm1, $0xBF800000, v8  }
0x85: {  	v4 =	vnsel vm0, $0x0, v4;
	v6 =	vshll.u32 v6, $0x10;
	v14 =	vand.u32 $0x7F, v12;
	v10 =	vld.idx.msk [tilespmem:v11+s10+$0x0], $0xffff;
	[tilespmem:s1+$0x0] =	vst v7  }
0x86: {  	v8 =	vnsel vm15, $0xBF800000, v5;
	v5 =	vnsel vm15, $0x0, v6;
	v7 =	vand.u32 $0x7FF, v12;
	v11 =	vld [tilespmem:s3+$0x10]  }
0x87: {  	v6 =	vand.u32 $0xFFFFFF80, v9;
	vm15 =	vlt.s32 v52, $0x1;
	vm0 =	vne.s32 v7, $0x0;
	v7 =	vld.idx.msk [tilespmem:v17+s9+$0x0], $0xffff  }
0x88: {  	v6 =	vor.u32 v13, v6;
	v9 =	vor.u32 v4, v5;
	vm0 =	vmand vm15, vm0  }
0x89: {  	v4 =	vadd.s32 $0x800, v6;
	v6 =	vshrl.u32 v12, $0xB;
	v5 =	vsel vm0, $0xFFFFFFFF, v2  }
0x8a: {  	v13 =	vadd.s32 $0x8000, v18;
	v10 =	vnsel vm1, $0x0, v10;
	v5 =	vadd.s32 v5, v6  }
0x8b: {  	v6 =	vshrl.u32 v13, $0x10;
	v13 =	vshll.u32 v5, $0xB;
	v15 =	vmul.u32 $0x3, v5  }
0x8c: {  	vm0 =	vgt.s32 v11, $0x0;
	v12 =	vsub.s32 v12, v13;
	v7 =	vadd.s32 $0x8000, v7  }
0x8d: {  	v16 =	vnsel vm0, $0x0, v11;
	v17 =	vshll.u32 v12, $0x2;
	v12 =	vsub.s32 v12, v13  }
0x8e: {  	v7 =	vand.u32 $0xFFFF0000, v7;
	vm0 =	vlt.s32 v11, $0x1;
	v13 =	vand.u32 $0x7FF, v16  }
0x8f: {  	s2 =	simm.s32 $0x30A0;
	v4 =	vld.idx.msk [tilespmem:v4+s10+$0x0], $0xffff;
	v5 =	vsub.s32 v17, v5;
	v12 =	vand.u32 $0xFFFFFF80, v12;
	vm15 =	vne.s32 v13, $0x0  }
0x90: {  	v6 =	vor.u32 v7, v6;
	v7 =	vshrl.u32 v16, $0xB;
	v13 =	vld [tilespmem:s2+$0x0];
	vm0 =	vmand vm0, vm15  }
0x91: {  	v19 =	vadd.s32 $0x2, v5;
	v5 =	vor.u32 v14, v12;
	v18 =	vsel vm0, $0xFFFFFFFF, v2  }
0x92: {  	v12 =	vld [tilespmem:s2+$0xFFFFFFE0];
	v6 =	vnsel vm2, $0xBF800000, v6;
	v14 =	vadd.s32 v15, v17;
	v7 =	vadd.s32 v18, v7  }
0x93: {  	v17 =	vadd.s32 $0x800, v5;
	vm15 =	vgt.s32 v52, $0xFFFFFFFF;
	v15 =	vshll.u32 v7, $0xB  }
0x94: {  	v4 =	vnsel vm2, $0x0, v4;
	v18 =	vmul.u32 $0x3, v7;
	v5 =	vsub.s32 v16, v15  }
0x95: {  	vm0 =	vgt.s32 v13, $0x0;
	vm3 =	vlt.s32 v13, $0x1;
	v55 =	vshll.u32 v5, $0x2  }
0x96: {  	v16 =	vand.u32 $0x7F, v16;
	v18 =	vadd.s32 v18, v55;
	v7 =	vsub.s32 v55, v7  }
0x97: {  	v56 =	vnsel vm0, $0x0, v13;
	vm0 =	vgt.s32 v12, $0x0;
	v7 =	vadd.s32 $0x2, v7  }
0x98: {  	v5 =	vsub.s32 v5, v15;
	v57 =	vand.u32 $0x7FF, v56;
	v15 =	vnsel vm0, $0x0, v12  }
0x99: {  	v5 =	vand.u32 $0xFFFFFF80, v5;
	v21 =	vand.u32 $0x7F, v56;
	vm0 =	vne.s32 v57, $0x0  }
0x9a: {  	v5 =	vor.u32 v16, v5;
	v16 =	vshrl.u32 v56, $0xB;
	vm0 =	vmand vm3, vm0  }
0x9b: {  	v59 =	vadd.s32 $0x800, v5;
	v5 =	vand.u32 $0x7FF, v15;
	v58 =	vsel vm0, $0xFFFFFFFF, v2;
	v18 =	vld.idx.msk [tilespmem:v18+s9+$0x0], $0xffff  }
0x9c: {  	vm0 =	vlt.s32 v12, $0x1;
	vm3 =	vne.s32 v5, $0x0;
	v16 =	vadd.s32 v58, v16;
	v7 =	vld.idx.msk [tilespmem:v7+s9+$0x0], $0xffff  }
0x9d: {  	v5 =	vshrl.u32 v15, $0xB;
	vm0 =	vmand vm0, vm3;
	v20 =	vshll.u32 v16, $0xB  }
0x9e: {  	v24 =	vmul.u32 $0x3, v16;
	v25 =	vsel vm0, $0xFFFFFFFF, v2;
	v23 =	vsub.s32 v56, v20  }
0x9f: {  	[tilespmem:s1+$0xFFFFFFE0] =	vst v6;
	vm0 =	vgt.s32 v12, $0xFFFFFFFF;
	v25 =	vadd.s32 v25, v5;
	v6 =	vshll.u32 v23, $0x2  }
0xa0: {  	v5 =	vld [tilespmem:s3+$0xFFFFFFF0];
	v24 =	vadd.s32 v24, v6;
	v6 =	vsub.s32 v6, v16;
	v16 =	vshll.u32 v25, $0xB  }
0xa1: {  	v22 =	vld.idx.msk [tilespmem:v59+s10+$0x0], $0xffff;
	v6 =	vadd.s32 $0x2, v6;
	v18 =	vadd.s32 $0x8000, v18;
	v7 =	vadd.s32 $0x8000, v7  }
0xa2: {  	v12 =	vand.u32 $0xFFFF0000, v18;
	v18 =	vand.u32 $0x7F, v15;
	v15 =	vsub.s32 v15, v16  }
0xa3: {  	v7 =	vshrl.u32 v7, $0x10;
	v16 =	vsub.s32 v15, v16;
	v15 =	vshll.u32 v15, $0x2  }
0xa4: {  	v7 =	vor.u32 v12, v7;
	v12 =	vmul.u32 $0x3, v25;
	v25 =	vsub.s32 v15, v25  }
0xa5: {  	vm3 =	vgt.s32 v11, $0xFFFFFFFF;
	vm2 =	vgt.s32 v5, $0x0;
	v24 =	vld.idx.msk [tilespmem:v24+s9+$0x0], $0xffff;
	v25 =	vadd.s32 $0x2, v25  }
0xa6: {  	v11 =	vnsel vm2, $0x0, v5;
	v22 =	vshll.u32 v22, $0x10;
	vm2 =	vlt.s32 v5, $0x1;
	v6 =	vld.idx.msk [tilespmem:v6+s9+$0x0], $0xffff  }
0xa7: {  	v26 =	vnsel vm3, $0xBF800000, v7;
	v7 =	vsub.s32 v23, v20;
	v12 =	vadd.s32 v12, v15  }
0xa8: {  	v14 =	vld.idx.msk [tilespmem:v14+s9+$0x0], $0xffff;
	v60 =	vnsel vm3, $0x0, v22;
	v62 =	vand.u32 $0x7F, v11;
	v7 =	vand.u32 $0xFFFFFF80, v7  }
0xa9: {  	v15 =	vand.u32 $0xFFFFFF80, v16;
	v16 =	vld.idx.msk [tilespmem:v19+s9+$0x0], $0xffff;
	v19 =	vor.u32 v10, v60;
	v7 =	vor.u32 v21, v7  }
0xaa: {  	v15 =	vor.u32 v18, v15;
	v18 =	vand.u32 $0x7FF, v11;
	v7 =	vadd.s32 $0x800, v7;
	v10 =	vld.idx.msk [tilespmem:v25+s9+$0x0], $0xffff  }
0xab: {  	v61 =	vadd.s32 $0x800, v15;
	v15 =	vadd.s32 $0x8000, v24;
	v6 =	vadd.s32 $0x8000, v6  }
0xac: {  	vm1 =	vne.s32 v18, $0x0;
	v15 =	vand.u32 $0xFFFF0000, v15;
	v6 =	vshrl.u32 v6, $0x10;
	v18 =	vld.idx.msk [tilespmem:v12+s9+$0x0], $0xffff  }
0xad: {  	vm2 =	vmand vm2, vm1;
	vm1 =	vgt.s32 v13, $0xFFFFFFFF;
	v6 =	vor.u32 v15, v6  }
0xae: {  	s3 =	simm.s32 $0x40A0;
	v12 =	vsel vm2, $0xFFFFFFFF, v2;
	v15 =	vshrl.u32 v11, $0xB;
	v13 =	vnsel vm1, $0xBF800000, v6  }
0xaf: {  	v6 =	vld.idx.msk [tilespmem:v7+s10+$0x0], $0xffff;
	[tilespmem:s3+$0x0] =	vst v13;
	v13 =	vadd.s32 v12, v15;
	v12 =	vadd.s32 $0x8000, v14;
	v7 =	vadd.s32 $0x8000, v10  }
0xb0: {  	v10 =	vadd.s32 $0x8000, v16;
	v16 =	vshll.u32 v13, $0xB;
	v15 =	vshrl.u32 v7, $0x10;
	v7 =	vld [tilespmem:s2+$0x10]  }
0xb1: {  	s5 =	simm.s32 $0x5010;
	[tilespmem:s0+$0x10] =	vst v8;
	v63 =	vmul.u32 $0x3, v13;
	v11 =	vsub.s32 v11, v16;
	v8 =	vadd.s32 $0x8000, v18  }
0xb2: {  	[tilespmem:s5+$0x0] =	vst v9;
	v14 =	vshll.u32 v11, $0x2;
	v11 =	vsub.s32 v11, v16;
	v9 =	vand.u32 $0xFFFF0000, v8;
	v8 =	vld.idx.msk [tilespmem:v17+s10+$0x0], $0xffff  }
0xb3: {  	v10 =	vshrl.u32 v10, $0x10;
	v13 =	vsub.s32 v14, v13;
	v11 =	vand.u32 $0xFFFFFF80, v11  }
0xb4: {  	s4 =	simm.s32 $0x5030;
	[tilespmem:s1+$0x10] =	vst v26;
	v9 =	vor.u32 v9, v15;
	v14 =	vadd.s32 v63, v14;
	v13 =	vadd.s32 $0x2, v13  }
0xb5: {  	s7 =	simm.s32 $0x4;
	s8 =	simm.s32 $0x30E0;
	s6 =	simm.s32 $0x0;
	[tilespmem:s4+$0x0] =	vst v19;
	v15 =	vor.u32 v62, v11;
	v11 =	vld.idx.msk [tilespmem:v61+s10+$0x0], $0xffff;
	v16 =	vnsel vm0, $0xBF800000, v9;
	vm2 =	vgt.s32 v7, $0x0  }
.LBB2_6:
0xb6: {  	[tilespmem:s3+$0xFFFFFFE0] =	vst v16;
	v16 =	vnsel vm2, $0x0, v7  }
0xb7: {  	v9 =	vld [tilespmem:s8+$0x0];
	v15 =	vadd.s32 $0x800, v15;
	v8 =	vshll.u32 v8, $0x10;
	vm2 =	vmmov vm15  }
0xb8: {  	vm15 =	vgt.s32 v5, $0xFFFFFFFF;
	v12 =	vand.u32 $0xFFFF0000, v12;
	v17 =	vld [tilespmem:s8+$0xFFFFFFE0];
	v18 =	vand.u32 $0x7FF, v16  }
0xb9: {  	vm3 =	vlt.s32 v7, $0x1;
	v12 =	vor.u32 v12, v10;
	v5 =	vld [tilespmem:s2+$0xFFFFFFF0];
	vm4 =	vne.s32 v18, $0x0;
	s2 =	smov.u32 s8  }
0xba: {  	s7 =	sadd.s32 $0x2, s7;
	v18 =	vnsel vm0, $0x0, v11;
	vm0 =	vmand vm3, vm4;
	v11 =	vld.idx.msk [tilespmem:v13+s9+$0x0], $0xffff;
	v13 =	vnsel vm2, $0x0, v8  }
0xbb: {  	p0 =	slt.u32 s7, $0x7E;
	v12 =	vnsel vm2, $0xBF800000, v12;
	v8 =	vshrl.u32 v16, $0xB;
	v19 =	vsel vm0, $0xFFFFFFFF, v2;
	v10 =	vld.idx.msk [tilespmem:v14+s9+$0x0], $0xffff  }
0xbc: {  	vm0 =	vgt.s32 v9, $0x0;
	v14 =	vadd.s32 v19, v8;
	v8 =	vld.idx.msk [tilespmem:v15+s6+$0x0], $0xffff;
	[tilespmem:s0+$0xFFFFFFF0] =	vst v12;
	v15 =	vor.u32 v3, v13;
	s6 =	smov.u32 s10;
	s0 =	smov.u32 s1;
	s1 =	smov.u32 s3  }
0xbd: {  	v3 =	vmovc v4;
	v4 =	vmovc v18;
	vm2 =	vgt.s32 v17, $0x0;
	v12 =	vnsel vm0, $0x0, v9;
	v13 =	vshll.u32 v14, $0xB;
	[tilespmem:s5+$0xFFFFFFF0] =	vst v15;
	s5 =	smov.u32 s4  }
0xbe: {  	v19 =	vmul.u32 $0x3, v14;
	v15 =	vand.u32 $0x7FF, v12;
	v18 =	vsub.s32 v16, v13  }
0xbf: {  	vm0 =	vlt.s32 v9, $0x1;
	vm3 =	vne.s32 v15, $0x0;
	v15 =	vshll.u32 v18, $0x2  }
0xc0: {  	v13 =	vsub.s32 v18, v13;
	v19 =	vadd.s32 v19, v15;
	v14 =	vsub.s32 v15, v14  }
0xc1: {  	v13 =	vand.u32 $0xFFFFFF80, v13;
	v15 =	vand.u32 $0x7F, v16;
	v14 =	vadd.s32 $0x2, v14  }
0xc2: {  	v16 =	vnsel vm2, $0x0, v17;
	vm0 =	vmand vm0, vm3;
	v13 =	vor.u32 v15, v13  }
0xc3: {  	v15 =	vshrl.u32 v12, $0xB;
	v18 =	vsel vm0, $0xFFFFFFFF, v2;
	v13 =	vadd.s32 $0x800, v13  }
0xc4: {  	vm0 =	vlt.s32 v17, $0x1;
	v20 =	vand.u32 $0x7FF, v16;
	v15 =	vadd.s32 v18, v15  }
0xc5: {  	v18 =	vshrl.u32 v16, $0xB;
	vm2 =	vne.s32 v20, $0x0;
	v20 =	vshll.u32 v15, $0xB;
	v19 =	vld.idx.msk [tilespmem:v19+s9+$0x0], $0xffff  }
0xc6: {  	vm0 =	vmand vm0, vm2;
	v22 =	vmul.u32 $0x3, v15;
	v21 =	vsub.s32 v12, v20;
	v14 =	vld.idx.msk [tilespmem:v14+s9+$0x0], $0xffff  }
0xc7: {  	v24 =	vand.u32 $0x7F, v16;
	v23 =	vsel vm0, $0xFFFFFFFF, v2;
	v25 =	vshll.u32 v21, $0x2  }
0xc8: {  	v18 =	vadd.s32 v23, v18;
	v22 =	vadd.s32 v22, v25;
	v15 =	vsub.s32 v25, v15;
	v13 =	vld.idx.msk [tilespmem:v13+s6+$0x0], $0xffff  }
0xc9: {  	v23 =	vshll.u32 v18, $0xB;
	v25 =	vmul.u32 $0x3, v18;
	v15 =	vadd.s32 $0x2, v15  }
0xca: {  	vm2 =	vgt.s32 v5, $0x0;
	vm0 =	vgt.s32 v17, $0xFFFFFFFF;
	v16 =	vsub.s32 v16, v23  }
0xcb: {  	v17 =	vshll.u32 v16, $0x2;
	v16 =	vsub.s32 v16, v23;
	v23 =	vnsel vm2, $0x0, v5  }
0xcc: {  	v18 =	vsub.s32 v17, v18;
	v19 =	vadd.s32 $0x8000, v19;
	v14 =	vadd.s32 $0x8000, v14  }
0xcd: {  	v18 =	vadd.s32 $0x2, v18;
	v19 =	vand.u32 $0xFFFF0000, v19;
	v14 =	vshrl.u32 v14, $0x10;
	v22 =	vld.idx.msk [tilespmem:v22+s9+$0x0], $0xffff  }
0xce: {  	vm2 =	vgt.s32 v7, $0xFFFFFFFF;
	v7 =	vor.u32 v19, v14;
	v13 =	vshll.u32 v13, $0x10;
	v15 =	vld.idx.msk [tilespmem:v15+s9+$0x0], $0xffff  }
0xcf: {  	v6 =	vnsel vm1, $0x0, v6;
	v7 =	vnsel vm2, $0xBF800000, v7;
	v13 =	vnsel vm2, $0x0, v13  }
0xd0: {  	s4 =	sadd.s32 $0x20, s4;
	v14 =	vadd.s32 v25, v17;
	v17 =	vsub.s32 v21, v20;
	v6 =	vor.u32 v6, v13;
	[tilespmem:s3+$0x10] =	vst v7  }
0xd1: {  	v12 =	vand.u32 $0x7F, v12;
	v13 =	vand.u32 $0xFFFFFF80, v17;
	v7 =	vand.u32 $0xFFFFFF80, v16;
	[tilespmem:s4+$0x0] =	vst v6  }
0xd2: {  	v12 =	vor.u32 v12, v13;
	v13 =	vand.u32 $0x7FF, v23;
	v7 =	vor.u32 v24, v7;
	v6 =	vld.idx.msk [tilespmem:v18+s9+$0x0], $0xffff  }
0xd3: {  	vm1 =	vne.s32 v13, $0x0;
	v16 =	vadd.s32 $0x800, v7;
	v7 =	vadd.s32 $0x800, v12  }
0xd4: {  	vm2 =	vlt.s32 v5, $0x1;
	v12 =	vadd.s32 $0x8000, v22;
	v13 =	vadd.s32 $0x8000, v15  }
0xd5: {  	vm2 =	vmand vm2, vm1;
	v12 =	vand.u32 $0xFFFF0000, v12;
	v13 =	vshrl.u32 v13, $0x10;
	v14 =	vld.idx.msk [tilespmem:v14+s9+$0x0], $0xffff  }
0xd6: {  	vm1 =	vgt.s32 v9, $0xFFFFFFFF;
	v9 =	vor.u32 v12, v13;
	v12 =	vsel vm2, $0xFFFFFFFF, v2  }
0xd7: {  	s3 =	sadd.s32 $0x40, s3;
	v15 =	vand.u32 $0x7F, v23;
	v13 =	vshrl.u32 v23, $0xB;
	v9 =	vnsel vm1, $0xBF800000, v9  }
0xd8: {  	v17 =	vadd.s32 $0x8000, v6;
	v6 =	vld.idx.msk [tilespmem:v7+s10+$0x0], $0xffff;
	[tilespmem:s3+$0x0] =	vst v9;
	v9 =	vadd.s32 v12, v13;
	v13 =	vadd.s32 $0x8000, v11  }
0xd9: {  	v17 =	vshrl.u32 v17, $0x10;
	v7 =	vld [tilespmem:s8+$0x10];
	v18 =	vshll.u32 v9, $0xB;
	v19 =	vmul.u32 $0x3, v9  }
.Ltmp4:
0xda: {  	v12 =	vadd.s32 $0x8000, v10;
	v10 =	vshrl.u32 v13, $0x10;
	v11 =	vld.idx.msk [tilespmem:v16+s10+$0x0], $0xffff;
	v16 =	vsub.s32 v23, v18;
	(pc) =	sbr.rel @p0 .LBB2_6-.Ltmp4, $4  }
0xdb: {  	v13 =	vadd.s32 $0x8000, v14;
	v14 =	vshll.u32 v16, $0x2;
	v16 =	vsub.s32 v16, v18  }
0xdc: {  	v13 =	vand.u32 $0xFFFF0000, v13;
	v9 =	vsub.s32 v14, v9;
	v16 =	vand.u32 $0xFFFFFF80, v16  }
0xdd: {  	v17 =	vor.u32 v13, v17;
	v13 =	vadd.s32 $0x2, v9;
	v15 =	vor.u32 v15, v16  }
0xde: {  	s8 =	sadd.s32 $0x40, s8;
	v14 =	vadd.s32 v19, v14;
	v16 =	vnsel vm0, $0xBF800000, v17;
	vm2 =	vgt.s32 v7, $0x0  }
0xdf: {  	[tilespmem:s3+$0xFFFFFFE0] =	vst v16  }
0xe0: {  	v9 =	vnsel vm2, $0x0, v7;
	v17 =	vld [tilespmem:s2+$0xFFFFFFF0]  }
0xe1: {  	v42 =	vand.u32 $0x7FF, v9  }
0xe2: {  	vm2 =	vlt.s32 v7, $0x1;
	vm3 =	vne.s32 v42, $0x0  }
0xe3: {  	vm2 =	vmand vm2, vm3  }
0xe4: {  	v43 =	vshrl.u32 v9, $0xB;
	v18 =	vsel vm2, $0xFFFFFFFF, v2  }
0xe5: {  	v15 =	vadd.s32 $0x800, v15;
	v16 =	vadd.s32 v18, v43;
	vm2 =	vgt.s32 v17, $0x0  }
0xe6: {  	v12 =	vand.u32 $0xFFFF0000, v12;
	v18 =	vshll.u32 v16, $0xB;
	v22 =	vnsel vm2, $0x0, v17  }
0xe7: {  	v20 =	vmul.u32 $0x3, v16;
	v19 =	vsub.s32 v9, v18;
	v44 =	vand.u32 $0x7FF, v22  }
0xe8: {  	vm3 =	vlt.s32 v17, $0x1;
	v21 =	vshll.u32 v19, $0x2;
	vm2 =	vne.s32 v44, $0x0  }
0xe9: {  	v18 =	vsub.s32 v19, v18;
	v16 =	vsub.s32 v21, v16;
	vm2 =	vmand vm3, vm2  }
0xea: {  	v46 =	vshrl.u32 v22, $0xB;
	v16 =	vadd.s32 $0x2, v16;
	v45 =	vsel vm2, $0xFFFFFFFF, v2  }
0xeb: {  	v9 =	vand.u32 $0x7F, v9;
	v18 =	vand.u32 $0xFFFFFF80, v18;
	v47 =	vadd.s32 v45, v46  }
0xec: {  	v13 =	vld.idx.msk [tilespmem:v13+s9+$0x0], $0xffff;
	v20 =	vadd.s32 v20, v21;
	v9 =	vor.u32 v9, v18;
	v19 =	vshll.u32 v47, $0xB  }
0xed: {  	v14 =	vld.idx.msk [tilespmem:v14+s9+$0x0], $0xffff;
	v9 =	vadd.s32 $0x800, v9;
	v23 =	vmul.u32 $0x3, v47;
	v48 =	vsub.s32 v22, v19  }
0xee: {  	v8 =	vshll.u32 v8, $0x10;
	v10 =	vor.u32 v12, v10;
	v15 =	vld.idx.msk [tilespmem:v15+s6+$0x0], $0xffff;
	v50 =	vshll.u32 v48, $0x2  }
0xef: {  	v49 =	vld.idx.msk [tilespmem:v16+s9+$0x0], $0xffff;
	v51 =	vsub.s32 v48, v19;
	v18 =	vsub.s32 v50, v47;
	v16 =	vadd.s32 v23, v50  }
0xf0: {  	v52 =	vand.u32 $0x7F, v22;
	v12 =	vand.u32 $0xFFFFFF80, v51;
	v18 =	vadd.s32 $0x2, v18  }
0xf1: {  	vm4 =	vgt.s32 v7, $0xFFFFFFFF;
	v6 =	vnsel vm1, $0x0, v6;
	v20 =	vld.idx.msk [tilespmem:v20+s9+$0x0], $0xffff;
	v12 =	vor.u32 v52, v12  }
0xf2: {  	v13 =	vadd.s32 $0x8000, v13;
	v57 =	vadd.s32 $0x8000, v14;
	v9 =	vld.idx.msk [tilespmem:v9+s10+$0x0], $0xffff;
	v12 =	vadd.s32 $0x800, v12  }
0xf3: {  	v13 =	vshrl.u32 v13, $0x10;
	vm3 =	vmmov vm15;
	v58 =	vshll.u32 v15, $0x10  }
0xf4: {  	vm2 =	vgt.s32 v5, $0xFFFFFFFF;
	v8 =	vnsel vm3, $0x0, v8;
	v55 =	vnsel vm3, $0xBF800000, v10;
	v56 =	vld.idx.msk [tilespmem:v16+s9+$0x0], $0xffff  }
0xf5: {  	v3 =	vor.u32 v3, v8;
	vm1 =	vmmov vm2;
	vm2 =	vgt.s32 v17, $0xFFFFFFFF;
	v54 =	vld.idx.msk [tilespmem:v18+s9+$0x0], $0xffff  }
0xf6: {  	v8 =	vnsel vm1, $0x0, v58;
	v53 =	vadd.s32 $0x8000, v20;
	v5 =	vadd.s32 $0x8000, v49  }
0xf7: {  	v19 =	vand.u32 $0xFFFF0000, v53;
	v5 =	vshrl.u32 v5, $0x10;
	v9 =	vshll.u32 v9, $0x10;
	v12 =	vld.idx.msk [tilespmem:v12+s10+$0x0], $0xffff  }
0xf8: {  	[tilespmem:s0+$0xFFFFFFF0] =	vst v55;
	v4 =	vor.u32 v4, v8;
	v5 =	vor.u32 v19, v5;
	v9 =	vnsel vm4, $0x0, v9  }
0xf9: {  	[tilespmem:s5+$0xFFFFFFF0] =	vst v3;
	v5 =	vnsel vm4, $0xBF800000, v5;
	v6 =	vor.u32 v6, v9;
	v9 =	vand.u32 $0xFFFF0000, v57  }
0xfa: {  	s29 =	sadd.s32 $0x20, s4;
	v3 =	vor.u32 v9, v13;
	[tilespmem:s3+$0x10] =	vst v5;
	v60 =	vadd.s32 $0x8000, v56;
	v59 =	vadd.s32 $0x8000, v54  }
0xfb: {  	v3 =	vnsel vm1, $0xBF800000, v3;
	[tilespmem:s29+$0x0] =	vst v6;
	v61 =	vand.u32 $0xFFFF0000, v60;
	v5 =	vshrl.u32 v59, $0x10  }
0xfc: {  	vm1 =	vmmov vm2;
	[tilespmem:s1+$0xFFFFFFF0] =	vst v3;
	v3 =	vshll.u32 v12, $0x10;
	v5 =	vor.u32 v61, v5  }
0xfd: {  	v62 =	vnsel vm0, $0x0, v11;
	[tilespmem:s4+$0xFFFFFFF0] =	vst v4;
	v3 =	vnsel vm1, $0x0, v3;
	v63 =	vnsel vm1, $0xBF800000, v5  }
0xfe: {  	vm0 =	vcmask $0x704;
	vm3 =	vcmask $0x1310;
	v3 =	vor.u32 v62, v3;
	[tilespmem:s3+$0xFFFFFFF0] =	vst v63  }
0xff: {  	s31 =	smov.u32 s10;
	vm4 =	vcmask $0x1714;
	vm2 =	vcmask $0xF0C;
	vm1 =	vcmask $0xB08;
	[tilespmem:s29+$0xFFFFFFF0] =	vst v3  }
.LBB2_8:
0x100: {  	s0 =	simm.s32 $0x1  }
0x101: {  	_ =	swait.ge [sflag:s0], $0x4000  }
0x102: {  	p0 =	seq.s32 s31, $0x0;
	[sflag:s0] =	ssyncset.done $0x0  }
0x103: {  	[sflag:s0] =	ssyncadd.s32 $0xFFFFC000;
	s0 =	simm.s32 @!p0 $0x3  }
0x104: {  	_ =	swait.ge @!p0 [sflag:s0], $0x4000  }
0x105: {  	[sflag:s0] =	ssyncset.done @!p0 $0x0  }
0x106: {  	s19 =	simm.s32 $0x5010;
	[sflag:s0] =	ssyncadd.s32 @!p0 $0xFFFFC000  }
0x107: {  	v5 =	vld [tilespmem:s19+$0x0];
	_ =	sdelay $0x4  }
0x108: {  	v3 =	vshll.u32 v5, $0x2  }
0x109: {  	v4 =	vand.u32 $0x7F, v5;
	v3 =	vand.u32 $0x3FE00, v3  }
0x10a: {  	v4 =	vor.u32 v4, v3  }
0x10b: {  	s1 =	simm.s32 $0x0;
	s7 =	simm.s32 $0x20  }
0x10c: {  	s4 =	sand.u32 $0x3E00, s10;
	s8 =	sand.u32 $0x60, s7;
	v3 =	vld [tilespmem:s1+$0x4020]  }
0x10d: {  	s2 =	sor.u32 s4, s8  }
0x10e: {  	v8 =	vld [tilespmem:s2+$0x5800]  }
0x10f: {  	v7 =	vld.idx.msk [tilespmem:v4+s30+$0x0], $0xffff  }
0x110: {  	v6 =	vld [tilespmem:s19+$0xFFFFFFF0]  }
0x111: {  	v9 =	vand.u32 $0xFFFF0000, v3  }
0x112: {  	v13 =	vadd.f32 $1.000000000e+00, v9  }
0x113: {  	v15 =	vshll.u32 v3, $0x10  }
0x114: {  	v3 =	vmul.f32 v13, v8;
	v8 =	vor.u32 $0x80, v4;
	v7 =	vmul.f32 v15, v7  }
0x115: {  	v9 =	vshll.u32 v6, $0x2  }
0x116: {  	v10 =	vand.u32 $0x7F, v6;
	v9 =	vand.u32 $0x3FE00, v9;
	v3 =	vadd.f32 v3, v7  }
0x117: {  	v7 =	vor.u32 v10, v9;
	v9 =	vld [tilespmem:s1+$0x4000]  }
0x118: {  	s20 =	simm.s32 $0x0;
	v10 =	vld [tilespmem:s2+$0x5880];
	[tilespmem:s2+$0xD800] =	vst v3  }
0x119: {  	s3 =	sand.u32 $0x40, s20;
	v8 =	vld.idx.msk [tilespmem:v8+s30+$0x0], $0xffff  }
0x11a: {  	s5 =	sor.u32 s3, s4  }
0x11b: {  	v16 =	vld [tilespmem:s5+$0x5800]  }
0x11c: {  	v12 =	vld.idx.msk [tilespmem:v7+s30+$0x0], $0xffff  }
0x11d: {  	v17 =	vor.u32 $0x100, v4  }
0x11e: {  	s21 =	simm.s32 $0x5030;
	v11 =	vand.u32 $0xFFFF0000, v9;
	v10 =	vmul.f32 v10, v13;
	v8 =	vmul.f32 v15, v8  }
0x11f: {  	s6 =	sand.u32 $0x3, s10;
	v3 =	vld [tilespmem:s21+$0x0];
	v11 =	vadd.f32 $1.000000000e+00, v11  }
0x120: {  	s6 =	sshll.u32 s6, $0x5;
	v14 =	vshll.u32 v9, $0x10;
	v8 =	vadd.f32 v8, v10  }
0x121: {  	s9 =	sadd.s32 $0x0, s6;
	v10 =	vmul.f32 v14, v12;
	v12 =	vmul.f32 v11, v16  }
0x122: {  	s6 =	sadd.s32 $0x20, s9;
	v9 =	vor.u32 $0x80, v7;
	[tilespmem:s2+$0xD880] =	vst v8  }
0x123: {  	s22 =	sor.u32 $0x100, s6;
	v10 =	vadd.f32 v12, v10;
	v12 =	vld.idx.msk [tilespmem:v17+s30+$0x0], $0xffff  }
0x124: {  	v8 =	vshll.u32 v3, $0x2;
	v17 =	vld [tilespmem:s22+$0x5800]  }
0x125: {  	v16 =	vand.u32 $0x7F, v3;
	v8 =	vand.u32 $0x3FE00, v8  }
0x126: {  	v16 =	vor.u32 v16, v8;
	v8 =	vld [tilespmem:s5+$0x5880];
	[tilespmem:s5+$0xD800] =	vst v10  }
0x127: {  	v9 =	vld.idx.msk [tilespmem:v9+s30+$0x0], $0xffff  }
0x128: {  	s14 =	simm.s32 $0x40;
	s23 =	simm.s32 $0x100;
	s11 =	simm.s32 $0x60  }
0x129: {  	s12 =	sand.u32 $0x60, s11;
	v18 =	vld [tilespmem:s14+$0x4020];
	s2 =	sand.u32 $0x3E00, s23;
	v10 =	vmul.f32 v17, v13;
	v12 =	vmul.f32 v15, v12;
	v17 =	vor.u32 $0x180, v4  }
0x12a: {  	s13 =	sor.u32 s2, s12  }
0x12b: {  	v20 =	vld [tilespmem:s13+$0x5800];
	v10 =	vadd.f32 v12, v10  }
0x12c: {  	v21 =	vor.u32 $0x100, v7;
	v19 =	vld.idx.msk [tilespmem:v16+s30+$0x0], $0xffff;
	v8 =	vmul.f32 v8, v11;
	v9 =	vmul.f32 v14, v9  }
0x12d: {  	p1 =	por $0x0, $0x0;
	s0 =	simm.s32 $0x1;
	v4 =	vld [tilespmem:s21+$0xFFFFFFF0];
	[tilespmem:s22+$0xD800] =	vst v10  }
0x12e: {  	s15 =	sor.u32 $0x180, s6;
	s0 =	simm.s32 @!p1 $0x0;
	v12 =	vand.u32 $0xFFFF0000, v18;
	v8 =	vadd.f32 v9, v8;
	v17 =	vld.idx.msk [tilespmem:v17+s30+$0x0], $0xffff  }
0x12f: {  	s0 =	sshll.u32 s0, $0x6;
	v10 =	vadd.f32 $1.000000000e+00, v12;
	v12 =	vshll.u32 v18, $0x10;
	v18 =	vld [tilespmem:s15+$0x5800]  }
0x130: {  	s0 =	sadd.s32 $0x0, s0;
	[tilespmem:s5+$0xD880] =	vst v8  }
0x131: {  	s16 =	sor.u32 $0x100, s0;
	v9 =	vmul.f32 v10, v20;
	v19 =	vmul.f32 v12, v19;
	v20 =	vor.u32 $0x80, v16;
	v21 =	vld.idx.msk [tilespmem:v21+s30+$0x0], $0xffff  }
0x132: {  	v23 =	vld [tilespmem:s16+$0x5800]  }
0x133: {  	v22 =	vand.u32 $0x7F, v4;
	v8 =	vshll.u32 v4, $0x2;
	v19 =	vadd.f32 v9, v19  }
0x134: {  	v8 =	vand.u32 $0x3FE00, v8;
	v13 =	vmul.f32 v18, v13;
	v15 =	vmul.f32 v15, v17;
	v18 =	vld [tilespmem:s13+$0x5880]  }
0x135: {  	s5 =	simm.s32 $0x40;
	v9 =	vor.u32 v22, v8;
	v8 =	vshrl.u32 v5, $0x10;
	v5 =	vshrl.u32 v5, $0xE;
	[tilespmem:s13+$0xD800] =	vst v19;
	v19 =	vld [tilespmem:s14+$0x4000]  }
0x136: {  	s6 =	sand.u32 $0x40, s5;
	v8 =	vand.u32 $0x7F, v8;
	v5 =	vand.u32 $0x3FE00, v5;
	v17 =	vld.idx.msk [tilespmem:v20+s30+$0x0], $0xffff;
	v13 =	vadd.f32 v15, v13  }
0x137: {  	s7 =	sand.u32 $0xF80, s7;
	s8 =	sor.u32 $0x10, s8;
	s24 =	sor.u32 s6, s2;
	v15 =	vor.u32 v8, v5;
	v5 =	vmul.f32 v23, v11;
	v8 =	vmul.f32 v14, v21  }
0x138: {  	s7 =	sor.u32 s8, s7;
	v21 =	vld [tilespmem:s24+$0x5800];
	[tilespmem:s15+$0xD800] =	vst v13  }
0x139: {  	v7 =	vor.u32 $0x180, v7;
	v5 =	vadd.f32 v8, v5;
	v8 =	vld [tilespmem:s7+$0x4000]  }
0x13a: {  	s8 =	sor.u32 s4, s8;
	v22 =	vor.u32 $0x100, v16;
	v20 =	vld.idx.msk [tilespmem:v9+s30+$0x0], $0xffff  }
0x13b: {  	s25 =	simm.s32 $0x2;
	v18 =	vmul.f32 v18, v10;
	v13 =	vand.u32 $0xFFFF0000, v19;
	v17 =	vmul.f32 v12, v17;
	[tilespmem:s16+$0xD800] =	vst v5;
	v5 =	vld [tilespmem:s8+$0x5800]  }
0x13c: {  	s7 =	sand.u32 $0x3, s25;
	v13 =	vadd.f32 $1.000000000e+00, v13;
	v23 =	vld.idx.msk [tilespmem:v15+s30+$0x0], $0xffff  }
0x13d: {  	s7 =	sshll.u32 s7, $0x5;
	v18 =	vadd.f32 v17, v18  }
0x13e: {  	s26 =	sor.u32 $0x180, s0;
	s7 =	sadd.s32 $0x100, s7;
	v17 =	vshll.u32 v19, $0x10;
	v19 =	vld.idx.msk [tilespmem:v7+s30+$0x0], $0xffff;
	v21 =	vmul.f32 v13, v21;
	v7 =	vand.u32 $0xFFFF0000, v8  }
0x13f: {  	v24 =	vld [tilespmem:s26+$0x5800];
	s29 =	sadd.s32 $0x20, s7;
	v20 =	vmul.f32 v17, v20;
	[tilespmem:s13+$0xD880] =	vst v18;
	v18 =	vor.u32 $0x80, v9;
	v7 =	vadd.f32 $1.000000000e+00, v7  }
0x140: {  	s13 =	sor.u32 $0x100, s29;
	v8 =	vshll.u32 v8, $0x10;
	v22 =	vld.idx.msk [tilespmem:v22+s30+$0x0], $0xffff  }
0x141: {  	v20 =	vadd.f32 v21, v20;
	v21 =	vld [tilespmem:s13+$0x5800];
	v23 =	vmul.f32 v8, v23;
	v5 =	vmul.f32 v7, v5  }
0x142: {  	s17 =	simm.s32 $0x5050;
	v26 =	vld [tilespmem:s24+$0x5880]  }
0x143: {  	v25 =	vor.u32 $0x80, v15;
	[tilespmem:s24+$0xD800] =	vst v20;
	v20 =	vadd.f32 v5, v23;
	v5 =	vld [tilespmem:s17+$0x0]  }
0x144: {  	v27 =	vshrl.u32 v6, $0x10;
	s16 =	simm.s32 $0xC0;
	v18 =	vld.idx.msk [tilespmem:v18+s30+$0x0], $0xffff  }
0x145: {  	v6 =	vshrl.u32 v6, $0xE;
	v57 =	vld [tilespmem:s16+$0x4020];
	v11 =	vmul.f32 v24, v11;
	v14 =	vmul.f32 v14, v19  }
0x146: {  	v16 =	vor.u32 $0x180, v16;
	v41 =	vld [tilespmem:s16+$0x4000];
	v19 =	vmul.f32 v21, v10;
	[tilespmem:s8+$0xD800] =	vst v20;
	v20 =	vmul.f32 v12, v22  }
0x147: {  	v6 =	vand.u32 $0x3FE00, v6;
	v11 =	vadd.f32 v14, v11;
	v14 =	vld [tilespmem:s8+$0x5880];
	v21 =	vand.u32 $0x7F, v27  }
0x148: {  	s18 =	sor.u32 $0x10, s3;
	s1 =	sand.u32 $0xF80, s20;
	v23 =	vmul.f32 v26, v13;
	v6 =	vor.u32 v21, v6;
	v22 =	vld.idx.msk [tilespmem:v25+s30+$0x0], $0xffff;
	v19 =	vadd.f32 v20, v19  }
0x149: {  	s1 =	sor.u32 s18, s1;
	v21 =	vor.u32 $0x100, v9;
	[tilespmem:s26+$0xD800] =	vst v11;
	v11 =	vld [tilespmem:s17+$0xFFFFFFF0];
	v20 =	vshll.u32 v5, $0x2;
	v18 =	vmul.f32 v17, v18  }
0x14a: {  	s10 =	simm.s32 $0xA0;
	v25 =	vld [tilespmem:s1+$0x4000];
	v24 =	vand.u32 $0x7F, v5;
	v20 =	vand.u32 $0x3FE00, v20;
	[tilespmem:s13+$0xD800] =	vst v19  }
0x14b: {  	p1 =	por !p1, !p1;
	s15 =	sor.u32 $0x180, s29;
	s1 =	simm.s32 $0x1;
	v20 =	vor.u32 v24, v20;
	v19 =	vld.idx.msk [tilespmem:v16+s30+$0x0], $0xffff;
	v16 =	vadd.f32 v18, v23  }
0x14c: {  	s20 =	simm.s32 $0x80;
	s22 =	simm.s32 $0x200;
	s1 =	simm.s32 @!p1 $0x0;
	v18 =	vld [tilespmem:s15+$0x5800]  }
0x14d: {  	s21 =	sand.u32 $0x60, s10;
	v14 =	vmul.f32 v14, v7;
	s23 =	sshll.u32 s1, $0x6;
	s1 =	sand.u32 $0x3E00, s22;
	v24 =	vld [tilespmem:s20+$0x4020];
	[tilespmem:s24+$0xD880] =	vst v16;
	v16 =	vmul.f32 v8, v22;
	v22 =	vor.u32 $0x100, v15  }
0x14e: {  	v23 =	vshll.u32 v11, $0x2;
	s24 =	sor.u32 s1, s21;
	v27 =	vld.idx.msk [tilespmem:v21+s30+$0x0], $0xffff  }
0x14f: {  	s3 =	sadd.s32 $0x100, s23;
	v23 =	vand.u32 $0x3FE00, v23;
	v21 =	vand.u32 $0x7F, v11;
	v29 =	vld [tilespmem:s24+$0x5800];
	v14 =	vadd.f32 v16, v14  }
0x150: {  	s25 =	sor.u32 $0x100, s3;
	v16 =	vor.u32 v21, v23;
	v21 =	vshrl.u32 v3, $0x10;
	v28 =	vld.idx.msk [tilespmem:v20+s30+$0x0], $0xffff  }
0x151: {  	v3 =	vshrl.u32 v3, $0xE;
	v10 =	vmul.f32 v18, v10;
	v12 =	vmul.f32 v12, v19;
	v18 =	vld [tilespmem:s25+$0x5800];
	[tilespmem:s8+$0xD880] =	vst v14  }
0x152: {  	s9 =	sadd.s32 $0x30, s9;
	v3 =	vand.u32 $0x3FE00, v3;
	v14 =	vand.u32 $0x7F, v21;
	v21 =	vand.u32 $0xFFFF0000, v24;
	v19 =	vld.idx.msk [tilespmem:v22+s30+$0x0], $0xffff  }
0x153: {  	v10 =	vadd.f32 v12, v10;
	v22 =	vor.u32 v14, v3;
	v3 =	vld [tilespmem:s20+$0x4000];
	v21 =	vadd.f32 $1.000000000e+00, v21;
	s20 =	sor.u32 $0x100, s9  }
0x154: {  	s11 =	sand.u32 $0xF80, s11;
	s26 =	sor.u32 $0x10, s12;
	v23 =	vshll.u32 v24, $0x10;
	s8 =	simm.s32 $0x80;
	v33 =	vld [tilespmem:s20+$0x5800]  }
0x155: {  	s29 =	sor.u32 s26, s11;
	s12 =	sand.u32 $0x40, s8;
	v14 =	vor.u32 $0x80, v20;
	v30 =	vld.idx.msk [tilespmem:v16+s30+$0x0], $0xffff;
	[tilespmem:s15+$0xD800] =	vst v10;
	v10 =	vmul.f32 v21, v29;
	v12 =	vmul.f32 v23, v28  }
0x156: {  	s11 =	sor.u32 s12, s1;
	v24 =	vld [tilespmem:s29+$0x4000]  }
0x157: {  	s19 =	sor.u32 s2, s26;
	v28 =	vld [tilespmem:s11+$0x5800];
	v10 =	vadd.f32 v10, v12  }
0x158: {  	v31 =	vor.u32 $0x180, v9;
	v32 =	vld [tilespmem:s19+$0x5800]  }
0x159: {  	v37 =	vand.u32 $0xFFFF0000, v25;
	v49 =	vor.u32 $0x100, v20;
	v52 =	vor.u32 $0x180, v20;
	v29 =	vld.idx.msk [tilespmem:v22+s30+$0x0], $0xffff;
	[tilespmem:s24+$0xD800] =	vst v10  }
0x15a: {  	v9 =	vmul.f32 v18, v13;
	v18 =	vmul.f32 v17, v27;
	v12 =	vand.u32 $0xFFFF0000, v3;
	v34 =	vld.idx.msk [tilespmem:v14+s30+$0x0], $0xffff  }
0x15b: {  	s18 =	sor.u32 s4, s18;
	v36 =	vor.u32 $0x80, v22;
	v12 =	vadd.f32 $1.000000000e+00, v12;
	v14 =	vshll.u32 v3, $0x10;
	v3 =	vld [tilespmem:s24+$0x5880]  }
0x15c: {  	v35 =	vld [tilespmem:s18+$0x5800];
	v27 =	vor.u32 $0x80, v16;
	v18 =	vadd.f32 v18, v9;
	v10 =	vand.u32 $0xFFFF0000, v24  }
0x15d: {  	v26 =	vld.idx.msk [tilespmem:v6+s30+$0x0], $0xffff;
	v28 =	vmul.f32 v12, v28;
	v9 =	vadd.f32 $1.000000000e+00, v10;
	v30 =	vmul.f32 v14, v30  }
0x15e: {  	v38 =	vld [tilespmem:s11+$0x5880];
	v19 =	vmul.f32 v8, v19;
	v33 =	vmul.f32 v33, v7;
	[tilespmem:s25+$0xD800] =	vst v18;
	v10 =	vshll.u32 v24, $0x10  }
0x15f: {  	s22 =	sor.u32 $0x180, s3;
	v29 =	vmul.f32 v10, v29;
	v32 =	vmul.f32 v9, v32;
	v18 =	vadd.f32 v28, v30;
	v28 =	vld.idx.msk [tilespmem:v31+s30+$0x0], $0xffff  }
0x160: {  	s23 =	simm.s32 $0x4;
	v19 =	vadd.f32 v19, v33;
	v30 =	vld [tilespmem:s22+$0x5800];
	v31 =	vmul.f32 v3, v21;
	v48 =	vmul.f32 v23, v34  }
0x161: {  	s4 =	sand.u32 $0x3, s23;
	v50 =	vld [tilespmem:s19+$0x5880];
	s29 =	simm.s32 $0x5070;
	v29 =	vadd.f32 v32, v29;
	[tilespmem:s11+$0xD800] =	vst v18;
	v3 =	vadd.f32 $1.000000000e+00, v37;
	v18 =	vshll.u32 v25, $0x10  }
0x162: {  	s4 =	sshll.u32 s4, $0x5;
	v15 =	vor.u32 $0x180, v15;
	v20 =	vld [tilespmem:s29+$0xFFFFFFF0];
	[tilespmem:s20+$0xD800] =	vst v19;
	v26 =	vmul.f32 v18, v26;
	v25 =	vadd.f32 v48, v31  }
0x163: {  	s13 =	sadd.s32 $0x200, s4;
	v27 =	vld.idx.msk [tilespmem:v27+s30+$0x0], $0xffff;
	[tilespmem:s19+$0xD800] =	vst v29;
	v29 =	vshrl.u32 v4, $0x10;
	v4 =	vshrl.u32 v4, $0xE;
	v19 =	vmul.f32 v3, v35  }
0x164: {  	v31 =	vld.idx.msk [tilespmem:v36+s30+$0x0], $0xffff;
	v29 =	vand.u32 $0x7F, v29;
	v4 =	vand.u32 $0x3FE00, v4;
	[tilespmem:s24+$0xD880] =	vst v25;
	s24 =	sadd.s32 $0x20, s13  }
0x165: {  	v13 =	vmul.f32 v30, v13;
	v25 =	vadd.f32 v19, v26;
	v26 =	vmul.f32 v17, v28;
	s25 =	sor.u32 $0x100, s24;
	v28 =	vld.idx.msk [tilespmem:v49+s30+$0x0], $0xffff  }
0x166: {  	v39 =	vor.u32 $0x80, v6;
	v17 =	vor.u32 v29, v4;
	v4 =	vld [tilespmem:s25+$0x5800]  }
0x167: {  	v24 =	vld [tilespmem:s18+$0x5880];
	v13 =	vadd.f32 v26, v13  }
0x168: {  	v15 =	vld.idx.msk [tilespmem:v15+s30+$0x0], $0xffff;
	[tilespmem:s18+$0xD800] =	vst v25  }
0x169: {  	s4 =	sor.u32 $0x180, s9;
	v25 =	vmul.f32 v38, v12;
	v26 =	vmul.f32 v14, v27;
	[tilespmem:s22+$0xD800] =	vst v13;
	v13 =	vld [tilespmem:s29+$0x0]  }
0x16a: {  	s5 =	sand.u32 $0xF80, s5;
	s26 =	sor.u32 $0x10, s6;
	v51 =	vor.u32 $0x100, v22;
	v30 =	vmul.f32 v50, v9;
	v19 =	vld [tilespmem:s4+$0x5800];
	v31 =	vmul.f32 v10, v31  }
0x16b: {  	s5 =	sor.u32 s26, s5;
	v29 =	vld.idx.msk [tilespmem:v39+s30+$0x0], $0xffff;
	v25 =	vadd.f32 v26, v25;
	v28 =	vmul.f32 v23, v28;
	v4 =	vmul.f32 v4, v21  }
0x16c: {  	s23 =	sor.u32 s2, s26;
	v26 =	vld [tilespmem:s5+$0x4000];
	v30 =	vadd.f32 v31, v30  }
0x16d: {  	v58 =	vld [tilespmem:s23+$0x5800];
	[tilespmem:s11+$0xD880] =	vst v25;
	v4 =	vadd.f32 v28, v4  }
0x16e: {  	v27 =	vor.u32 $0x100, v16;
	v31 =	vld.idx.msk [tilespmem:v17+s30+$0x0], $0xffff;
	[tilespmem:s19+$0xD880] =	vst v30;
	v28 =	vshll.u32 v13, $0x2  }
0x16f: {  	s14 =	simm.s32 $0xE0;
	p1 =	por !p1, !p1;
	s5 =	simm.s32 $0x1;
	v25 =	vld.idx.msk [tilespmem:v51+s30+$0x0], $0xffff;
	v30 =	vand.u32 $0x7F, v13;
	v28 =	vand.u32 $0x3FE00, v28;
	[tilespmem:s25+$0xD800] =	vst v4  }
0x170: {  	s7 =	sadd.s32 $0x30, s7;
	s22 =	sor.u32 $0x180, s24;
	s5 =	simm.s32 @!p1 $0x0;
	v28 =	vor.u32 v30, v28;
	v4 =	vld.idx.msk [tilespmem:v52+s30+$0x0], $0xffff  }
0x171: {  	s24 =	simm.s32 $0x300;
	s5 =	sshll.u32 s5, $0x6;
	s19 =	sor.u32 $0x100, s7;
	v54 =	vld [tilespmem:s22+$0x5800]  }
0x172: {  	v42 =	vand.u32 $0xFFFF0000, v57;
	s15 =	sand.u32 $0x60, s14;
	v45 =	vmul.f32 v24, v3;
	s6 =	sadd.s32 $0x200, s5;
	s5 =	sand.u32 $0x3E00, s24;
	v29 =	vmul.f32 v18, v29;
	v53 =	vld [tilespmem:s19+$0x5800]  }
0x173: {  	v22 =	vor.u32 $0x180, v22;
	v56 =	vand.u32 $0x7F, v20;
	v27 =	vld.idx.msk [tilespmem:v27+s30+$0x0], $0xffff;
	v30 =	vshll.u32 v20, $0x2;
	s25 =	sor.u32 s5, s15  }
0x174: {  	v37 =	vor.u32 $0x100, v6;
	s11 =	simm.s32 $0xC0;
	v29 =	vadd.f32 v29, v45;
	v30 =	vand.u32 $0x3FE00, v30;
	v40 =	vld [tilespmem:s25+$0x5800]  }
0x175: {  	s9 =	sand.u32 $0x40, s11;
	s20 =	sor.u32 $0x100, s6;
	v30 =	vor.u32 v56, v30;
	v59 =	vmul.f32 v10, v25;
	v25 =	vshrl.u32 v5, $0x10;
	v60 =	vld.idx.msk [tilespmem:v28+s30+$0x0], $0xffff  }
0x176: {  	s2 =	sor.u32 s9, s5;
	v55 =	vld [tilespmem:s20+$0x5800];
	v5 =	vshrl.u32 v5, $0xE;
	v33 =	vmul.f32 v54, v21;
	v4 =	vmul.f32 v23, v4  }
0x177: {  	v43 =	vld [tilespmem:s2+$0x5800];
	v32 =	vmul.f32 v53, v9;
	v5 =	vand.u32 $0x3FE00, v5;
	v23 =	vand.u32 $0x7F, v25  }
0x178: {  	v46 =	vld [tilespmem:s25+$0x5880];
	[tilespmem:s18+$0xD880] =	vst v29;
	v25 =	vor.u32 v23, v5;
	v23 =	vadd.f32 $1.000000000e+00, v42;
	v4 =	vadd.f32 v4, v33  }
0x179: {  	s10 =	sand.u32 $0xF80, s10;
	s21 =	sor.u32 $0x10, s21;
	v63 =	vor.u32 $0x180, v16;
	v16 =	vshll.u32 v57, $0x10;
	v37 =	vld.idx.msk [tilespmem:v37+s30+$0x0], $0xffff;
	v5 =	vadd.f32 v59, v32  }
0x17a: {  	s10 =	sor.u32 s21, s10;
	v50 =	vor.u32 $0x80, v28;
	v62 =	vld.idx.msk [tilespmem:v30+s30+$0x0], $0xffff;
	v49 =	vmul.f32 v23, v40;
	[tilespmem:s22+$0xD800] =	vst v4;
	v39 =	vmul.f32 v16, v60  }
0x17b: {  	v48 =	vand.u32 $0xFFFF0000, v26;
	v34 =	vmul.f32 v55, v12;
	[tilespmem:s19+$0xD800] =	vst v5;
	v44 =	vld [tilespmem:s10+$0x4000]  }
0x17c: {  	s26 =	sor.u32 s1, s21;
	v5 =	vshll.u32 v26, $0x10;
	v32 =	vld.idx.msk [tilespmem:v22+s30+$0x0], $0xffff;
	v22 =	vmul.f32 v14, v27;
	v36 =	vadd.f32 v49, v39  }
0x17d: {  	v4 =	vadd.f32 $1.000000000e+00, v48;
	v24 =	vmul.f32 v5, v31;
	v31 =	vld [tilespmem:s26+$0x5800]  }
0x17e: {  	v61 =	vor.u32 $0x80, v17;
	v26 =	vand.u32 $0xFFFF0000, v41;
	v51 =	vld.idx.msk [tilespmem:v25+s30+$0x0], $0xffff;
	v22 =	vadd.f32 v22, v34;
	[tilespmem:s25+$0xD800] =	vst v36  }
0x17f: {  	v26 =	vadd.f32 $1.000000000e+00, v26;
	v27 =	vshll.u32 v41, $0x10;
	v38 =	vmul.f32 v4, v58;
	v40 =	vld.idx.msk [tilespmem:v50+s30+$0x0], $0xffff  }
0x180: {  	v21 =	vld [tilespmem:s23+$0x5880];
	v54 =	vor.u32 $0x80, v30;
	v35 =	vmul.f32 v27, v62;
	[tilespmem:s20+$0xD800] =	vst v22;
	v53 =	vand.u32 $0xFFFF0000, v44  }
0x181: {  	s29 =	sor.u32 $0x180, s6;
	v52 =	vmul.f32 v26, v43;
	v38 =	vadd.f32 v38, v24;
	v55 =	vld.idx.msk [tilespmem:v63+s30+$0x0], $0xffff;
	v22 =	vadd.f32 $1.000000000e+00, v53  }
0x182: {  	v59 =	vshrl.u32 v11, $0x10;
	s10 =	sor.u32 $0x180, s7;
	v56 =	vld [tilespmem:s29+$0x5800];
	v24 =	vshll.u32 v44, $0x10  }
0x183: {  	v34 =	vld [tilespmem:s10+$0x5800];
	v35 =	vadd.f32 v52, v35;
	[tilespmem:s23+$0xD800] =	vst v38;
	v39 =	vmul.f32 v24, v51;
	v31 =	vmul.f32 v22, v31  }
0x184: {  	v57 =	vor.u32 $0x80, v25;
	v60 =	vmul.f32 v46, v23;
	v45 =	vld.idx.msk [tilespmem:v61+s30+$0x0], $0xffff;
	v61 =	vmul.f32 v16, v40  }
0x185: {  	s21 =	simm.s32 $0x6;
	v11 =	vshrl.u32 v11, $0xE;
	v58 =	vld [tilespmem:s2+$0x5880];
	v62 =	vor.u32 $0x100, v28;
	[tilespmem:s2+$0xD800] =	vst v35;
	v31 =	vadd.f32 v31, v39  }
0x186: {  	s18 =	sand.u32 $0x3, s21;
	v11 =	vand.u32 $0x3FE00, v11;
	s20 =	sadd.s32 $0x10, s0;
	v38 =	vand.u32 $0x7F, v59;
	v29 =	vld.idx.msk [tilespmem:v54+s30+$0x0], $0xffff;
	v33 =	vadd.f32 v61, v60  }
0x187: {  	s22 =	sshll.u32 s18, $0x5;
	s7 =	sor.u32 $0x100, s20;
	v46 =	vor.u32 v38, v11;
	v11 =	vld [tilespmem:s26+$0x5880];
	v12 =	vmul.f32 v56, v12;
	[tilespmem:s26+$0xD800] =	vst v31;
	v31 =	vmul.f32 v14, v55  }
0x188: {  	s0 =	sadd.s32 $0x300, s22;
	v14 =	vld [tilespmem:s7+$0x5800];
	[tilespmem:s25+$0xD880] =	vst v33  }
0x189: {  	v63 =	vld.idx.msk [tilespmem:v57+s30+$0x0], $0xffff;
	v12 =	vadd.f32 v31, v12;
	[dreg:$0x4] =	wrdreg s0;
	s0 =	sadd.s32 $0x20, s0  }
0x18a: {  	s24 =	sor.u32 $0x100, s0;
	v47 =	vld.idx.msk [tilespmem:v62+s30+$0x0], $0xffff  }
0x18b: {  	v29 =	vmul.f32 v27, v29;
	s25 =	simm.s32 $0x5090;
	[tilespmem:s29+$0xD800] =	vst v12;
	v12 =	vld [tilespmem:s24+$0x5800]  }
0x18c: {  	s8 =	sand.u32 $0xF80, s8;
	s12 =	sor.u32 $0x10, s12;
	v51 =	vmul.f32 v11, v22;
	v31 =	vmul.f32 v58, v26;
	v11 =	vld [tilespmem:s25+$0x0]  }
0x18d: {  	s8 =	sor.u32 s12, s8;
	v48 =	vor.u32 $0x100, v30;
	v52 =	vor.u32 $0x100, v25;
	v54 =	vor.u32 $0x180, v28;
	v33 =	vld [tilespmem:s25+$0xFFFFFFF0]  }
0x18e: {  	v49 =	vadd.f32 v29, v31;
	v29 =	vor.u32 $0x180, v6;
	v50 =	vld [tilespmem:s8+$0x4000];
	v35 =	vmul.f32 v24, v63  }
0x18f: {  	s12 =	sor.u32 s1, s12;
	v31 =	vor.u32 $0x100, v17;
	v6 =	vor.u32 $0x180, v17;
	v17 =	vmul.f32 v19, v7;
	v41 =	vld.idx.msk [tilespmem:v46+s30+$0x0], $0xffff  }
0x190: {  	v58 =	vld [tilespmem:s12+$0x5800];
	v19 =	vadd.f32 v35, v51;
	v53 =	vmul.f32 v16, v47;
	v12 =	vmul.f32 v12, v23  }
0x191: {  	v15 =	vmul.f32 v8, v15;
	v9 =	vmul.f32 v34, v9;
	v34 =	vld [tilespmem:s12+$0x5880];
	[tilespmem:s2+$0xD880] =	vst v49  }
0x192: {  	s17 =	simm.s32 $0x1;
	p1 =	por !p1, !p1;
	v42 =	vor.u32 $0x180, v30;
	v21 =	vmul.f32 v21, v4;
	v39 =	vld.idx.msk [tilespmem:v48+s30+$0x0], $0xffff;
	[tilespmem:s26+$0xD880] =	vst v19;
	s26 =	sadd.s32 $0x30, s13;
	v12 =	vadd.f32 v53, v12  }
0x193: {  	s17 =	simm.s32 @!p1 $0x0;
	v25 =	vor.u32 $0x180, v25;
	v10 =	vmul.f32 v10, v32;
	v15 =	vadd.f32 v15, v17;
	s29 =	sor.u32 $0x100, s26;
	v17 =	vld.idx.msk [tilespmem:v52+s30+$0x0], $0xffff  }
0x194: {  	s17 =	sshll.u32 s17, $0x6;
	v28 =	vor.u32 $0x80, v46;
	v30 =	vshll.u32 v11, $0x2;
	v19 =	vshrl.u32 v20, $0x10;
	v56 =	vld [tilespmem:s29+$0x5800];
	[tilespmem:s24+$0xD800] =	vst v12  }
0x195: {  	s22 =	sadd.s32 $0x300, s17;
	s0 =	sor.u32 $0x180, s0;
	v30 =	vand.u32 $0x3FE00, v30;
	v57 =	vand.u32 $0x7F, v19;
	v19 =	vand.u32 $0x7F, v11;
	v38 =	vld.idx.msk [tilespmem:v54+s30+$0x0], $0xffff  }
0x196: {  	v8 =	vor.u32 $0x100, v46;
	s8 =	sor.u32 $0x100, s22;
	v20 =	vshrl.u32 v20, $0xE;
	v19 =	vor.u32 v19, v30;
	v59 =	vld [tilespmem:s0+$0x5800]  }
0x197: {  	s28 =	simm.s32 $0x400;
	s16 =	simm.s32 $0x100;
	s2 =	simm.s32 $0x120;
	v55 =	vld [tilespmem:s8+$0x5800];
	v35 =	vadd.f32 v10, v9;
	v12 =	vand.u32 $0x3FE00, v20;
	v20 =	vshll.u32 v33, $0x2  }
0x198: {  	s18 =	sand.u32 $0x60, s2;
	v47 =	vld [tilespmem:s16+$0x4000];
	s13 =	sand.u32 $0x3E00, s28;
	v30 =	vor.u32 v57, v12;
	v12 =	vand.u32 $0x7F, v33;
	v20 =	vand.u32 $0x3FE00, v20  }
0x199: {  	s24 =	sor.u32 s13, s18;
	v32 =	vor.u32 v12, v20;
	v20 =	vld [tilespmem:s16+$0x4020];
	[dreg:$0x7] =	wrdreg s18;
	s16 =	simm.s32 $0x100;
	v17 =	vmul.f32 v24, v17;
	v60 =	vmul.f32 v56, v22  }
0x19a: {  	v9 =	vmul.f32 v5, v45;
	v10 =	vshrl.u32 v13, $0x10;
	v13 =	vshrl.u32 v13, $0xE;
	v62 =	vld [tilespmem:s24+$0x5800];
	s25 =	sand.u32 $0x40, s16  }
0x19b: {  	v61 =	vld.idx.msk [tilespmem:v19+s30+$0x0], $0xffff;
	s19 =	sor.u32 s25, s13;
	v17 =	vadd.f32 v17, v60;
	v23 =	vmul.f32 v59, v23;
	v16 =	vmul.f32 v16, v38  }
0x19c: {  	v52 =	vld [tilespmem:s19+$0x5800];
	v38 =	vadd.f32 v9, v21;
	v9 =	vand.u32 $0x7F, v10;
	v10 =	vand.u32 $0x3FE00, v13  }
0x19d: {  	v48 =	vld [tilespmem:s19+$0x5880];
	v13 =	vmul.f32 v18, v37;
	v21 =	vmul.f32 v55, v26;
	[tilespmem:s29+$0xD800] =	vst v17;
	v16 =	vadd.f32 v16, v23  }
0x19e: {  	v17 =	vor.u32 v9, v10;
	v10 =	vand.u32 $0xFFFF0000, v20;
	v37 =	vld.idx.msk [tilespmem:v25+s30+$0x0], $0xffff;
	v25 =	vmul.f32 v27, v39  }
0x19f: {  	s14 =	sand.u32 $0xF80, s14;
	s21 =	sor.u32 $0x10, s15;
	v7 =	vor.u32 $0x180, v46;
	v51 =	vand.u32 $0xFFFF0000, v50;
	v63 =	vld.idx.msk [tilespmem:v32+s30+$0x0], $0xffff;
	s29 =	sor.u32 $0x180, s26;
	v23 =	vadd.f32 $1.000000000e+00, v10  }
0x1a0: {  	v9 =	vshll.u32 v50, $0x10;
	s26 =	sor.u32 s21, s14;
	v36 =	vld [tilespmem:s29+$0x5800];
	[tilespmem:s0+$0xD800] =	vst v16;
	v16 =	vadd.f32 v25, v21;
	v25 =	vshll.u32 v20, $0x10  }
0x1a1: {  	s21 =	sor.u32 s5, s21;
	v10 =	vadd.f32 $1.000000000e+00, v51;
	v53 =	vld [tilespmem:s26+$0x4000];
	v46 =	vmul.f32 v23, v62;
	v45 =	vmul.f32 v25, v61  }
0x1a2: {  	v49 =	vor.u32 $0x80, v19;
	v41 =	vmul.f32 v9, v41;
	v55 =	vld [tilespmem:s21+$0x5800]  }
0x1a3: {  	v20 =	vand.u32 $0xFFFF0000, v47;
	v50 =	vld.idx.msk [tilespmem:v17+s30+$0x0], $0xffff;
	[tilespmem:s8+$0xD800] =	vst v16;
	v16 =	vmul.f32 v10, v58;
	v54 =	vadd.f32 v46, v45  }
0x1a4: {  	[tilespmem:s4+$0xD800] =	vst v15;
	v20 =	vadd.f32 $1.000000000e+00, v20;
	v58 =	vld [tilespmem:s24+$0x5880]  }
0x1a5: {  	s17 =	sshll.u32 s31, $0xC;
	v15 =	vmul.f32 v14, v3;
	s14 =	sor.u32 $0x180, s22;
	v21 =	vshll.u32 v47, $0x10;
	v42 =	vld.idx.msk [tilespmem:v42+s30+$0x0], $0xffff;
	v41 =	vadd.f32 v16, v41;
	[tilespmem:s24+$0xD800] =	vst v54  }
0x1a6: {  	s3 =	sadd.s32 $0x10, s3;
	v56 =	vor.u32 $0x80, v32;
	v43 =	vmul.f32 v21, v63;
	v40 =	vmul.f32 v20, v52;
	v57 =	vld [tilespmem:s14+$0x5800];
	[dreg:$0x19] =	wrdreg s17  }
0x1a7: {  	v59 =	vadd.f32 v13, v15;
	s8 =	sor.u32 $0x100, s3;
	s3 =	sor.u32 $0x180, s3;
	v22 =	vmul.f32 v36, v22;
	v24 =	vmul.f32 v24, v37;
	[tilespmem:s12+$0xD800] =	vst v41  }
0x1a8: {  	v62 =	vor.u32 $0x80, v17;
	v14 =	vand.u32 $0xFFFF0000, v53;
	v40 =	vadd.f32 v40, v43;
	v49 =	vld.idx.msk [tilespmem:v49+s30+$0x0], $0xffff;
	[dreg:$0x6] =	wrdreg s3  }
0x1a9: {  	v15 =	vshll.u32 v53, $0x10;
	v22 =	vadd.f32 v24, v22;
	v14 =	vadd.f32 $1.000000000e+00, v14;
	v63 =	vld.idx.msk [tilespmem:v28+s30+$0x0], $0xffff  }
0x1aa: {  	s11 =	sand.u32 $0xF80, s11;
	p1 =	por !p1, !p1;
	v61 =	vmul.f32 v15, v50;
	v50 =	vshrl.u32 v33, $0x10;
	v52 =	vmul.f32 v58, v23;
	[tilespmem:s19+$0xD800] =	vst v40  }
0x1ab: {  	s1 =	sor.u32 $0x180, s20;
	s20 =	sor.u32 $0x10, s9;
	s9 =	simm.s32 $0x1;
	v33 =	vshrl.u32 v33, $0xE;
	v58 =	vmul.f32 v34, v10;
	v60 =	vmul.f32 v14, v55;
	[tilespmem:s7+$0xD800] =	vst v59;
	v59 =	vld [tilespmem:s21+$0x5880]  }
0x1ac: {  	s11 =	sor.u32 s20, s11;
	s9 =	simm.s32 @!p1 $0x0;
	s18 =	sadd.s32 $0x10, s6;
	v27 =	vmul.f32 v27, v42;
	v26 =	vmul.f32 v57, v26;
	v33 =	vand.u32 $0x3FE00, v33;
	[tilespmem:s23+$0xD880] =	vst v38;
	v46 =	vld.idx.msk [tilespmem:v56+s30+$0x0], $0xffff  }
0x1ad: {  	s15 =	sshll.u32 s9, $0x6;
	s9 =	simm.s32 $0x8;
	s6 =	sor.u32 $0x100, s18;
	v55 =	vor.u32 $0x100, v19;
	[tilespmem:s10+$0xD800] =	vst v35;
	v39 =	vadd.f32 v60, v61;
	v51 =	vld.idx.msk [tilespmem:v31+s30+$0x0], $0xffff;
	v54 =	vmul.f32 v25, v49  }
0x1ae: {  	s4 =	sor.u32 $0x180, s18;
	s26 =	sand.u32 $0x3, s9;
	s17 =	sadd.s32 $0x400, s15;
	[tilespmem:s29+$0xD800] =	vst v22;
	v31 =	vand.u32 $0x7F, v50;
	v53 =	vld [tilespmem:s8+$0x5800];
	v26 =	vadd.f32 v27, v26;
	v60 =	vmul.f32 v9, v63  }
0x1af: {  	s15 =	sadd.s32 $0x10, s17;
	s3 =	sshll.u32 s26, $0x5;
	s26 =	sor.u32 $0x10, s25;
	v56 =	vld.idx.msk [tilespmem:v29+s30+$0x0], $0xffff;
	v29 =	vor.u32 v31, v33;
	[tilespmem:s21+$0xD800] =	vst v39;
	v31 =	vadd.f32 v54, v52  }
0x1b0: {  	s23 =	sadd.s32 $0x10, s22;
	s22 =	sor.u32 s5, s20;
	s5 =	sor.u32 $0x180, s17;
	[tilespmem:s14+$0xD800] =	vst v26;
	v57 =	vld.idx.msk [tilespmem:v62+s30+$0x0], $0xffff;
	v63 =	vadd.f32 v60, v58  }
0x1b1: {  	v12 =	vor.u32 $0x80, v30;
	v13 =	vor.u32 $0x180, v30;
	s20 =	sadd.s32 $0x400, s3;
	s25 =	sor.u32 s13, s26;
	s18 =	sor.u32 $0x100, s23;
	v35 =	vld [tilespmem:s11+$0x4000];
	[tilespmem:s24+$0xD880] =	vst v31  }
0x1b2: {  	v37 =	vor.u32 $0x100, v17;
	s7 =	sor.u32 $0x180, s23;
	v61 =	vmul.f32 v48, v20;
	s14 =	sand.u32 $0xF80, s16;
	s16 =	sadd.s32 $0x20, s20;
	v62 =	vmul.f32 v21, v46;
	v31 =	vld [tilespmem:s1+$0x5800];
	[tilespmem:s12+$0xD880] =	vst v63  }
0x1b3: {  	v16 =	vor.u32 $0x100, v30;
	v28 =	vor.u32 $0x100, v32;
	s23 =	sor.u32 $0x100, s17;
	v27 =	vor.u32 $0x180, v32;
	s17 =	sor.u32 $0x100, s16;
	v38 =	vld.idx.msk [tilespmem:v55+s30+$0x0], $0xffff;
	s29 =	rddreg [dreg:$0x12]  }
0x1b4: {  	v26 =	vor.u32 $0x80, v29;
	s11 =	sor.u32 s26, s14;
	v33 =	vmul.f32 v5, v51;
	v36 =	vadd.f32 v62, v61;
	v40 =	vld [tilespmem:s17+$0x5800];
	[dreg:$0x18] =	wrdreg s31;
	s0 =	sadd.s32 s29, s31  }
0x1b5: {  	v24 =	vor.u32 $0x100, v29;
	s14 =	simm.s32 $0x120;
	v34 =	vmul.f32 v53, v4;
	v32 =	vmul.f32 v18, v56;
	s24 =	sor.u32 $0x100, s15;
	[dreg:$0x1a] =	wrdreg s0  }
0x1b6: {  	v22 =	vor.u32 $0x180, v29;
	s12 =	sor.u32 $0x180, s15;
	v39 =	vmul.f32 v15, v57;
	s15 =	simm.s32 $0x8;
	s31 =	simm.s32 $0x50B0;
	[tilespmem:s19+$0xD880] =	vst v36;
	v36 =	vld.idx.msk [tilespmem:v30+s30+$0x0], $0xffff;
	v30 =	vmul.f32 v59, v14  }
.LBB2_9:
0x1b7: {  	v41 =	vld [tilespmem:s31+$0x0];
	v33 =	vadd.f32 v33, v34  }
0x1b8: {  	v18 =	vmovc v29;
	v29 =	vld [tilespmem:s31+$0xFFFFFFF0];
	v31 =	vmul.f32 v31, v3;
	v3 =	vmovc v4;
	v4 =	vmov v10;
	v10 =	vadd.f32 v39, v30  }
0x1b9: {  	v28 =	vld.idx.msk [tilespmem:v28+s30+$0x0], $0xffff;
	v46 =	vor.u32 $0x180, v19;
	s10 =	rddreg [dreg:$0x4];
	[tilespmem:s8+$0xD800] =	vst v33  }
0x1ba: {  	[tilespmem:s21+$0xD880] =	vst v10;
	s21 =	sadd.s32 $0x30, s10;
	v31 =	vadd.f32 v32, v31;
	v45 =	vmul.f32 v40, v23;
	v38 =	vmul.f32 v25, v38;
	v33 =	vld [tilespmem:s23+$0x5800]  }
0x1bb: {  	s19 =	smov.u32 s20;
	s20 =	sor.u32 $0x100, s21;
	v48 =	vld.idx.msk [tilespmem:v37+s30+$0x0], $0xffff  }
0x1bc: {  	v19 =	vand.u32 $0xFFFF0000, v35;
	v49 =	vld [tilespmem:s20+$0x5800];
	[tilespmem:s1+$0xD800] =	vst v31;
	v47 =	vadd.f32 v38, v45  }
0x1bd: {  	s0 =	smov.u32 s18;
	s26 =	smov.u32 s4;
	p1 =	por !p1, !p1;
	v59 =	vshrl.u32 v11, $0xE;
	v10 =	vadd.f32 $1.000000000e+00, v19;
	v19 =	vshll.u32 v41, $0x2;
	v51 =	vld [tilespmem:s22+$0x5800]  }
0x1be: {  	s28 =	sadd.s32 $0x100, s28;
	[dreg:$0xa] =	wrdreg s0;
	s0 =	simm.s32 $0x1;
	v31 =	vshll.u32 v29, $0x2;
	v50 =	vand.u32 $0x7F, v41;
	v19 =	vand.u32 $0x3FE00, v19;
	v43 =	vld [tilespmem:s22+$0x5880];
	[tilespmem:s17+$0xD800] =	vst v47  }
0x1bf: {  	s2 =	sadd.s32 $0x40, s2;
	s0 =	simm.s32 @!p1 $0x0;
	v53 =	vand.u32 $0x7F, v29;
	v31 =	vand.u32 $0x3FE00, v31;
	v19 =	vor.u32 v50, v19;
	s17 =	sor.u32 $0x180, s16;
	v54 =	vld.idx.msk [tilespmem:v46+s30+$0x0], $0xffff  }
0x1c0: {  	[dreg:$0x4] =	wrdreg s19;
	s19 =	sshra.s32 s28, $0x2;
	s0 =	sshll.u32 s0, $0x6;
	v55 =	vmul.f32 v21, v28;
	v31 =	vor.u32 v53, v31;
	v33 =	vmul.f32 v33, v20;
	v56 =	vld [tilespmem:s17+$0x5800]  }
0x1c1: {  	s4 =	sand.u32 $0x60, s2;
	v30 =	vshll.u32 v35, $0x10;
	s29 =	sadd.s32 s28, s0;
	s0 =	sand.u32 $0x3E00, s28;
	v45 =	vor.u32 $0x180, v17;
	v17 =	vshrl.u32 v29, $0x10;
	v44 =	vld [tilespmem:s19+$0x4020]  }
0x1c2: {  	v35 =	vmul.f32 v30, v36;
	v57 =	vand.u32 $0x7F, v17;
	s16 =	sor.u32 s0, s4;
	v46 =	vld [tilespmem:s19+$0x4000];
	v33 =	vadd.f32 v55, v33  }
0x1c3: {  	s8 =	smov.u32 s6;
	s6 =	simm.s32 $0x5800;
	s10 =	sadd.s32 $0xFFFFFFE0, s2;
	v17 =	vshrl.u32 v11, $0x10;
	v34 =	vmul.f32 v15, v48;
	v58 =	vld [tilespmem:s16+$0x5800];
	v36 =	vmul.f32 v49, v14  }
0x1c4: {  	s18 =	smov.u32 s24;
	s24 =	rddreg [dreg:$0x6];
	v40 =	vor.u32 $0x80, v31;
	v28 =	vor.u32 $0x100, v31;
	v42 =	vor.u32 $0x180, v31;
	s19 =	sand.u32 $0x40, s10;
	v47 =	vld.idx.msk [tilespmem:v19+s6+$0x0], $0xffff;
	[tilespmem:s23+$0xD800] =	vst v33  }
0x1c5: {  	s1 =	smov.u32 s24;
	s24 =	sand.u32 $0xF80, s10;
	s10 =	sor.u32 s19, s0;
	v34 =	vadd.f32 v34, v36;
	v23 =	vmul.f32 v56, v23;
	v25 =	vmul.f32 v25, v54;
	v31 =	vld.idx.msk [tilespmem:v31+s6+$0x0], $0xffff  }
0x1c6: {  	v17 =	vand.u32 $0x7F, v17;
	v33 =	vand.u32 $0x3FE00, v59;
	v63 =	vld [tilespmem:s10+$0x5800]  }
0x1c7: {  	s3 =	sor.u32 $0x100, s29;
	[tilespmem:s20+$0xD800] =	vst v34;
	v60 =	vand.u32 $0xFFFF0000, v44;
	v17 =	vor.u32 v17, v33;
	s20 =	sor.u32 $0x180, s21;
	s21 =	rddreg [dreg:$0x7];
	v55 =	vld [tilespmem:s10+$0x5880];
	v37 =	vadd.f32 v25, v23  }
0x1c8: {  	v29 =	vshrl.u32 v29, $0xE;
	s23 =	smov.u32 s3;
	v61 =	vld.idx.msk [tilespmem:v45+s6+$0x0], $0xffff;
	s3 =	sor.u32 $0x10, s21;
	s21 =	sand.u32 $0xF80, s14;
	v25 =	vand.u32 $0xFFFF0000, v46;
	v23 =	vadd.f32 $1.000000000e+00, v60  }
0x1c9: {  	v11 =	vmovc v41;
	v29 =	vand.u32 $0x3FE00, v29;
	v62 =	vld [tilespmem:s20+$0x5800];
	v41 =	vadd.f32 $1.000000000e+00, v25;
	v25 =	vshll.u32 v44, $0x10;
	[tilespmem:s17+$0xD800] =	vst v37;
	s17 =	sor.u32 s3, s21  }
0x1ca: {  	v53 =	vor.u32 $0x80, v19;
	v36 =	vmul.f32 v23, v58;
	v52 =	vmul.f32 v25, v47;
	v54 =	vld [tilespmem:s17+$0x4000]  }
0x1cb: {  	[dreg:$0x6] =	wrdreg s26;
	s26 =	smov.u32 s13;
	v29 =	vor.u32 v57, v29;
	v32 =	vmul.f32 v10, v51;
	v39 =	vshll.u32 v46, $0x10;
	v60 =	vld.idx.msk [tilespmem:v27+s6+$0x0], $0xffff;
	s21 =	smov.u32 s4  }
0x1cc: {  	[dreg:$0x7] =	wrdreg s21;
	v31 =	vmul.f32 v39, v31;
	s21 =	sor.u32 s26, s3;
	v57 =	vld.idx.msk [tilespmem:v17+s6+$0x0], $0xffff;
	v58 =	vmul.f32 v41, v63;
	v36 =	vadd.f32 v36, v52  }
0x1cd: {  	v32 =	vadd.f32 v32, v35;
	v49 =	vld [tilespmem:s21+$0x5800]  }
0x1ce: {  	v63 =	vld [tilespmem:s16+$0x5880];
	v14 =	vmul.f32 v62, v14;
	v15 =	vmul.f32 v15, v61;
	v31 =	vadd.f32 v58, v31;
	[tilespmem:s16+$0xD800] =	vst v36  }
0x1cf: {  	[tilespmem:s22+$0xD800] =	vst v32;
	v36 =	vld.idx.msk [tilespmem:v53+s6+$0x0], $0xffff;
	v61 =	vand.u32 $0xFFFF0000, v54  }
0x1d0: {  	v43 =	vmul.f32 v43, v10;
	v50 =	vld [tilespmem:s5+$0x5800];
	v62 =	vadd.f32 v15, v14;
	[tilespmem:s10+$0xD800] =	vst v31;
	v14 =	vadd.f32 $1.000000000e+00, v61  }
0x1d1: {  	v59 =	vor.u32 $0x180, v29;
	v56 =	vor.u32 $0x80, v29;
	v15 =	vshll.u32 v54, $0x10;
	v53 =	vld.idx.msk [tilespmem:v12+s6+$0x0], $0xffff  }
0x1d2: {  	v27 =	vmovc v42;
	v52 =	vor.u32 $0x80, v17;
	v40 =	vld.idx.msk [tilespmem:v40+s6+$0x0], $0xffff;
	v51 =	vmul.f32 v15, v57;
	v31 =	vmul.f32 v14, v49  }
0x1d3: {  	s15 =	sadd.s32 $0x2, s15;
	s9 =	sadd.s32 $0x2, s9;
	v42 =	vmul.f32 v55, v41;
	v55 =	vor.u32 $0x100, v19;
	v35 =	vmul.f32 v21, v60;
	v12 =	vmovc v26;
	v54 =	vld.idx.msk [tilespmem:v8+s6+$0x0], $0xffff  }
0x1d4: {  	p2 =	slt.u32 s15, $0x7E;
	s13 =	smov.u32 s7;
	s7 =	smov.u32 s12;
	v26 =	vmovc v56;
	v33 =	vmul.f32 v63, v23;
	v56 =	vld [tilespmem:s8+$0x5800];
	v36 =	vmul.f32 v25, v36;
	v31 =	vadd.f32 v31, v51  }
0x1d5: {  	s12 =	sadd.s32 $0x10, s29;
	s30 =	sor.u32 $0x180, s29;
	s29 =	sor.u32 $0x10, s19;
	v21 =	vmovc v39;
	v38 =	vmul.f32 v50, v20;
	[tilespmem:s20+$0xD800] =	vst v62;
	v57 =	vld.idx.msk [tilespmem:v6+s6+$0x0], $0xffff;
	v6 =	vmov v7;
	v7 =	vmov v13  }
0x1d6: {  	s19 =	sor.u32 s29, s24;
	s29 =	sor.u32 s0, s29;
	s26 =	sand.u32 $0x3, s9;
	v13 =	vmovc v22;
	v22 =	vmov v59;
	v59 =	vld [tilespmem:s21+$0x5880];
	v60 =	vmul.f32 v30, v53;
	[tilespmem:s21+$0xD800] =	vst v31;
	v31 =	vadd.f32 v36, v33  }
0x1d7: {  	s4 =	smov.u32 s13;
	s13 =	smov.u32 s0;
	s0 =	sshll.u32 s26, $0x5;
	v58 =	vadd.f32 v35, v38;
	v61 =	vmul.f32 v21, v40;
	v37 =	vld.idx.msk [tilespmem:v52+s6+$0x0], $0xffff  }
.Ltmp5:
0x1d8: {  	s20 =	sadd.s32 s28, s0;
	v62 =	vadd.f32 v60, v43;
	[tilespmem:s16+$0xD880] =	vst v31;
	v31 =	vld [tilespmem:s1+$0x5800];
	(pc) =	sbr.rel @p2 .LBB2_9-.Ltmp5, $4  }
0x1d9: {  	s31 =	sadd.s32 $0x20, s31;
	s24 =	sor.u32 $0x100, s12;
	v63 =	vadd.f32 v61, v42;
	s16 =	sadd.s32 $0x20, s20;
	[tilespmem:s5+$0xD800] =	vst v58;
	v38 =	vld.idx.msk [tilespmem:v55+s6+$0x0], $0xffff  }
0x1da: {  	v48 =	vor.u32 $0x100, v29;
	s12 =	sor.u32 $0x180, s12;
	s14 =	smov.u32 s2;
	v20 =	vmovc v41;
	v8 =	vmovc v16;
	v16 =	vmov v24;
	v34 =	vmul.f32 v56, v4;
	s17 =	sor.u32 $0x100, s16;
	v35 =	vld [tilespmem:s11+$0x4000];
	[tilespmem:s22+$0xD880] =	vst v62  }
0x1db: {  	v24 =	vmovc v48;
	v32 =	vmul.f32 v5, v57;
	v5 =	vmov v9;
	v33 =	vmul.f32 v9, v54;
	s5 =	smov.u32 s30;
	s30 =	simm.s32 $0x5800;
	s6 =	rddreg [dreg:$0xa];
	v40 =	vld [tilespmem:s17+$0x5800];
	[tilespmem:s10+$0xD880] =	vst v63  }
0x1dc: {  	v9 =	vmovc v30;
	v30 =	vmul.f32 v59, v14;
	s11 =	smov.u32 s19;
	s22 =	smov.u32 s25;
	s25 =	smov.u32 s29;
	v36 =	vld.idx.msk [tilespmem:v18+s30+$0x0], $0xffff;
	v39 =	vmul.f32 v15, v37;
	v37 =	vor.u32 $0x100, v17  }
0x1dd: {  	_ =	sdelay $0x2  }
0x1de: {  	v19 =	vor.u32 $0x180, v19;
	v38 =	vmul.f32 v25, v38;
	v58 =	vmul.f32 v40, v23  }
0x1df: {  	v18 =	vld.idx.msk [tilespmem:v28+s30+$0x0], $0xffff  }
0x1e0: {  	v59 =	vld [tilespmem:s23+$0x5800];
	v28 =	vadd.f32 v38, v58;
	_ =	sdelay $0x1  }
0x1e1: {  	[tilespmem:s17+$0xD800] =	vst v28  }
0x1e2: {  	s0 =	sor.u32 $0x180, s16;
	v19 =	vld.idx.msk [tilespmem:v19+s30+$0x0], $0xffff  }
0x1e3: {  	v61 =	vld [tilespmem:s0+$0x5800]  }
0x1e4: {  	v60 =	vmul.f32 v59, v20;
	v18 =	vmul.f32 v21, v18;
	_ =	sdelay $0x1  }
0x1e5: {  	v18 =	vadd.f32 v18, v60  }
0x1e6: {  	v62 =	vshrl.u32 v11, $0x10  }
0x1e7: {  	v28 =	vshrl.u32 v11, $0xE;
	[tilespmem:s23+$0xD800] =	vst v18;
	v63 =	vmul.f32 v61, v23;
	v19 =	vmul.f32 v25, v19  }
0x1e8: {  	v11 =	vand.u32 $0x3FE00, v28;
	v18 =	vand.u32 $0x7F, v62;
	v38 =	vld.idx.msk [tilespmem:v27+s30+$0x0], $0xffff  }
0x1e9: {  	v40 =	vld [tilespmem:s5+$0x5800];
	v11 =	vor.u32 v18, v11;
	s2 =	rddreg [dreg:$0x7];
	v19 =	vadd.f32 v19, v63  }
0x1ea: {  	s3 =	sand.u32 $0xF80, s14;
	s2 =	sor.u32 $0x10, s2  }
0x1eb: {  	s16 =	sor.u32 s2, s3;
	[tilespmem:s0+$0xD800] =	vst v19  }
0x1ec: {  	v41 =	vld [tilespmem:s16+$0x4000];
	_ =	sdelay $0x1  }
0x1ed: {  	s17 =	sor.u32 s13, s2;
	v42 =	vmul.f32 v21, v38;
	v43 =	vmul.f32 v40, v20;
	v44 =	vld.idx.msk [tilespmem:v11+s30+$0x0], $0xffff  }
0x1ee: {  	v45 =	vld [tilespmem:s17+$0x5800]  }
0x1ef: {  	v19 =	vadd.f32 v42, v43  }
0x1f0: {  	v46 =	vand.u32 $0xFFFF0000, v41  }
0x1f1: {  	[tilespmem:s5+$0xD800] =	vst v19;
	v19 =	vadd.f32 $1.000000000e+00, v46  }
0x1f2: {  	v47 =	vld [tilespmem:s11+$0x4000];
	v18 =	vshll.u32 v41, $0x10  }
0x1f3: {  	v49 =	vld [tilespmem:s22+$0x5800];
	v50 =	vor.u32 $0x80, v11;
	v21 =	vmul.f32 v18, v44;
	v23 =	vmul.f32 v19, v45  }
0x1f4: {  	v48 =	vadd.f32 v39, v30;
	v29 =	vld.idx.msk [tilespmem:v29+s30+$0x0], $0xffff  }
0x1f5: {  	v51 =	vand.u32 $0xFFFF0000, v35;
	v52 =	vld [tilespmem:s25+$0x5800];
	v21 =	vadd.f32 v23, v21  }
0x1f6: {  	[tilespmem:s21+$0xD880] =	vst v48;
	v25 =	vadd.f32 $1.000000000e+00, v51  }
0x1f7: {  	v30 =	vshll.u32 v35, $0x10;
	v56 =	vld [tilespmem:s17+$0x5880];
	s19 =	rddreg [dreg:$0x4];
	v55 =	vand.u32 $0xFFFF0000, v47;
	[tilespmem:s17+$0xD800] =	vst v21  }
0x1f8: {  	v36 =	vmul.f32 v30, v36;
	v27 =	vmul.f32 v25, v49;
	v21 =	vadd.f32 $1.000000000e+00, v55;
	v28 =	vld.idx.msk [tilespmem:v50+s30+$0x0], $0xffff  }
0x1f9: {  	v20 =	vshll.u32 v47, $0x10  }
0x1fa: {  	v27 =	vadd.f32 v27, v36;
	v29 =	vmul.f32 v20, v29;
	v23 =	vmul.f32 v21, v52;
	_ =	sdelay $0x1  }
0x1fb: {  	v57 =	vld [tilespmem:s22+$0x5880];
	[tilespmem:s22+$0xD800] =	vst v27;
	v23 =	vadd.f32 v23, v29  }
0x1fc: {  	v61 =	vor.u32 $0x100, v11;
	v12 =	vld.idx.msk [tilespmem:v12+s30+$0x0], $0xffff;
	v36 =	vmul.f32 v56, v19;
	v28 =	vmul.f32 v18, v28  }
0x1fd: {  	v60 =	vld [tilespmem:s25+$0x5880];
	[tilespmem:s25+$0xD800] =	vst v23  }
0x1fe: {  	s2 =	sadd.s32 $0x30, s19;
	v26 =	vld.idx.msk [tilespmem:v26+s30+$0x0], $0xffff;
	v63 =	vadd.f32 v28, v36  }
0x1ff: {  	v53 =	vld.idx.msk [tilespmem:v37+s30+$0x0], $0xffff;
	s21 =	sor.u32 $0x100, s2  }
0x200: {  	s23 =	sadd.s32 $0x30, s20;
	v54 =	vld [tilespmem:s21+$0x5800];
	[tilespmem:s17+$0xD880] =	vst v63  }
0x201: {  	s26 =	sor.u32 $0x100, s23;
	v12 =	vmul.f32 v30, v12;
	v36 =	vmul.f32 v57, v25;
	v27 =	vld.idx.msk [tilespmem:v61+s30+$0x0], $0xffff  }
0x202: {  	v40 =	vadd.f32 v33, v34;
	v37 =	vld [tilespmem:s26+$0x5800]  }
0x203: {  	v8 =	vld.idx.msk [tilespmem:v8+s30+$0x0], $0xffff;
	v38 =	vmul.f32 v60, v21;
	v12 =	vadd.f32 v12, v36;
	v26 =	vmul.f32 v20, v26  }
0x204: {  	v39 =	vld [tilespmem:s6+$0x5800];
	v59 =	vmul.f32 v15, v53;
	[tilespmem:s8+$0xD800] =	vst v40  }
0x205: {  	v17 =	vor.u32 $0x180, v17;
	v6 =	vld.idx.msk [tilespmem:v6+s30+$0x0], $0xffff;
	v58 =	vmul.f32 v54, v14;
	[tilespmem:s22+$0xD880] =	vst v12;
	v26 =	vadd.f32 v26, v38  }
0x206: {  	v11 =	vor.u32 $0x180, v11;
	v16 =	vld.idx.msk [tilespmem:v16+s30+$0x0], $0xffff  }
0x207: {  	v62 =	vadd.f32 v59, v58;
	v41 =	vld [tilespmem:s18+$0x5800];
	[tilespmem:s25+$0xD880] =	vst v26;
	v23 =	vmul.f32 v37, v19;
	v27 =	vmul.f32 v18, v27  }
0x208: {  	v24 =	vld.idx.msk [tilespmem:v24+s30+$0x0], $0xffff  }
0x209: {  	[tilespmem:s21+$0xD800] =	vst v62;
	v42 =	vld [tilespmem:s24+$0x5800];
	v23 =	vadd.f32 v27, v23  }
0x20a: {  	v8 =	vmul.f32 v9, v8;
	s2 =	sor.u32 $0x180, s2;
	v17 =	vld.idx.msk [tilespmem:v17+s30+$0x0], $0xffff;
	v12 =	vmul.f32 v39, v10  }
0x20b: {  	v43 =	vld [tilespmem:s2+$0x5800];
	[tilespmem:s26+$0xD800] =	vst v23  }
0x20c: {  	s0 =	sor.u32 $0x180, s23;
	v8 =	vadd.f32 v8, v12;
	v45 =	vmul.f32 v30, v16;
	v46 =	vmul.f32 v41, v25;
	v11 =	vld.idx.msk [tilespmem:v11+s30+$0x0], $0xffff  }
0x20d: {  	s3 =	rddreg [dreg:$0x6];
	v47 =	vld [tilespmem:s0+$0x5800]  }
0x20e: {  	v12 =	vadd.f32 v45, v46;
	[tilespmem:s6+$0xD800] =	vst v8;
	v44 =	vld [tilespmem:s3+$0x5800];
	v48 =	vmul.f32 v20, v24;
	v49 =	vmul.f32 v42, v21  }
0x20f: {  	v7 =	vld.idx.msk [tilespmem:v7+s30+$0x0], $0xffff  }
0x210: {  	[tilespmem:s18+$0xD800] =	vst v12;
	v50 =	vld [tilespmem:s4+$0x5800];
	v16 =	vadd.f32 v48, v49  }
0x211: {  	v13 =	vld.idx.msk [tilespmem:v13+s30+$0x0], $0xffff  }
0x212: {  	v51 =	vld [tilespmem:s7+$0x5800];
	[tilespmem:s24+$0xD800] =	vst v16  }
0x213: {  	v3 =	vmul.f32 v31, v3;
	v22 =	vld.idx.msk [tilespmem:v22+s30+$0x0], $0xffff  }
0x214: {  	v52 =	vmul.f32 v43, v14;
	v53 =	vmul.f32 v15, v17;
	v54 =	vld [tilespmem:s12+$0x5800]  }
0x215: {  	v3 =	vadd.f32 v32, v3;
	v5 =	vmul.f32 v5, v6;
	v4 =	vmul.f32 v44, v4  }
0x216: {  	v55 =	vadd.f32 v53, v52;
	v8 =	vmul.f32 v47, v19;
	v11 =	vmul.f32 v18, v11  }
0x217: {  	[tilespmem:s1+$0xD800] =	vst v3;
	v56 =	vmul.f32 v9, v7;
	v57 =	vmul.f32 v50, v10;
	v3 =	vadd.f32 v5, v4  }
0x218: {  	[tilespmem:s2+$0xD800] =	vst v55;
	v58 =	vadd.f32 v11, v8;
	v59 =	vmul.f32 v30, v13;
	v60 =	vmul.f32 v51, v25  }
0x219: {  	[tilespmem:s3+$0xD800] =	vst v3;
	v3 =	vadd.f32 v56, v57;
	v61 =	vmul.f32 v20, v22;
	v62 =	vmul.f32 v54, v21  }
0x21a: {  	[tilespmem:s0+$0xD800] =	vst v58;
	v63 =	vadd.f32 v59, v60  }
0x21b: {  	[tilespmem:s4+$0xD800] =	vst v3;
	v3 =	vadd.f32 v61, v62  }
0x21c: {  	[tilespmem:s7+$0xD800] =	vst v63  }
0x21d: {  	s0 =	rddreg [dreg:$0x1a];
	[tilespmem:s12+$0xD800] =	vst v3  }
0x21e: {  	s31 =	rddreg [dreg:$0x18]  }
0x21f: {  	p1 =	sne.s32 s31, $0x1F  }
.Ltmp6:
0x220: {  	_ = 	snop;
	(pc) =	sbr.rel @p1 .LBB2_12-.Ltmp6, $4  }
0x221: {  	_ = 	snop  }
0x222: {  	s28 =	rddreg [dreg:$0x2];
	s29 =	simm.s32 $0xD800;
	s0 =	sshll.u32 s0, $0xC  }
0x223: {  	s1 =	simm.s32 $0x200;
	s2 =	simm.s32 $0x400;
	s0 =	sadd.s32 s28, s0  }
0x224: {  	[hbm4b:s0+s1] =	stream.strided.scatter [tilespmem:s29], [sflag:$0x3], $0x4000, s2, s1, $0x38;
	[tilespmem:$0x15800] =	vst v63  }
.Ltmp7:
0x225: {  	(pc) =	sbr.rel .LBB2_13-.Ltmp7, $4  }
0x226: {  	s0 =	simm.s32 $0x2  }
0x227: {  	_ =	swait.ge [sflag:s0], $0x4000  }
0x228: {  	[sflag:s0] =	ssyncset.done $0x0  }
0x229: {  	[sflag:s0] =	ssyncadd.s32 $0xFFFFC000  }
.LBB2_12:
0x22a: {  	s0 =	rddreg [dreg:$0x13]  }
0x22b: {  	s3 =	rddreg [dreg:$0x19]  }
.Ltmp8:
0x22c: {  	s31 =	simm.s32 $0x2;
	s0 =	sadd.s32 s3, s0;
	(pc) =	sbr.rel @p0 .LBB2_14-.Ltmp8, $4  }
0x22d: {  	[tilespmem:s30], [sflag:$0x1] =	stream.strided.gather [hbm4b:s0+s1], $0x4000, s2, s1, $0x38;
	[tilespmem:$0x15800] =	vst v63  }
0x22e: {  	_ =	swait.ge [sflag:s31], $0x4000  }
0x22f: {  	[sflag:s31] =	ssyncset.done $0x0  }
0x230: {  	[sflag:s31] =	ssyncadd.s32 $0xFFFFC000  }
.LBB2_13:
0x231: {  	s0 =	simm.s32 $0x4  }
0x232: {  	_ =	swait.ge [sflag:s0], $0x4000  }
0x233: {  	[sflag:s0] =	ssyncset.done $0x0  }
0x234: {  	[sflag:s0] =	ssyncadd.s32 $0xFFFFC000  }
.LBB2_14:
0x235: {  	s0 =	simm.s32 $0x5010  }
0x236: {  	v5 =	vld [tilespmem:s0+$0x0];
	_ =	sdelay $0x4  }
0x237: {  	v3 =	vshll.u32 v5, $0x2  }
0x238: {  	v4 =	vand.u32 $0x7F, v5;
	v3 =	vand.u32 $0x3FE00, v3  }
0x239: {  	v4 =	vor.u32 v4, v3  }
0x23a: {  	s1 =	simm.s32 $0x0;
	s7 =	simm.s32 $0x20;
	s3 =	simm.s32 $0x0  }
0x23b: {  	s4 =	sand.u32 $0x3E00, s3;
	s9 =	sand.u32 $0x60, s7;
	v3 =	vld [tilespmem:s1+$0x4020]  }
0x23c: {  	s6 =	sor.u32 s4, s9  }
0x23d: {  	s23 =	simm.s32 $0x9800;
	v8 =	vld [tilespmem:s6+$0x9800]  }
0x23e: {  	v7 =	vld.idx.msk [tilespmem:v4+s23+$0x0], $0xffff  }
0x23f: {  	v6 =	vld [tilespmem:s0+$0xFFFFFFF0]  }
0x240: {  	v9 =	vand.u32 $0xFFFF0000, v3  }
0x241: {  	v13 =	vadd.f32 $1.000000000e+00, v9  }
0x242: {  	v15 =	vshll.u32 v3, $0x10  }
0x243: {  	v3 =	vmul.f32 v13, v8;
	v8 =	vor.u32 $0x80, v4;
	v7 =	vmul.f32 v15, v7  }
0x244: {  	v9 =	vshll.u32 v6, $0x2  }
0x245: {  	v10 =	vand.u32 $0x7F, v6;
	v9 =	vand.u32 $0x3FE00, v9;
	v3 =	vadd.f32 v3, v7  }
0x246: {  	v7 =	vor.u32 v10, v9;
	v9 =	vld [tilespmem:s1+$0x4000]  }
0x247: {  	s1 =	simm.s32 $0x0;
	v10 =	vld [tilespmem:s6+$0x9880];
	[tilespmem:s6+$0x11800] =	vst v3  }
0x248: {  	s2 =	sand.u32 $0x40, s1;
	v8 =	vld.idx.msk [tilespmem:v8+s23+$0x0], $0xffff  }
0x249: {  	s5 =	sor.u32 s2, s4  }
0x24a: {  	v16 =	vld [tilespmem:s5+$0x9800]  }
0x24b: {  	v12 =	vld.idx.msk [tilespmem:v7+s23+$0x0], $0xffff  }
0x24c: {  	v17 =	vor.u32 $0x100, v4  }
0x24d: {  	s25 =	simm.s32 $0x5030;
	v11 =	vand.u32 $0xFFFF0000, v9;
	v10 =	vmul.f32 v10, v13;
	v8 =	vmul.f32 v15, v8  }
0x24e: {  	s3 =	sand.u32 $0x3, s3;
	v3 =	vld [tilespmem:s25+$0x0];
	v11 =	vadd.f32 $1.000000000e+00, v11  }
0x24f: {  	s3 =	sshll.u32 s3, $0x5;
	v14 =	vshll.u32 v9, $0x10;
	v8 =	vadd.f32 v8, v10  }
0x250: {  	s10 =	sadd.s32 $0x0, s3;
	v10 =	vmul.f32 v14, v12;
	v12 =	vmul.f32 v11, v16  }
0x251: {  	s26 =	sadd.s32 $0x20, s10;
	v9 =	vor.u32 $0x80, v7;
	[tilespmem:s6+$0x11880] =	vst v8  }
0x252: {  	s11 =	sor.u32 $0x100, s26;
	v10 =	vadd.f32 v12, v10;
	v12 =	vld.idx.msk [tilespmem:v17+s23+$0x0], $0xffff  }
0x253: {  	v8 =	vshll.u32 v3, $0x2;
	v17 =	vld [tilespmem:s11+$0x9800]  }
0x254: {  	v16 =	vand.u32 $0x7F, v3;
	v8 =	vand.u32 $0x3FE00, v8  }
0x255: {  	v16 =	vor.u32 v16, v8;
	v8 =	vld [tilespmem:s5+$0x9880];
	[tilespmem:s5+$0x11800] =	vst v10  }
0x256: {  	s14 =	simm.s32 $0x40;
	s29 =	simm.s32 $0x100;
	s8 =	simm.s32 $0x60;
	v9 =	vld.idx.msk [tilespmem:v9+s23+$0x0], $0xffff  }
0x257: {  	v18 =	vld [tilespmem:s14+$0x4020];
	s12 =	sand.u32 $0x60, s8;
	s3 =	sand.u32 $0x3E00, s29  }
0x258: {  	s13 =	sor.u32 s3, s12;
	v10 =	vmul.f32 v17, v13;
	v12 =	vmul.f32 v15, v12;
	v17 =	vor.u32 $0x180, v4  }
0x259: {  	v20 =	vld [tilespmem:s13+$0x9800]  }
0x25a: {  	v19 =	vld.idx.msk [tilespmem:v16+s23+$0x0], $0xffff;
	v10 =	vadd.f32 v12, v10  }
0x25b: {  	v21 =	vor.u32 $0x100, v7;
	v4 =	vld [tilespmem:s25+$0xFFFFFFF0];
	v8 =	vmul.f32 v8, v11;
	v9 =	vmul.f32 v14, v9  }
0x25c: {  	p0 =	por $0x0, $0x0;
	s0 =	simm.s32 $0x1;
	v12 =	vand.u32 $0xFFFF0000, v18;
	[tilespmem:s11+$0x11800] =	vst v10  }
0x25d: {  	s0 =	simm.s32 @!p0 $0x0;
	s15 =	sor.u32 $0x180, s26;
	v10 =	vadd.f32 $1.000000000e+00, v12;
	v8 =	vadd.f32 v9, v8;
	v17 =	vld.idx.msk [tilespmem:v17+s23+$0x0], $0xffff  }
0x25e: {  	s0 =	sshll.u32 s0, $0x6;
	v12 =	vshll.u32 v18, $0x10;
	v18 =	vld [tilespmem:s15+$0x9800]  }
0x25f: {  	s0 =	sadd.s32 $0x0, s0;
	v9 =	vmul.f32 v10, v20;
	v19 =	vmul.f32 v12, v19;
	v20 =	vor.u32 $0x80, v16;
	[tilespmem:s5+$0x11880] =	vst v8  }
0x260: {  	s16 =	sor.u32 $0x100, s0;
	v8 =	vshll.u32 v4, $0x2;
	v21 =	vld.idx.msk [tilespmem:v21+s23+$0x0], $0xffff  }
0x261: {  	v22 =	vand.u32 $0x7F, v4;
	v8 =	vand.u32 $0x3FE00, v8;
	v23 =	vld [tilespmem:s16+$0x9800];
	v19 =	vadd.f32 v9, v19  }
0x262: {  	v9 =	vor.u32 v22, v8  }
0x263: {  	s5 =	simm.s32 $0x40;
	[tilespmem:s13+$0x11800] =	vst v19;
	v13 =	vmul.f32 v18, v13;
	v15 =	vmul.f32 v15, v17;
	v18 =	vld [tilespmem:s13+$0x9880]  }
0x264: {  	s6 =	sand.u32 $0x40, s5;
	v8 =	vshrl.u32 v5, $0x10;
	v5 =	vshrl.u32 v5, $0xE;
	v17 =	vld.idx.msk [tilespmem:v20+s23+$0x0], $0xffff  }
0x265: {  	s30 =	sor.u32 s6, s3;
	v8 =	vand.u32 $0x7F, v8;
	v5 =	vand.u32 $0x3FE00, v5;
	v19 =	vld [tilespmem:s14+$0x4000];
	v13 =	vadd.f32 v15, v13  }
0x266: {  	s7 =	sand.u32 $0xF80, s7;
	s9 =	sor.u32 $0x10, s9;
	v15 =	vor.u32 v8, v5;
	v5 =	vmul.f32 v23, v11;
	v8 =	vmul.f32 v14, v21;
	v21 =	vld [tilespmem:s30+$0x9800]  }
0x267: {  	s7 =	sor.u32 s9, s7;
	v20 =	vld.idx.msk [tilespmem:v9+s23+$0x0], $0xffff;
	[tilespmem:s15+$0x11800] =	vst v13  }
0x268: {  	v7 =	vor.u32 $0x180, v7;
	v5 =	vadd.f32 v8, v5;
	v8 =	vld [tilespmem:s7+$0x4000]  }
0x269: {  	s18 =	simm.s32 $0x2;
	s19 =	sor.u32 s4, s9;
	v22 =	vor.u32 $0x100, v16;
	v18 =	vmul.f32 v18, v10;
	v17 =	vmul.f32 v12, v17  }
0x26a: {  	s20 =	sand.u32 $0x3, s18;
	v13 =	vand.u32 $0xFFFF0000, v19;
	[tilespmem:s16+$0x11800] =	vst v5;
	v5 =	vld [tilespmem:s19+$0x9800]  }
0x26b: {  	s9 =	sshll.u32 s20, $0x5;
	s21 =	sor.u32 $0x180, s0;
	v13 =	vadd.f32 $1.000000000e+00, v13;
	v23 =	vld.idx.msk [tilespmem:v15+s23+$0x0], $0xffff;
	v18 =	vadd.f32 v17, v18  }
0x26c: {  	s9 =	sadd.s32 $0x100, s9;
	v24 =	vld [tilespmem:s21+$0x9800];
	v17 =	vshll.u32 v19, $0x10  }
0x26d: {  	s22 =	sadd.s32 $0x20, s9;
	v19 =	vld.idx.msk [tilespmem:v7+s23+$0x0], $0xffff;
	v21 =	vmul.f32 v13, v21;
	v20 =	vmul.f32 v17, v20;
	v7 =	vand.u32 $0xFFFF0000, v8;
	[tilespmem:s13+$0x11880] =	vst v18  }
0x26e: {  	s24 =	sor.u32 $0x100, s22;
	v18 =	vor.u32 $0x80, v9;
	v7 =	vadd.f32 $1.000000000e+00, v7;
	v22 =	vld.idx.msk [tilespmem:v22+s23+$0x0], $0xffff  }
0x26f: {  	v8 =	vshll.u32 v8, $0x10;
	v20 =	vadd.f32 v21, v20;
	v21 =	vld [tilespmem:s24+$0x9800]  }
0x270: {  	v23 =	vmul.f32 v8, v23;
	v5 =	vmul.f32 v7, v5  }
0x271: {  	s17 =	simm.s32 $0x5050;
	v26 =	vld [tilespmem:s30+$0x9880];
	v25 =	vor.u32 $0x80, v15  }
0x272: {  	v11 =	vmul.f32 v24, v11;
	[tilespmem:s30+$0x11800] =	vst v20;
	v14 =	vmul.f32 v14, v19;
	v20 =	vadd.f32 v5, v23;
	v5 =	vld [tilespmem:s17+$0x0]  }
0x273: {  	v27 =	vshrl.u32 v6, $0x10;
	v6 =	vshrl.u32 v6, $0xE;
	v16 =	vor.u32 $0x180, v16;
	v18 =	vld.idx.msk [tilespmem:v18+s23+$0x0], $0xffff  }
0x274: {  	v11 =	vadd.f32 v14, v11;
	v19 =	vmul.f32 v21, v10;
	[tilespmem:s19+$0x11800] =	vst v20;
	v20 =	vmul.f32 v12, v22  }
0x275: {  	v6 =	vand.u32 $0x3FE00, v6;
	v14 =	vld [tilespmem:s19+$0x9880];
	v21 =	vand.u32 $0x7F, v27  }
0x276: {  	s1 =	sand.u32 $0xF80, s1;
	s25 =	sor.u32 $0x10, s2;
	v6 =	vor.u32 v21, v6;
	[tilespmem:s21+$0x11800] =	vst v11;
	v11 =	vld [tilespmem:s17+$0xFFFFFFF0];
	v19 =	vadd.f32 v20, v19  }
0x277: {  	s1 =	sor.u32 s25, s1;
	v22 =	vld.idx.msk [tilespmem:v25+s23+$0x0], $0xffff  }
0x278: {  	v23 =	vmul.f32 v26, v13;
	v25 =	vld [tilespmem:s1+$0x4000];
	v20 =	vshll.u32 v5, $0x2;
	v18 =	vmul.f32 v17, v18;
	[tilespmem:s24+$0x11800] =	vst v19  }
0x279: {  	s11 =	simm.s32 $0xA0;
	s15 =	sor.u32 $0x180, s22;
	v21 =	vor.u32 $0x100, v9;
	v24 =	vand.u32 $0x7F, v5;
	v20 =	vand.u32 $0x3FE00, v20;
	v19 =	vld.idx.msk [tilespmem:v16+s23+$0x0], $0xffff  }
0x27a: {  	p0 =	por !p0, !p0;
	s18 =	sand.u32 $0x60, s11;
	s22 =	simm.s32 $0x200;
	v20 =	vor.u32 v24, v20;
	v16 =	vadd.f32 v18, v23;
	v18 =	vld [tilespmem:s15+$0x9800]  }
0x27b: {  	s2 =	sand.u32 $0x3E00, s22;
	s21 =	simm.s32 $0x80;
	s1 =	simm.s32 $0x1;
	v26 =	vld.idx.msk [tilespmem:v6+s23+$0x0], $0xffff  }
0x27c: {  	s1 =	simm.s32 @!p0 $0x0;
	v14 =	vmul.f32 v14, v7;
	s24 =	sor.u32 s2, s18;
	v24 =	vld [tilespmem:s21+$0x4020];
	[tilespmem:s30+$0x11880] =	vst v16;
	v16 =	vmul.f32 v8, v22;
	v22 =	vor.u32 $0x100, v15  }
0x27d: {  	s1 =	sshll.u32 s1, $0x6;
	v23 =	vshll.u32 v11, $0x2;
	v29 =	vld [tilespmem:s24+$0x9800]  }
0x27e: {  	s1 =	sadd.s32 $0x100, s1;
	v23 =	vand.u32 $0x3FE00, v23;
	v27 =	vld.idx.msk [tilespmem:v21+s23+$0x0], $0xffff;
	v21 =	vand.u32 $0x7F, v11;
	v14 =	vadd.f32 v16, v14  }
0x27f: {  	s26 =	sor.u32 $0x100, s1;
	v16 =	vor.u32 v21, v23;
	v21 =	vshrl.u32 v3, $0x10;
	v28 =	vld.idx.msk [tilespmem:v20+s23+$0x0], $0xffff  }
0x280: {  	v3 =	vshrl.u32 v3, $0xE;
	v10 =	vmul.f32 v18, v10;
	v12 =	vmul.f32 v12, v19;
	v18 =	vld [tilespmem:s26+$0x9800];
	[tilespmem:s19+$0x11880] =	vst v14  }
0x281: {  	s10 =	sadd.s32 $0x30, s10;
	v3 =	vand.u32 $0x3FE00, v3;
	v14 =	vand.u32 $0x7F, v21;
	v19 =	vld.idx.msk [tilespmem:v22+s23+$0x0], $0xffff  }
0x282: {  	v21 =	vand.u32 $0xFFFF0000, v24;
	v10 =	vadd.f32 v12, v10;
	v22 =	vor.u32 v14, v3;
	v3 =	vld [tilespmem:s21+$0x4000];
	s21 =	sor.u32 $0x100, s10  }
0x283: {  	s29 =	sand.u32 $0xF80, s8;
	s7 =	simm.s32 $0x80;
	s19 =	sor.u32 $0x10, s12;
	v21 =	vadd.f32 $1.000000000e+00, v21;
	v33 =	vld [tilespmem:s21+$0x9800]  }
0x284: {  	s8 =	sand.u32 $0x40, s7;
	v23 =	vshll.u32 v24, $0x10;
	s30 =	sor.u32 s19, s29;
	v30 =	vld.idx.msk [tilespmem:v16+s23+$0x0], $0xffff;
	[tilespmem:s15+$0x11800] =	vst v10  }
0x285: {  	s12 =	sor.u32 s8, s2;
	v14 =	vor.u32 $0x80, v20;
	v10 =	vmul.f32 v21, v29;
	v12 =	vmul.f32 v23, v28;
	v24 =	vld [tilespmem:s30+$0x4000]  }
0x286: {  	v31 =	vor.u32 $0x180, v9;
	s20 =	sor.u32 s3, s19;
	v28 =	vld [tilespmem:s12+$0x9800]  }
0x287: {  	v32 =	vld [tilespmem:s20+$0x9800];
	v9 =	vmul.f32 v18, v13;
	v18 =	vmul.f32 v17, v27;
	v10 =	vadd.f32 v10, v12  }
0x288: {  	v15 =	vor.u32 $0x180, v15;
	v29 =	vld.idx.msk [tilespmem:v22+s23+$0x0], $0xffff  }
0x289: {  	v38 =	vld [tilespmem:s12+$0x9880];
	v27 =	vor.u32 $0x80, v16;
	v12 =	vand.u32 $0xFFFF0000, v3;
	v18 =	vadd.f32 v18, v9;
	[tilespmem:s24+$0x11800] =	vst v10  }
0x28a: {  	v19 =	vmul.f32 v8, v19;
	v12 =	vadd.f32 $1.000000000e+00, v12;
	v34 =	vld.idx.msk [tilespmem:v14+s23+$0x0], $0xffff;
	v10 =	vand.u32 $0xFFFF0000, v24  }
0x28b: {  	s15 =	sor.u32 s4, s25;
	v33 =	vmul.f32 v33, v7;
	v14 =	vshll.u32 v3, $0x10;
	v3 =	vld [tilespmem:s24+$0x9880];
	v9 =	vadd.f32 $1.000000000e+00, v10  }
0x28c: {  	v35 =	vld [tilespmem:s15+$0x9800];
	v28 =	vmul.f32 v12, v28;
	v30 =	vmul.f32 v14, v30;
	v10 =	vshll.u32 v24, $0x10  }
0x28d: {  	v51 =	vld [tilespmem:s20+$0x9880];
	[tilespmem:s26+$0x11800] =	vst v18;
	v19 =	vadd.f32 v19, v33;
	v29 =	vmul.f32 v10, v29;
	v32 =	vmul.f32 v9, v32  }
0x28e: {  	s22 =	sor.u32 $0x180, s1;
	v36 =	vor.u32 $0x80, v22;
	v18 =	vadd.f32 v28, v30;
	v28 =	vld.idx.msk [tilespmem:v31+s23+$0x0], $0xffff  }
0x28f: {  	v37 =	vand.u32 $0xFFFF0000, v25;
	v50 =	vor.u32 $0x100, v20;
	[tilespmem:s21+$0x11800] =	vst v19;
	v30 =	vld [tilespmem:s22+$0x9800];
	v29 =	vadd.f32 v32, v29  }
0x290: {  	s25 =	simm.s32 $0x4;
	v15 =	vld.idx.msk [tilespmem:v15+s23+$0x0], $0xffff;
	[tilespmem:s12+$0x11800] =	vst v18;
	v31 =	vmul.f32 v3, v21;
	v49 =	vmul.f32 v23, v34;
	v3 =	vadd.f32 $1.000000000e+00, v37  }
0x291: {  	s4 =	sand.u32 $0x3, s25;
	v18 =	vshll.u32 v25, $0x10;
	v27 =	vld.idx.msk [tilespmem:v27+s23+$0x0], $0xffff  }
0x292: {  	s4 =	sshll.u32 s4, $0x5;
	v24 =	vld [tilespmem:s15+$0x9880];
	v26 =	vmul.f32 v18, v26;
	[tilespmem:s20+$0x11800] =	vst v29;
	v25 =	vadd.f32 v49, v31;
	v19 =	vmul.f32 v3, v35  }
0x293: {  	v39 =	vor.u32 $0x80, v6;
	s13 =	sadd.s32 $0x200, s4;
	s4 =	sor.u32 $0x180, s10;
	v29 =	vshrl.u32 v4, $0x10;
	v31 =	vld.idx.msk [tilespmem:v36+s23+$0x0], $0xffff  }
0x294: {  	s26 =	sadd.s32 $0x20, s13;
	v4 =	vshrl.u32 v4, $0xE;
	v29 =	vand.u32 $0x7F, v29;
	[tilespmem:s24+$0x11880] =	vst v25;
	v25 =	vadd.f32 v19, v26;
	v19 =	vld [tilespmem:s4+$0x9800]  }
0x295: {  	s29 =	sor.u32 $0x100, s26;
	v4 =	vand.u32 $0x3FE00, v4;
	v13 =	vmul.f32 v30, v13;
	v26 =	vmul.f32 v17, v28;
	v28 =	vld.idx.msk [tilespmem:v50+s23+$0x0], $0xffff  }
0x296: {  	v17 =	vor.u32 v29, v4;
	s24 =	simm.s32 $0x5070;
	v4 =	vld [tilespmem:s29+$0x9800]  }
0x297: {  	v53 =	vor.u32 $0x180, v20;
	v20 =	vld [tilespmem:s24+$0xFFFFFFF0];
	[tilespmem:s15+$0x11800] =	vst v25;
	v13 =	vadd.f32 v26, v13  }
0x298: {  	s5 =	sand.u32 $0xF80, s5;
	s30 =	sor.u32 $0x10, s6;
	v25 =	vmul.f32 v38, v12;
	v26 =	vmul.f32 v14, v27;
	v29 =	vld.idx.msk [tilespmem:v39+s23+$0x0], $0xffff  }
0x299: {  	v52 =	vor.u32 $0x100, v22;
	s5 =	sor.u32 s30, s5;
	[tilespmem:s22+$0x11800] =	vst v13;
	v13 =	vld [tilespmem:s24+$0x0]  }
0x29a: {  	v30 =	vmul.f32 v51, v9;
	v31 =	vmul.f32 v10, v31;
	v25 =	vadd.f32 v26, v25;
	s22 =	sor.u32 $0x180, s26;
	s26 =	simm.s32 $0xC0;
	v26 =	vld [tilespmem:s5+$0x4000]  }
0x29b: {  	s25 =	sadd.s32 $0x30, s9;
	s9 =	sor.u32 s3, s30;
	v58 =	vld [tilespmem:s26+$0x4020];
	v4 =	vmul.f32 v4, v21;
	v28 =	vmul.f32 v23, v28  }
0x29c: {  	v59 =	vld [tilespmem:s9+$0x9800];
	v30 =	vadd.f32 v31, v30  }
0x29d: {  	v41 =	vld [tilespmem:s26+$0x4000];
	[tilespmem:s12+$0x11880] =	vst v25;
	v4 =	vadd.f32 v28, v4  }
0x29e: {  	v27 =	vor.u32 $0x100, v16;
	v31 =	vld.idx.msk [tilespmem:v17+s23+$0x0], $0xffff;
	[tilespmem:s20+$0x11880] =	vst v30;
	v28 =	vshll.u32 v13, $0x2  }
0x29f: {  	p0 =	por !p0, !p0;
	s5 =	simm.s32 $0x1;
	v25 =	vld.idx.msk [tilespmem:v52+s23+$0x0], $0xffff;
	v30 =	vand.u32 $0x7F, v13;
	v28 =	vand.u32 $0x3FE00, v28;
	[tilespmem:s29+$0x11800] =	vst v4  }
0x2a0: {  	s3 =	simm.s32 $0xE0;
	s5 =	simm.s32 @!p0 $0x0;
	v28 =	vor.u32 v30, v28;
	v4 =	vld.idx.msk [tilespmem:v53+s23+$0x0], $0xffff  }
0x2a1: {  	s21 =	sor.u32 $0x100, s25;
	s5 =	sshll.u32 s5, $0x6;
	s29 =	simm.s32 $0x300;
	v55 =	vld [tilespmem:s22+$0x9800]  }
0x2a2: {  	s14 =	sand.u32 $0x60, s3;
	v22 =	vor.u32 $0x180, v22;
	v45 =	vmul.f32 v24, v3;
	s6 =	sadd.s32 $0x200, s5;
	v29 =	vmul.f32 v18, v29;
	v54 =	vld [tilespmem:s21+$0x9800];
	s5 =	sand.u32 $0x3E00, s29  }
0x2a3: {  	v37 =	vor.u32 $0x100, v6;
	v57 =	vand.u32 $0x7F, v20;
	v27 =	vld.idx.msk [tilespmem:v27+s23+$0x0], $0xffff;
	v30 =	vshll.u32 v20, $0x2;
	s30 =	sor.u32 s5, s14  }
0x2a4: {  	s10 =	simm.s32 $0xC0;
	v42 =	vand.u32 $0xFFFF0000, v58;
	v29 =	vadd.f32 v29, v45;
	v30 =	vand.u32 $0x3FE00, v30;
	v40 =	vld [tilespmem:s30+$0x9800]  }
0x2a5: {  	s12 =	sand.u32 $0x40, s10;
	s20 =	sor.u32 $0x100, s6;
	v30 =	vor.u32 v57, v30;
	v60 =	vmul.f32 v10, v25;
	v25 =	vshrl.u32 v5, $0x10;
	v61 =	vld.idx.msk [tilespmem:v28+s23+$0x0], $0xffff  }
0x2a6: {  	v56 =	vld [tilespmem:s20+$0x9800];
	s16 =	sor.u32 s12, s5;
	v5 =	vshrl.u32 v5, $0xE;
	v33 =	vmul.f32 v55, v21;
	v4 =	vmul.f32 v23, v4  }
0x2a7: {  	v43 =	vld [tilespmem:s16+$0x9800];
	v32 =	vmul.f32 v54, v9;
	v5 =	vand.u32 $0x3FE00, v5;
	v23 =	vand.u32 $0x7F, v25  }
0x2a8: {  	[tilespmem:s15+$0x11880] =	vst v29;
	v46 =	vld [tilespmem:s30+$0x9880];
	v25 =	vor.u32 v23, v5;
	v23 =	vadd.f32 $1.000000000e+00, v42;
	v4 =	vadd.f32 v4, v33  }
0x2a9: {  	s11 =	sand.u32 $0xF80, s11;
	s18 =	sor.u32 $0x10, s18;
	v48 =	vor.u32 $0x180, v16;
	v16 =	vshll.u32 v58, $0x10;
	v37 =	vld.idx.msk [tilespmem:v37+s23+$0x0], $0xffff;
	v5 =	vadd.f32 v60, v32  }
0x2aa: {  	s11 =	sor.u32 s18, s11;
	v51 =	vor.u32 $0x80, v28;
	v63 =	vld.idx.msk [tilespmem:v30+s23+$0x0], $0xffff;
	v50 =	vmul.f32 v23, v40;
	[tilespmem:s22+$0x11800] =	vst v4;
	v39 =	vmul.f32 v16, v61  }
0x2ab: {  	v49 =	vand.u32 $0xFFFF0000, v26;
	v34 =	vmul.f32 v56, v12;
	[tilespmem:s21+$0x11800] =	vst v5;
	v44 =	vld [tilespmem:s11+$0x4000]  }
0x2ac: {  	v5 =	vshll.u32 v26, $0x10;
	s21 =	sor.u32 s2, s18;
	v32 =	vld.idx.msk [tilespmem:v22+s23+$0x0], $0xffff;
	v22 =	vmul.f32 v14, v27;
	v36 =	vadd.f32 v50, v39  }
0x2ad: {  	v62 =	vor.u32 $0x80, v17;
	v4 =	vadd.f32 $1.000000000e+00, v49;
	v24 =	vmul.f32 v5, v31;
	v31 =	vld [tilespmem:s21+$0x9800]  }
0x2ae: {  	v55 =	vor.u32 $0x80, v30;
	v60 =	vshrl.u32 v11, $0x10;
	v52 =	vld.idx.msk [tilespmem:v25+s23+$0x0], $0xffff;
	v22 =	vadd.f32 v22, v34;
	[tilespmem:s30+$0x11800] =	vst v36  }
0x2af: {  	v11 =	vshrl.u32 v11, $0xE;
	v26 =	vand.u32 $0xFFFF0000, v41;
	v38 =	vmul.f32 v4, v59;
	v40 =	vld.idx.msk [tilespmem:v51+s23+$0x0], $0xffff  }
0x2b0: {  	v21 =	vld [tilespmem:s9+$0x9880];
	v58 =	vor.u32 $0x80, v25;
	v26 =	vadd.f32 $1.000000000e+00, v26;
	[tilespmem:s20+$0x11800] =	vst v22;
	v54 =	vand.u32 $0xFFFF0000, v44  }
0x2b1: {  	s24 =	sor.u32 $0x180, s6;
	v27 =	vshll.u32 v41, $0x10;
	v38 =	vadd.f32 v38, v24;
	v56 =	vld.idx.msk [tilespmem:v48+s23+$0x0], $0xffff;
	v22 =	vadd.f32 $1.000000000e+00, v54  }
0x2b2: {  	s11 =	sor.u32 $0x180, s25;
	v53 =	vmul.f32 v26, v43;
	v35 =	vmul.f32 v27, v63;
	v57 =	vld [tilespmem:s24+$0x9800];
	v24 =	vshll.u32 v44, $0x10  }
0x2b3: {  	v11 =	vand.u32 $0x3FE00, v11;
	v34 =	vld [tilespmem:s11+$0x9800];
	[tilespmem:s9+$0x11800] =	vst v38;
	v39 =	vmul.f32 v24, v52;
	v31 =	vmul.f32 v22, v31  }
0x2b4: {  	v35 =	vadd.f32 v53, v35;
	v61 =	vld.idx.msk [tilespmem:v62+s23+$0x0], $0xffff;
	v62 =	vmul.f32 v46, v23;
	v63 =	vmul.f32 v16, v40  }
0x2b5: {  	s25 =	simm.s32 $0x6;
	v59 =	vld [tilespmem:s16+$0x9880];
	v43 =	vor.u32 $0x100, v28;
	v38 =	vand.u32 $0x7F, v60;
	v31 =	vadd.f32 v31, v39  }
0x2b6: {  	s15 =	sand.u32 $0x3, s25;
	s20 =	sadd.s32 $0x10, s0;
	[tilespmem:s16+$0x11800] =	vst v35;
	v47 =	vor.u32 v38, v11;
	v11 =	vld [tilespmem:s21+$0x9880];
	v33 =	vadd.f32 v63, v62  }
0x2b7: {  	s26 =	sshll.u32 s15, $0x5;
	s18 =	sor.u32 $0x100, s20;
	v29 =	vld.idx.msk [tilespmem:v55+s23+$0x0], $0xffff;
	v12 =	vmul.f32 v57, v12;
	[tilespmem:s21+$0x11800] =	vst v31;
	v31 =	vmul.f32 v14, v56  }
0x2b8: {  	s0 =	sadd.s32 $0x300, s26;
	v14 =	vld [tilespmem:s18+$0x9800];
	[tilespmem:s30+$0x11880] =	vst v33  }
0x2b9: {  	v46 =	vld.idx.msk [tilespmem:v58+s23+$0x0], $0xffff;
	v12 =	vadd.f32 v31, v12;
	[dreg:$0x5] =	wrdreg s0;
	s0 =	sadd.s32 $0x20, s0  }
0x2ba: {  	s7 =	sand.u32 $0xF80, s7;
	s29 =	sor.u32 $0x10, s8;
	s30 =	sor.u32 $0x100, s0;
	v48 =	vld.idx.msk [tilespmem:v43+s23+$0x0], $0xffff  }
0x2bb: {  	v15 =	vmul.f32 v8, v15;
	s7 =	sor.u32 s29, s7;
	v42 =	vor.u32 $0x180, v30;
	[tilespmem:s24+$0x11800] =	vst v12;
	v12 =	vld [tilespmem:s30+$0x9800]  }
0x2bc: {  	v49 =	vor.u32 $0x100, v30;
	v10 =	vmul.f32 v10, v32;
	v9 =	vmul.f32 v34, v9;
	v51 =	vld [tilespmem:s7+$0x4000]  }
0x2bd: {  	v28 =	vor.u32 $0x180, v28;
	v29 =	vmul.f32 v27, v29;
	v31 =	vmul.f32 v59, v26;
	s24 =	simm.s32 $0x5090;
	v41 =	vld.idx.msk [tilespmem:v47+s23+$0x0], $0xffff  }
0x2be: {  	v53 =	vor.u32 $0x100, v25;
	v52 =	vmul.f32 v11, v22;
	v11 =	vld [tilespmem:s24+$0x0];
	v35 =	vmul.f32 v24, v46  }
0x2bf: {  	s15 =	sor.u32 s2, s29;
	v50 =	vadd.f32 v29, v31;
	v29 =	vor.u32 $0x180, v6;
	v31 =	vor.u32 $0x100, v17;
	v33 =	vld [tilespmem:s24+$0xFFFFFFF0]  }
0x2c0: {  	v6 =	vor.u32 $0x180, v17;
	v17 =	vmul.f32 v19, v7;
	v58 =	vld [tilespmem:s15+$0x9800];
	v19 =	vadd.f32 v35, v52  }
0x2c1: {  	s29 =	simm.s32 $0x100;
	v38 =	vor.u32 $0x80, v47;
	v34 =	vld [tilespmem:s15+$0x9880];
	v54 =	vmul.f32 v16, v48;
	v12 =	vmul.f32 v12, v23  }
0x2c2: {  	s13 =	sadd.s32 $0x30, s13;
	v8 =	vor.u32 $0x100, v47;
	v7 =	vor.u32 $0x180, v47;
	v47 =	vld [tilespmem:s29+$0x4000];
	v15 =	vadd.f32 v15, v17;
	[tilespmem:s21+$0x11880] =	vst v19  }
0x2c3: {  	p0 =	por !p0, !p0;
	s8 =	simm.s32 $0x1;
	s25 =	sor.u32 $0x100, s13;
	v19 =	vshrl.u32 v20, $0x10;
	v30 =	vshll.u32 v11, $0x2;
	v17 =	vld.idx.msk [tilespmem:v53+s23+$0x0], $0xffff;
	v12 =	vadd.f32 v54, v12  }
0x2c4: {  	s8 =	simm.s32 @!p0 $0x0;
	[tilespmem:s16+$0x11880] =	vst v50;
	v56 =	vld [tilespmem:s25+$0x9800];
	v57 =	vand.u32 $0x7F, v19;
	v19 =	vand.u32 $0x7F, v11;
	v30 =	vand.u32 $0x3FE00, v30  }
0x2c5: {  	s8 =	sshll.u32 s8, $0x6;
	v21 =	vmul.f32 v21, v4;
	v39 =	vld.idx.msk [tilespmem:v49+s23+$0x0], $0xffff;
	v19 =	vor.u32 v19, v30;
	[tilespmem:s30+$0x11800] =	vst v12  }
0x2c6: {  	s22 =	sadd.s32 $0x300, s8;
	v25 =	vor.u32 $0x180, v25;
	s0 =	sor.u32 $0x180, s0;
	v35 =	vadd.f32 v10, v9;
	v20 =	vshrl.u32 v20, $0xE;
	v28 =	vld.idx.msk [tilespmem:v28+s23+$0x0], $0xffff  }
0x2c7: {  	s28 =	simm.s32 $0x120;
	s8 =	sor.u32 $0x100, s22;
	v9 =	vmul.f32 v5, v61;
	v12 =	vand.u32 $0x3FE00, v20;
	v20 =	vshll.u32 v33, $0x2;
	v59 =	vld [tilespmem:s0+$0x9800]  }
0x2c8: {  	s2 =	simm.s32 $0x400;
	v55 =	vld [tilespmem:s8+$0x9800];
	s30 =	sand.u32 $0x60, s28;
	v30 =	vor.u32 v57, v12;
	v12 =	vand.u32 $0x7F, v33;
	v20 =	vand.u32 $0x3FE00, v20  }
0x2c9: {  	s26 =	sand.u32 $0x3E00, s2;
	s16 =	simm.s32 $0x100;
	v32 =	vor.u32 v12, v20;
	v20 =	vld [tilespmem:s29+$0x4020];
	v60 =	vmul.f32 v56, v22;
	v17 =	vmul.f32 v24, v17;
	[dreg:$0x8] =	wrdreg s30  }
0x2ca: {  	s24 =	sand.u32 $0x40, s16;
	v10 =	vshrl.u32 v13, $0x10;
	v13 =	vshrl.u32 v13, $0xE;
	v52 =	vand.u32 $0xFFFF0000, v51;
	s19 =	sor.u32 s26, s30;
	v61 =	vld.idx.msk [tilespmem:v19+s23+$0x0], $0xffff  }
0x2cb: {  	v49 =	vor.u32 $0x80, v19;
	v12 =	vor.u32 $0x80, v30;
	s29 =	sor.u32 s24, s26;
	v62 =	vld [tilespmem:s19+$0x9800];
	v17 =	vadd.f32 v17, v60  }
0x2cc: {  	v53 =	vld [tilespmem:s29+$0x9800];
	v57 =	vor.u32 $0x80, v32;
	v23 =	vmul.f32 v59, v23;
	v16 =	vmul.f32 v16, v28  }
0x2cd: {  	v28 =	vadd.f32 v9, v21;
	v9 =	vand.u32 $0x7F, v10;
	v10 =	vand.u32 $0x3FE00, v13;
	[tilespmem:s25+$0x11800] =	vst v17;
	v59 =	vld [tilespmem:s19+$0x9880]  }
0x2ce: {  	v13 =	vmul.f32 v18, v37;
	v63 =	vld.idx.msk [tilespmem:v32+s23+$0x0], $0xffff;
	v17 =	vor.u32 v9, v10;
	v16 =	vadd.f32 v16, v23  }
0x2cf: {  	s3 =	sand.u32 $0xF80, s3;
	s7 =	sor.u32 $0x10, s14;
	s30 =	sor.u32 $0x180, s13;
	[tilespmem:s4+$0x11800] =	vst v15;
	v21 =	vmul.f32 v55, v26;
	v37 =	vld.idx.msk [tilespmem:v25+s23+$0x0], $0xffff;
	v25 =	vmul.f32 v27, v39;
	v10 =	vand.u32 $0xFFFF0000, v20  }
0x2d0: {  	s14 =	sor.u32 s7, s3;
	v15 =	vmul.f32 v14, v3;
	v36 =	vld [tilespmem:s30+$0x9800];
	v9 =	vshll.u32 v51, $0x10;
	v23 =	vadd.f32 $1.000000000e+00, v10;
	[tilespmem:s0+$0x11800] =	vst v16  }
0x2d1: {  	s21 =	sor.u32 s5, s7;
	v10 =	vadd.f32 $1.000000000e+00, v52;
	v16 =	vadd.f32 v25, v21;
	v25 =	vshll.u32 v20, $0x10;
	v54 =	vld [tilespmem:s14+$0x4000]  }
0x2d2: {  	v20 =	vand.u32 $0xFFFF0000, v47;
	v46 =	vmul.f32 v23, v62;
	v45 =	vmul.f32 v25, v61;
	v56 =	vld [tilespmem:s21+$0x9800]  }
0x2d3: {  	v41 =	vmul.f32 v9, v41;
	v60 =	vadd.f32 v13, v15;
	v20 =	vadd.f32 $1.000000000e+00, v20;
	v50 =	vld.idx.msk [tilespmem:v17+s23+$0x0], $0xffff;
	[tilespmem:s8+$0x11800] =	vst v16  }
0x2d4: {  	v21 =	vshll.u32 v47, $0x10;
	s14 =	sor.u32 $0x180, s22;
	v16 =	vmul.f32 v10, v58;
	v55 =	vadd.f32 v46, v45;
	v42 =	vld.idx.msk [tilespmem:v42+s23+$0x0], $0xffff  }
0x2d5: {  	v13 =	vor.u32 $0x180, v30;
	v43 =	vmul.f32 v21, v63;
	v40 =	vmul.f32 v20, v53;
	v58 =	vld [tilespmem:s14+$0x9800]  }
0x2d6: {  	v48 =	vld [tilespmem:s29+$0x9880];
	s4 =	simm.s32 $0x9800;
	v52 =	vmul.f32 v59, v23;
	v41 =	vadd.f32 v16, v41;
	[tilespmem:s19+$0x11800] =	vst v55;
	v14 =	vand.u32 $0xFFFF0000, v54  }
0x2d7: {  	s17 =	sadd.s32 $0x10, s1;
	[tilespmem:s9+$0x11880] =	vst v28;
	v63 =	vor.u32 $0x80, v17;
	v40 =	vadd.f32 v40, v43;
	v49 =	vld.idx.msk [tilespmem:v49+s4+$0x0], $0xffff;
	v14 =	vadd.f32 $1.000000000e+00, v14  }
0x2d8: {  	p0 =	por !p0, !p0;
	s1 =	sadd.s32 $0x10, s22;
	s3 =	sor.u32 $0x180, s20;
	v51 =	vld.idx.msk [tilespmem:v31+s4+$0x0], $0xffff;
	v22 =	vmul.f32 v36, v22;
	v24 =	vmul.f32 v24, v37;
	[tilespmem:s15+$0x11800] =	vst v41;
	v15 =	vshll.u32 v54, $0x10  }
0x2d9: {  	s25 =	sand.u32 $0xF80, s10;
	s10 =	sor.u32 $0x10, s12;
	s12 =	simm.s32 $0x1;
	v55 =	vor.u32 $0x100, v19;
	[tilespmem:s29+$0x11800] =	vst v40;
	v62 =	vmul.f32 v15, v50;
	v38 =	vld.idx.msk [tilespmem:v38+s4+$0x0], $0xffff;
	v61 =	vmul.f32 v14, v56  }
0x2da: {  	s7 =	sor.u32 $0x180, s17;
	s12 =	simm.s32 @!p0 $0x0;
	s8 =	sor.u32 $0x100, s17;
	v50 =	vshrl.u32 v33, $0x10;
	v46 =	vld.idx.msk [tilespmem:v57+s4+$0x0], $0xffff;
	v27 =	vmul.f32 v27, v42;
	v26 =	vmul.f32 v58, v26  }
0x2db: {  	s13 =	sor.u32 $0x180, s1;
	s9 =	simm.s32 $0x8;
	s12 =	sshll.u32 s12, $0x6;
	v53 =	vld [tilespmem:s8+$0x9800];
	v33 =	vshrl.u32 v33, $0xE;
	v31 =	vand.u32 $0x7F, v50;
	v39 =	vadd.f32 v61, v62  }
0x2dc: {  	s0 =	sor.u32 s10, s25;
	[tilespmem:s18+$0x11800] =	vst v60;
	s10 =	sor.u32 s5, s10;
	s18 =	sor.u32 $0x100, s1;
	v59 =	vld [tilespmem:s21+$0x9880];
	v33 =	vand.u32 $0x3FE00, v33;
	v26 =	vadd.f32 v27, v26;
	v54 =	vmul.f32 v25, v49  }
0x2dd: {  	v28 =	vor.u32 $0x100, v32;
	s25 =	simm.s32 $0x8;
	s22 =	sadd.s32 $0x400, s12;
	s17 =	sand.u32 $0x3, s9;
	v58 =	vmul.f32 v34, v10;
	v56 =	vld.idx.msk [tilespmem:v29+s4+$0x0], $0xffff;
	v29 =	vor.u32 v31, v33;
	[tilespmem:s21+$0x11800] =	vst v39  }
0x2de: {  	s12 =	sand.u32 $0xF80, s16;
	v37 =	vor.u32 $0x100, v17;
	s23 =	sadd.s32 $0x10, s6;
	s1 =	sshll.u32 s17, $0x5;
	v60 =	vmul.f32 v9, v38;
	[tilespmem:s14+$0x11800] =	vst v26;
	v31 =	vadd.f32 v54, v52;
	v57 =	vld.idx.msk [tilespmem:v63+s4+$0x0], $0xffff  }
0x2df: {  	[tilespmem:s11+$0x11800] =	vst v35;
	s5 =	sor.u32 $0x180, s22;
	s20 =	sor.u32 $0x100, s23;
	v22 =	vadd.f32 v24, v22;
	s31 =	sadd.s32 $0x400, s1;
	v61 =	vmul.f32 v48, v20;
	v62 =	vmul.f32 v21, v46;
	v35 =	vld [tilespmem:s0+$0x4000]  }
0x2e0: {  	v16 =	vor.u32 $0x100, v30;
	s6 =	sor.u32 $0x180, s23;
	s23 =	sor.u32 $0x100, s22;
	s16 =	sadd.s32 $0x20, s31;
	v34 =	vmul.f32 v53, v4;
	v63 =	vadd.f32 v60, v58;
	[tilespmem:s19+$0x11880] =	vst v31;
	v31 =	vld [tilespmem:s3+$0x9800]  }
0x2e1: {  	[tilespmem:s30+$0x11800] =	vst v22;
	s17 =	sor.u32 $0x100, s16;
	v33 =	vmul.f32 v5, v51;
	v27 =	vor.u32 $0x180, v32;
	s14 =	sadd.s32 $0x10, s22;
	s22 =	sor.u32 $0x10, s24;
	v36 =	vadd.f32 v62, v61;
	v38 =	vld.idx.msk [tilespmem:v55+s4+$0x0], $0xffff  }
0x2e2: {  	v24 =	vor.u32 $0x100, v29;
	v22 =	vor.u32 $0x180, v29;
	s24 =	sor.u32 s22, s12;
	s11 =	sor.u32 $0x100, s14;
	s12 =	sor.u32 $0x180, s14;
	v32 =	vmul.f32 v18, v56;
	[tilespmem:s15+$0x11880] =	vst v63;
	v40 =	vld [tilespmem:s17+$0x9800]  }
0x2e3: {  	v26 =	vor.u32 $0x80, v29;
	s14 =	simm.s32 $0x120;
	s19 =	sor.u32 s26, s22;
	s15 =	simm.s32 $0x50B0;
	[tilespmem:s29+$0x11880] =	vst v36;
	v36 =	vld.idx.msk [tilespmem:v30+s4+$0x0], $0xffff;
	v30 =	vmul.f32 v59, v14;
	v39 =	vmul.f32 v15, v57  }
.LBB2_15:
0x2e4: {  	v41 =	vld [tilespmem:s15+$0x0];
	v33 =	vadd.f32 v33, v34  }
0x2e5: {  	v18 =	vmovc v29;
	v29 =	vld [tilespmem:s15+$0xFFFFFFF0];
	v31 =	vmul.f32 v31, v3;
	v3 =	vmovc v4;
	v4 =	vmov v10;
	v10 =	vadd.f32 v39, v30  }
0x2e6: {  	v28 =	vld.idx.msk [tilespmem:v28+s4+$0x0], $0xffff;
	v46 =	vor.u32 $0x180, v19;
	s30 =	rddreg [dreg:$0x5];
	[tilespmem:s8+$0x11800] =	vst v33  }
0x2e7: {  	[dreg:$0xc] =	wrdreg s19;
	s0 =	smov.u32 s20;
	[tilespmem:s21+$0x11880] =	vst v10;
	s21 =	sadd.s32 $0x30, s30;
	v31 =	vadd.f32 v32, v31;
	v45 =	vmul.f32 v40, v23;
	v38 =	vmul.f32 v25, v38;
	v33 =	vld [tilespmem:s23+$0x9800]  }
0x2e8: {  	s29 =	smov.u32 s18;
	s1 =	smov.u32 s31;
	v19 =	vand.u32 $0xFFFF0000, v35;
	s31 =	sor.u32 $0x100, s21;
	v48 =	vld.idx.msk [tilespmem:v37+s4+$0x0], $0xffff  }
0x2e9: {  	s22 =	smov.u32 s7;
	s18 =	smov.u32 s6;
	s7 =	smov.u32 s13;
	v30 =	vshll.u32 v35, $0x10;
	v10 =	vadd.f32 $1.000000000e+00, v19;
	v49 =	vld [tilespmem:s31+$0x9800];
	[tilespmem:s3+$0x11800] =	vst v31;
	v47 =	vadd.f32 v38, v45  }
0x2ea: {  	p0 =	por !p0, !p0;
	s2 =	sadd.s32 $0x100, s2;
	s28 =	sadd.s32 $0x40, s28;
	v19 =	vshll.u32 v41, $0x2;
	v31 =	vshll.u32 v29, $0x2;
	v50 =	vand.u32 $0x7F, v41;
	v51 =	vld [tilespmem:s10+$0x9800]  }
0x2eb: {  	s13 =	simm.s32 $0x9800;
	[dreg:$0xb] =	wrdreg s0;
	s0 =	simm.s32 $0x1;
	v53 =	vand.u32 $0x7F, v29;
	v55 =	vmul.f32 v21, v28;
	v19 =	vand.u32 $0x3FE00, v19;
	v43 =	vld [tilespmem:s10+$0x9880];
	[tilespmem:s17+$0x11800] =	vst v47  }
0x2ec: {  	[dreg:$0x9] =	wrdreg s29;
	s0 =	simm.s32 @!p0 $0x0;
	v31 =	vand.u32 $0x3FE00, v31;
	v45 =	vor.u32 $0x180, v17;
	v19 =	vor.u32 v50, v19;
	s17 =	sor.u32 $0x180, s16;
	v54 =	vld.idx.msk [tilespmem:v46+s4+$0x0], $0xffff  }
0x2ed: {  	s19 =	sadd.s32 $0xFFFFFFE0, s28;
	s0 =	sshll.u32 s0, $0x6;
	v17 =	vshrl.u32 v29, $0x10;
	v31 =	vor.u32 v53, v31;
	s16 =	sshra.s32 s2, $0x2;
	v33 =	vmul.f32 v33, v20;
	v56 =	vld [tilespmem:s17+$0x9800]  }
0x2ee: {  	v59 =	vshrl.u32 v11, $0xE;
	v35 =	vmul.f32 v30, v36;
	s6 =	sadd.s32 s2, s0;
	s0 =	sand.u32 $0x3E00, s2;
	v57 =	vand.u32 $0x7F, v17;
	v44 =	vld [tilespmem:s16+$0x4020];
	s4 =	sand.u32 $0x60, s28  }
0x2ef: {  	[dreg:$0x5] =	wrdreg s1;
	s29 =	sand.u32 $0x40, s19;
	v34 =	vmul.f32 v15, v48;
	v46 =	vld [tilespmem:s16+$0x4000];
	v36 =	vmul.f32 v49, v14;
	s16 =	sor.u32 s0, s4;
	v33 =	vadd.f32 v55, v33  }
0x2f0: {  	s8 =	smov.u32 s11;
	s3 =	smov.u32 s26;
	s26 =	smov.u32 s12;
	v17 =	vshrl.u32 v11, $0x10;
	v40 =	vor.u32 $0x80, v31;
	v28 =	vor.u32 $0x100, v31;
	v58 =	vld [tilespmem:s16+$0x9800]  }
0x2f1: {  	s1 =	sor.u32 $0x100, s6;
	s20 =	sor.u32 $0x180, s6;
	s12 =	sand.u32 $0xF80, s19;
	v42 =	vor.u32 $0x180, v31;
	v17 =	vand.u32 $0x7F, v17;
	v47 =	vld.idx.msk [tilespmem:v19+s13+$0x0], $0xffff;
	v34 =	vadd.f32 v34, v36;
	[tilespmem:s23+$0x11800] =	vst v33  }
0x2f2: {  	s30 =	sor.u32 s29, s0;
	s6 =	sadd.s32 $0x10, s6;
	s29 =	sor.u32 $0x10, s29;
	v33 =	vand.u32 $0x3FE00, v59;
	v23 =	vmul.f32 v56, v23;
	v25 =	vmul.f32 v25, v54;
	v31 =	vld.idx.msk [tilespmem:v31+s13+$0x0], $0xffff  }
0x2f3: {  	s19 =	sor.u32 s29, s12;
	s11 =	sor.u32 $0x100, s6;
	s12 =	sor.u32 $0x180, s6;
	v17 =	vor.u32 v17, v33;
	v63 =	vld [tilespmem:s30+$0x9800]  }
0x2f4: {  	s6 =	sor.u32 $0x180, s21;
	s21 =	rddreg [dreg:$0x8];
	s23 =	smov.u32 s1;
	[tilespmem:s31+$0x11800] =	vst v34;
	v60 =	vand.u32 $0xFFFF0000, v44;
	v55 =	vld [tilespmem:s30+$0x9880];
	v37 =	vadd.f32 v25, v23  }
0x2f5: {  	v29 =	vshrl.u32 v29, $0xE;
	s1 =	sor.u32 $0x10, s21;
	v61 =	vld.idx.msk [tilespmem:v45+s13+$0x0], $0xffff;
	s13 =	smov.u32 s26;
	s26 =	sand.u32 $0xF80, s14;
	v25 =	vand.u32 $0xFFFF0000, v46;
	v23 =	vadd.f32 $1.000000000e+00, v60  }
0x2f6: {  	v11 =	vmovc v41;
	v29 =	vand.u32 $0x3FE00, v29;
	v62 =	vld [tilespmem:s6+$0x9800];
	v41 =	vadd.f32 $1.000000000e+00, v25;
	v25 =	vshll.u32 v44, $0x10;
	[tilespmem:s17+$0x11800] =	vst v37;
	s17 =	sor.u32 s1, s26  }
0x2f7: {  	v53 =	vor.u32 $0x80, v19;
	s26 =	smov.u32 s4;
	s4 =	simm.s32 $0x9800;
	v36 =	vmul.f32 v23, v58;
	v52 =	vmul.f32 v25, v47;
	v54 =	vld [tilespmem:s17+$0x4000]  }
0x2f8: {  	v29 =	vor.u32 v57, v29;
	v32 =	vmul.f32 v10, v51;
	v39 =	vshll.u32 v46, $0x10;
	s21 =	sor.u32 s3, s1;
	v57 =	vld.idx.msk [tilespmem:v17+s4+$0x0], $0xffff  }
0x2f9: {  	v31 =	vmul.f32 v39, v31;
	v49 =	vld [tilespmem:s21+$0x9800];
	v58 =	vmul.f32 v41, v63;
	v36 =	vadd.f32 v36, v52  }
0x2fa: {  	v32 =	vadd.f32 v32, v35;
	v60 =	vld.idx.msk [tilespmem:v27+s4+$0x0], $0xffff  }
0x2fb: {  	v63 =	vld [tilespmem:s16+$0x9880];
	v14 =	vmul.f32 v62, v14;
	v15 =	vmul.f32 v15, v61;
	v31 =	vadd.f32 v58, v31;
	[tilespmem:s16+$0x11800] =	vst v36  }
0x2fc: {  	[tilespmem:s10+$0x11800] =	vst v32;
	v36 =	vld.idx.msk [tilespmem:v53+s4+$0x0], $0xffff;
	v61 =	vand.u32 $0xFFFF0000, v54  }
0x2fd: {  	v50 =	vld [tilespmem:s5+$0x9800];
	v62 =	vadd.f32 v15, v14;
	[tilespmem:s30+$0x11800] =	vst v31;
	v14 =	vadd.f32 $1.000000000e+00, v61  }
0x2fe: {  	v43 =	vmul.f32 v43, v10;
	v56 =	vor.u32 $0x80, v29;
	v27 =	vmovc v42;
	v15 =	vshll.u32 v54, $0x10;
	v53 =	vld.idx.msk [tilespmem:v12+s4+$0x0], $0xffff  }
0x2ff: {  	v52 =	vor.u32 $0x80, v17;
	[tilespmem:s6+$0x11800] =	vst v62;
	s6 =	smov.u32 s7;
	v40 =	vld.idx.msk [tilespmem:v40+s4+$0x0], $0xffff;
	v51 =	vmul.f32 v15, v57;
	v31 =	vmul.f32 v14, v49  }
0x300: {  	v42 =	vmul.f32 v55, v41;
	v55 =	vor.u32 $0x100, v19;
	s7 =	smov.u32 s18;
	s18 =	smov.u32 s8;
	s8 =	rddreg [dreg:$0xb];
	v12 =	vmovc v26;
	v35 =	vmul.f32 v21, v60;
	v54 =	vld.idx.msk [tilespmem:v8+s4+$0x0], $0xffff  }
0x301: {  	v26 =	vmovc v56;
	v33 =	vmul.f32 v63, v23;
	v56 =	vld [tilespmem:s8+$0x9800];
	v36 =	vmul.f32 v25, v36;
	v31 =	vadd.f32 v31, v51  }
0x302: {  	s25 =	sadd.s32 $0x2, s25;
	s9 =	sadd.s32 $0x2, s9;
	v59 =	vor.u32 $0x180, v29;
	v21 =	vmovc v39;
	v38 =	vmul.f32 v50, v20;
	v57 =	vld.idx.msk [tilespmem:v6+s4+$0x0], $0xffff;
	v6 =	vmovc v7;
	v7 =	vmov v13  }
0x303: {  	p1 =	slt.u32 s25, $0x7E;
	s29 =	sor.u32 s0, s29;
	s17 =	sand.u32 $0x3, s9;
	v13 =	vmovc v22;
	v22 =	vmov v59;
	v59 =	vld [tilespmem:s21+$0x9880];
	v60 =	vmul.f32 v30, v53;
	[tilespmem:s21+$0x11800] =	vst v31;
	v31 =	vadd.f32 v36, v33  }
0x304: {  	[dreg:$0x8] =	wrdreg s26;
	s26 =	smov.u32 s0;
	s0 =	sshll.u32 s17, $0x5;
	v58 =	vadd.f32 v35, v38;
	v61 =	vmul.f32 v21, v40;
	v37 =	vld.idx.msk [tilespmem:v52+s4+$0x0], $0xffff  }
.Ltmp9:
0x305: {  	s31 =	sadd.s32 s2, s0;
	v62 =	vadd.f32 v60, v43;
	[tilespmem:s16+$0x11880] =	vst v31;
	v31 =	vld [tilespmem:s22+$0x9800];
	(pc) =	sbr.rel @p1 .LBB2_15-.Ltmp9, $4  }
0x306: {  	s15 =	sadd.s32 $0x20, s15;
	v48 =	vor.u32 $0x100, v29;
	v63 =	vadd.f32 v61, v42;
	s16 =	sadd.s32 $0x20, s31;
	[tilespmem:s5+$0x11800] =	vst v58;
	v38 =	vld.idx.msk [tilespmem:v55+s4+$0x0], $0xffff  }
0x307: {  	v8 =	vmovc v16;
	v16 =	vmov v24;
	v24 =	vmov v48;
	v34 =	vmul.f32 v56, v4;
	s5 =	smov.u32 s20;
	s20 =	rddreg [dreg:$0x9];
	s17 =	sor.u32 $0x100, s16;
	v35 =	vld [tilespmem:s24+$0x4000];
	[tilespmem:s10+$0x11880] =	vst v62  }
0x308: {  	s3 =	smov.u32 s22;
	s14 =	smov.u32 s28;
	v20 =	vmovc v41;
	v32 =	vmul.f32 v5, v57;
	v5 =	vmov v9;
	v33 =	vmul.f32 v9, v54;
	s22 =	rddreg [dreg:$0xc];
	v40 =	vld [tilespmem:s17+$0x9800];
	[tilespmem:s30+$0x11880] =	vst v63  }
0x309: {  	v9 =	vmovc v30;
	v30 =	vmul.f32 v59, v14;
	s24 =	smov.u32 s19;
	s10 =	smov.u32 s22;
	s19 =	smov.u32 s29;
	v36 =	vld.idx.msk [tilespmem:v18+s4+$0x0], $0xffff;
	v39 =	vmul.f32 v15, v37;
	v37 =	vor.u32 $0x100, v17  }
0x30a: {  	_ =	sdelay $0x3  }
0x30b: {  	v18 =	vld.idx.msk [tilespmem:v28+s4+$0x0], $0xffff;
	v19 =	vor.u32 $0x180, v19;
	v38 =	vmul.f32 v25, v38;
	v58 =	vmul.f32 v40, v23  }
0x30c: {  	v59 =	vld [tilespmem:s23+$0x9800]  }
0x30d: {  	v28 =	vadd.f32 v38, v58;
	_ =	sdelay $0x1  }
0x30e: {  	[tilespmem:s17+$0x11800] =	vst v28  }
0x30f: {  	s0 =	sor.u32 $0x180, s16;
	v19 =	vld.idx.msk [tilespmem:v19+s4+$0x0], $0xffff  }
0x310: {  	v60 =	vmul.f32 v59, v20;
	v18 =	vmul.f32 v21, v18;
	v61 =	vld [tilespmem:s0+$0x9800];
	_ =	sdelay $0x1  }
0x311: {  	v18 =	vadd.f32 v18, v60;
	_ =	sdelay $0x1  }
0x312: {  	v62 =	vshrl.u32 v11, $0x10;
	[tilespmem:s23+$0x11800] =	vst v18  }
0x313: {  	v28 =	vshrl.u32 v11, $0xE;
	v38 =	vld.idx.msk [tilespmem:v27+s4+$0x0], $0xffff;
	v63 =	vmul.f32 v61, v23;
	v19 =	vmul.f32 v25, v19  }
0x314: {  	v11 =	vand.u32 $0x3FE00, v28;
	v18 =	vand.u32 $0x7F, v62;
	v40 =	vld [tilespmem:s5+$0x9800]  }
0x315: {  	v11 =	vor.u32 v18, v11;
	s1 =	rddreg [dreg:$0x8];
	v19 =	vadd.f32 v19, v63  }
0x316: {  	s2 =	sand.u32 $0xF80, s14;
	s1 =	sor.u32 $0x10, s1  }
0x317: {  	s22 =	sor.u32 s1, s2;
	[tilespmem:s0+$0x11800] =	vst v19  }
0x318: {  	v41 =	vld [tilespmem:s22+$0x4000]  }
0x319: {  	v42 =	vmul.f32 v21, v38;
	v43 =	vmul.f32 v40, v20  }
0x31a: {  	s23 =	sor.u32 s26, s1;
	v44 =	vld.idx.msk [tilespmem:v11+s4+$0x0], $0xffff  }
0x31b: {  	v19 =	vadd.f32 v42, v43;
	v45 =	vld [tilespmem:s23+$0x9800];
	_ =	sdelay $0x1  }
0x31c: {  	[tilespmem:s5+$0x11800] =	vst v19;
	v46 =	vand.u32 $0xFFFF0000, v41  }
0x31d: {  	v47 =	vld [tilespmem:s24+$0x4000];
	v19 =	vadd.f32 $1.000000000e+00, v46  }
0x31e: {  	v49 =	vld [tilespmem:s10+$0x9800];
	v18 =	vshll.u32 v41, $0x10  }
0x31f: {  	v29 =	vld.idx.msk [tilespmem:v29+s4+$0x0], $0xffff;
	v21 =	vmul.f32 v18, v44;
	v23 =	vmul.f32 v19, v45  }
0x320: {  	v48 =	vadd.f32 v39, v30;
	v51 =	vand.u32 $0xFFFF0000, v35;
	v52 =	vld [tilespmem:s19+$0x9800]  }
0x321: {  	v50 =	vor.u32 $0x80, v11;
	v25 =	vadd.f32 $1.000000000e+00, v51;
	v21 =	vadd.f32 v23, v21  }
0x322: {  	v30 =	vshll.u32 v35, $0x10;
	[tilespmem:s21+$0x11880] =	vst v48;
	v55 =	vand.u32 $0xFFFF0000, v47  }
0x323: {  	v36 =	vmul.f32 v30, v36;
	v27 =	vmul.f32 v25, v49;
	s25 =	rddreg [dreg:$0x5];
	[tilespmem:s23+$0x11800] =	vst v21;
	v21 =	vadd.f32 $1.000000000e+00, v55  }
0x324: {  	v20 =	vshll.u32 v47, $0x10  }
0x325: {  	v27 =	vadd.f32 v27, v36;
	v56 =	vld [tilespmem:s23+$0x9880];
	v29 =	vmul.f32 v20, v29;
	v23 =	vmul.f32 v21, v52  }
0x326: {  	v28 =	vld.idx.msk [tilespmem:v50+s4+$0x0], $0xffff  }
0x327: {  	v57 =	vld [tilespmem:s10+$0x9880];
	[tilespmem:s10+$0x11800] =	vst v27;
	v23 =	vadd.f32 v23, v29  }
0x328: {  	v12 =	vld.idx.msk [tilespmem:v12+s4+$0x0], $0xffff  }
0x329: {  	v60 =	vld [tilespmem:s19+$0x9880];
	[tilespmem:s19+$0x11800] =	vst v23  }
0x32a: {  	v61 =	vor.u32 $0x100, v11;
	v26 =	vld.idx.msk [tilespmem:v26+s4+$0x0], $0xffff  }
0x32b: {  	v8 =	vld.idx.msk [tilespmem:v8+s4+$0x0], $0xffff;
	v40 =	vadd.f32 v33, v34;
	s1 =	sadd.s32 $0x30, s25;
	v36 =	vmul.f32 v56, v19;
	v28 =	vmul.f32 v18, v28  }
0x32c: {  	v53 =	vld.idx.msk [tilespmem:v37+s4+$0x0], $0xffff;
	s26 =	sor.u32 $0x100, s1  }
0x32d: {  	[tilespmem:s8+$0x11800] =	vst v40;
	v54 =	vld [tilespmem:s26+$0x9800];
	v12 =	vmul.f32 v30, v12;
	v63 =	vadd.f32 v28, v36;
	v36 =	vmul.f32 v57, v25  }
0x32e: {  	v6 =	vld.idx.msk [tilespmem:v6+s4+$0x0], $0xffff  }
0x32f: {  	s28 =	sadd.s32 $0x30, s31;
	v39 =	vld [tilespmem:s20+$0x9800];
	v38 =	vmul.f32 v60, v21;
	[tilespmem:s23+$0x11880] =	vst v63;
	v12 =	vadd.f32 v12, v36;
	v26 =	vmul.f32 v20, v26  }
0x330: {  	s29 =	sor.u32 $0x100, s28;
	v27 =	vld.idx.msk [tilespmem:v61+s4+$0x0], $0xffff  }
0x331: {  	v37 =	vld [tilespmem:s29+$0x9800];
	[tilespmem:s10+$0x11880] =	vst v12;
	v26 =	vadd.f32 v26, v38  }
0x332: {  	v17 =	vor.u32 $0x180, v17;
	v59 =	vmul.f32 v15, v53;
	v58 =	vmul.f32 v54, v14;
	v16 =	vld.idx.msk [tilespmem:v16+s4+$0x0], $0xffff  }
0x333: {  	v41 =	vld [tilespmem:s18+$0x9800];
	[tilespmem:s19+$0x11880] =	vst v26  }
0x334: {  	v8 =	vmul.f32 v9, v8;
	v62 =	vadd.f32 v59, v58;
	v12 =	vmul.f32 v39, v10;
	v24 =	vld.idx.msk [tilespmem:v24+s4+$0x0], $0xffff  }
0x335: {  	v11 =	vor.u32 $0x180, v11;
	v42 =	vld [tilespmem:s11+$0x9800]  }
0x336: {  	v44 =	vld [tilespmem:s7+$0x9800];
	[tilespmem:s26+$0x11800] =	vst v62;
	v8 =	vadd.f32 v8, v12;
	v23 =	vmul.f32 v37, v19;
	v27 =	vmul.f32 v18, v27  }
0x337: {  	s1 =	sor.u32 $0x180, s1;
	v17 =	vld.idx.msk [tilespmem:v17+s4+$0x0], $0xffff  }
0x338: {  	v43 =	vld [tilespmem:s1+$0x9800];
	[tilespmem:s20+$0x11800] =	vst v8;
	v23 =	vadd.f32 v27, v23;
	v45 =	vmul.f32 v30, v16;
	v46 =	vmul.f32 v41, v25  }
0x339: {  	v7 =	vld.idx.msk [tilespmem:v7+s4+$0x0], $0xffff  }
0x33a: {  	v50 =	vld [tilespmem:s6+$0x9800];
	[tilespmem:s29+$0x11800] =	vst v23;
	v12 =	vadd.f32 v45, v46;
	v48 =	vmul.f32 v20, v24;
	v49 =	vmul.f32 v42, v21  }
0x33b: {  	s0 =	sor.u32 $0x180, s28;
	v11 =	vld.idx.msk [tilespmem:v11+s4+$0x0], $0xffff  }
0x33c: {  	v47 =	vld [tilespmem:s0+$0x9800];
	[tilespmem:s18+$0x11800] =	vst v12;
	v16 =	vadd.f32 v48, v49  }
0x33d: {  	v3 =	vmul.f32 v31, v3;
	v13 =	vld.idx.msk [tilespmem:v13+s4+$0x0], $0xffff  }
0x33e: {  	v51 =	vld [tilespmem:s13+$0x9800];
	[tilespmem:s11+$0x11800] =	vst v16  }
0x33f: {  	v3 =	vadd.f32 v32, v3;
	v5 =	vmul.f32 v5, v6;
	v4 =	vmul.f32 v44, v4;
	v22 =	vld.idx.msk [tilespmem:v22+s4+$0x0], $0xffff  }
0x340: {  	v52 =	vmul.f32 v43, v14;
	v53 =	vmul.f32 v15, v17;
	v54 =	vld [tilespmem:s12+$0x9800]  }
0x341: {  	[tilespmem:s3+$0x11800] =	vst v3;
	v3 =	vadd.f32 v5, v4;
	v56 =	vmul.f32 v9, v7;
	v57 =	vmul.f32 v50, v10  }
0x342: {  	v55 =	vadd.f32 v53, v52;
	v8 =	vmul.f32 v47, v19;
	v11 =	vmul.f32 v18, v11  }
0x343: {  	[tilespmem:s7+$0x11800] =	vst v3;
	v3 =	vadd.f32 v56, v57;
	v59 =	vmul.f32 v30, v13;
	v60 =	vmul.f32 v51, v25  }
0x344: {  	[tilespmem:s1+$0x11800] =	vst v55;
	v58 =	vadd.f32 v11, v8  }
0x345: {  	[tilespmem:s6+$0x11800] =	vst v3;
	v63 =	vadd.f32 v59, v60;
	v61 =	vmul.f32 v20, v22;
	v62 =	vmul.f32 v54, v21  }
0x346: {  	[tilespmem:s0+$0x11800] =	vst v58  }
0x347: {  	[tilespmem:s13+$0x11800] =	vst v63;
	v3 =	vadd.f32 v61, v62  }
0x348: {  	s0 =	rddreg [dreg:$0xe]  }
0x349: {  	s5 =	rddreg [dreg:$0x19];
	[tilespmem:s12+$0x11800] =	vst v3  }
0x34a: {  	s31 =	rddreg [dreg:$0x18]  }
0x34b: {  	p0 =	seq.s32 s31, $0x1F  }
.Ltmp10:
0x34c: {  	_ = 	snop;
	(pc) =	sbr.rel @p0 .LBB2_18-.Ltmp10, $4  }
0x34d: {  	_ = 	snop  }
0x34e: {  	s30 =	simm.s32 $0x11800;
	s0 =	sor.u32 s5, s0;
	s1 =	rddreg [dreg:$0x14]  }
0x34f: {  	s2 =	simm.s32 $0x400;
	s0 =	sadd.s32 s0, s1;
	s1 =	simm.s32 $0x200  }
0x350: {  	[hbm4b:s0+s1] =	stream.strided.scatter [tilespmem:s30], [sflag:$0x4], $0x4000, s2, s1, $0x38;
	[tilespmem:$0x15800] =	vst v63  }
.Ltmp11:
0x351: {  	(pc) =	sbr.rel .LBB2_8-.Ltmp11, $4  }
0x352: {  	_ = 	snop  }
0x353: {  	s0 =	rddreg [dreg:$0x15];
	s31 =	sadd.s32 $0x1, s31  }
0x354: {  	s30 =	simm.s32 $0x5800;
	s10 =	simm.s32 $0x0;
	s0 =	sadd.s32 s5, s0  }
0x355: {  	[tilespmem:s4], [sflag:$0x2] =	stream.strided.gather [hbm4b:s0+s1], $0x4000, s2, s1, $0x38;
	[tilespmem:$0x15800] =	vst v63  }
.LBB2_19:
0x356: {  	_ =	sfence.sel $0x180000  }
0x357: {  	[bflag:$0x0] =	sbarrier.arrive $0xFFFF  }
0x358: {  	_ =	strace $0x90000047  }
0x359: {  	s0 =	stileid.u32;
	[bflag:$0x2] =	sbarrier.arrive $0xFFFF  }
0x35a: {  	p0 =	sne.s32 s0, $0x0;
	s0 =	rddreg [dreg:$0x3]  }
0x35b: {  	s0 =	sadd.s32 @!p0 $0x100000, s0  }
0x35c: {  	[sflag:s0] =	ssyncadd.tile.s32 @!p0 $0x1;
	_ =	shalt  }
.Lfunc_end2:
_tile_overlayer_lowered:
.L_overlay_start_2:
0x35d: {  	(tag) =	ssettag $0x2  }
0x35e: {  	s0 =	rddreg [dreg:$0x0];
	s2 =	stileid.u32  }
0x35f: {  	s1 =	rddreg [dreg:$0x1];
	p0 =	sne.s32 s2, $0x0  }
0x360: {  	s3 =	rddreg [dreg:$0x2];
	[bflag:$0x3] =	sbarrier.arrive $0xFFFF;
	s2 =	simm.s32 @!p0 $0x1C05  }
0x361: {  	[timem:s3], [sflag:s2] =	dma.local @!p0 [hbm:s0], s1  }
0x362: {  	s0 =	simm.s32 @!p0 $0x5  }
0x363: {  	_ =	swait.ge @!p0 [sflag:s0], s1  }
0x364: {  	s1 =	ssub.s32 @!p0 $0x0, s1;
	[sflag:s0] =	ssyncset.done @!p0 $0x0  }
0x365: {  	[sflag:s0] =	ssyncadd.s32 @!p0 s1  }
0x366: {  	[bflag:$0x3] =	sbarrier.arrive $0xFFFF  }
0x367: {  	_ =	shalt  }

</sc_bundles>
